<compile_context>
chip_gen: v7x
topology: tpu7x:2x2x1
jax: 0.10.2.dev20260603
libtpu: 0.0.44.dev20260713+nightly
codegen_flags: <defaults>
</compile_context>

<pallas_src>
import functools

import jax
import jax.numpy as jnp
from jax import lax
from jax.experimental import pallas as pl
from jax.experimental.pallas import tpu as pltpu
from jax.experimental.pallas import tpu_sc as plsc

N = 10000
E = 320000
D = 128

NC = 2
NS = 16
NW = NC * NS
C = 128
NBUF = 2
K = 80
EPAD = NW * K * C
NPAD = 10112
RZ = NPAD // NS


NIB = 4


def _segment_sum_sc(x, pk, zeros):
  mesh = plsc.VectorSubcoreMesh(core_axis_name="c", subcore_axis_name="s")

  @functools.partial(
      pl.kernel,
      mesh=mesh,
      out_type=jax.ShapeDtypeStruct((NC, NPAD, D), jnp.float32),
      scratch_types=[
          pltpu.VMEM((K, C), jnp.int32),
          pltpu.VMEM((NBUF, C), jnp.int32),
          pltpu.VMEM((NBUF, C), jnp.int32),
          [pltpu.VMEM((C, D), jnp.float32)] * NBUF,
          pltpu.VMEM_SHARED((NPAD, D), jnp.float32),
          [pltpu.SemaphoreType.DMA] * NBUF,
          [pltpu.SemaphoreType.DMA] * NBUF,
      ],
  )
  def seg_kernel(x_hbm, pk_hbm, zero_hbm, out_hbm,
                 pk_v, srcb_v, dstb_v, rows, acc_sh, gsems, ssems):
    cid = lax.axis_index("c")
    sid = lax.axis_index("s")
    wid = sid * NC + cid

    pltpu.sync_copy(zero_hbm.at[pl.ds(sid * RZ, RZ)],
                    acc_sh.at[pl.ds(sid * RZ, RZ)])
    pltpu.sync_copy(pk_hbm.at[wid], pk_v)

    def unpack(k, b):
      for i in range(C // 16):
        v = pk_v[k, pl.ds(i * 16, 16)]
        srcb_v[b, pl.ds(i * 16, 16)] = lax.bitwise_and(v, 16383)
        dstb_v[b, pl.ds(i * 16, 16)] = lax.shift_right_logical(v, 14)


    unpack(0, 0)
    pltpu.async_copy(x_hbm.at[srcb_v.at[0]], rows[0], gsems[0])
    unpack(1, 1)
    pltpu.async_copy(x_hbm.at[srcb_v.at[1]], rows[1], gsems[1])
    pltpu.make_async_copy(x_hbm.at[srcb_v.at[0]], rows[0], gsems[0]).wait()
    plsc.subcore_barrier()
    pltpu.async_copy(rows[0], acc_sh.at[dstb_v.at[0]], ssems[0], add=True)

    @pl.loop(1, K - 1, step=NBUF)
    def _(k):
      for b in range(NBUF):
        kb = k + b
        j = (1 + b) % NBUF
        jn = (j + 1) % NBUF
        pltpu.make_async_copy(rows[jn], acc_sh.at[dstb_v.at[jn]],
                              ssems[jn]).wait()
        unpack(kb + 1, jn)
        pltpu.async_copy(x_hbm.at[srcb_v.at[jn]], rows[jn], gsems[jn])
        pltpu.make_async_copy(x_hbm.at[srcb_v.at[j]], rows[j],
                              gsems[j]).wait()
        pltpu.async_copy(rows[j], acc_sh.at[dstb_v.at[j]], ssems[j],
                         add=True)

    jl = (K - 1) % NBUF
    pltpu.make_async_copy(x_hbm.at[srcb_v.at[jl]], rows[jl],
                          gsems[jl]).wait()
    pltpu.async_copy(rows[jl], acc_sh.at[dstb_v.at[jl]], ssems[jl],
                     add=True)
    for j in range(NBUF):
      pltpu.make_async_copy(rows[j], acc_sh.at[dstb_v.at[j]],
                            ssems[j]).wait()

    plsc.subcore_barrier()
    pltpu.sync_copy(acc_sh.at[pl.ds(sid * RZ, RZ)],
                    out_hbm.at[cid].at[pl.ds(sid * RZ, RZ)])

  return seg_kernel(x, pk, zeros)


BN = 2000


def _combine_tc(parts, x, w_rel, b_rel, w_root):

  def body(p0_ref, p1_ref, x_ref, wrel_ref, wroot_ref, b_ref, o_ref):
    agg = p0_ref[0] + p1_ref[0]
    dn = (((1,), (1,)), ((), ()))
    rel = lax.dot_general(agg, wrel_ref[...], dn,
                          preferred_element_type=jnp.float32)
    root = lax.dot_general(x_ref[...], wroot_ref[...], dn,
                           preferred_element_type=jnp.float32)
    o_ref[...] = rel + root + b_ref[...]

  return pl.pallas_call(
      body,
      grid=(N // BN,),
      in_specs=[
          pl.BlockSpec((1, BN, D), lambda i: (0, i, 0)),
          pl.BlockSpec((1, BN, D), lambda i: (1, i, 0)),
          pl.BlockSpec((BN, D), lambda i: (i, 0)),
          pl.BlockSpec((D, D), lambda i: (0, 0)),
          pl.BlockSpec((D, D), lambda i: (0, 0)),
          pl.BlockSpec((D,), lambda i: (0,)),
      ],
      out_specs=pl.BlockSpec((BN, D), lambda i: (i, 0)),
      out_shape=jax.ShapeDtypeStruct((N, D), jnp.float32),
  )(parts, parts, x, w_rel, w_root, b_rel)


def kernel(x, edge_index, W1_rel, b1_rel, W1_root, W2_rel, b2_rel, W2_root):
  src = edge_index[0]
  dst = edge_index[1]
  pad = EPAD - E
  pad_iota = jnp.arange(pad, dtype=jnp.int32)
  srcs = jnp.concatenate([src, pad_iota % N])
  dsts = jnp.concatenate([dst, N + pad_iota % (NPAD - N)])
  pk = (srcs | (dsts << 14)).reshape(NW, K, C)
  zeros = jnp.zeros((NPAD, D), jnp.float32)

  p1 = _segment_sum_sc(x, pk, zeros)
  h = _combine_tc(p1, x, W1_rel, b1_rel, W1_root)
  p2 = _segment_sum_sc(h, pk, zeros)
  return _combine_tc(p2, h, W2_rel, b2_rel, W2_root)

# --- scband reference (transcript-rebuilt; emitter-appended) ---
"""Pipeline reference for scband-graph-conv-encoder-22428319219806 (READ-ONLY COPY).

The authoritative reference and input builder live on the scoring server;
editing this copy changes nothing except your own understanding.
"""

import jax, jax.numpy as jnp
import numpy as np

N = 10000
E = 320000
D = 128


def setup_inputs(seed: int = 0) -> dict:
    key = jax.random.key(seed)
    ks = jax.random.split(key, 9)
    x = jax.random.normal(ks[0], (N, D), dtype=jnp.float32)
    edge_index = jax.random.randint(ks[1], (2, E), 0, N, dtype=jnp.int32)
    s = 1.0 / np.sqrt(D)
    # PyG GraphConv params: lin_rel (weight+bias, applied to aggregated neighbors),
    # lin_root (weight only, applied to self features). Two layers.
    W1_rel = jax.random.uniform(ks[2], (D, D), dtype=jnp.float32, minval=-s, maxval=s)
    b1_rel = jax.random.uniform(ks[3], (D,), dtype=jnp.float32, minval=-s, maxval=s)
    W1_root = jax.random.uniform(ks[4], (D, D), dtype=jnp.float32, minval=-s, maxval=s)
    W2_rel = jax.random.uniform(ks[5], (D, D), dtype=jnp.float32, minval=-s, maxval=s)
    b2_rel = jax.random.uniform(ks[6], (D,), dtype=jnp.float32, minval=-s, maxval=s)
    W2_root = jax.random.uniform(ks[7], (D, D), dtype=jnp.float32, minval=-s, maxval=s)
    return {"x": x, "edge_index": edge_index,
            "W1_rel": W1_rel, "b1_rel": b1_rel, "W1_root": W1_root,
            "W2_rel": W2_rel, "b2_rel": b2_rel, "W2_root": W2_root}


def _graph_conv(x, edge_index, W_rel, b_rel, W_root):
    # PyG GraphConv (aggr='add'): out_i = W_rel @ (sum_{j in N(i)} x_j) + b_rel + W_root @ x_i
    src = edge_index[0]
    dst = edge_index[1]
    msgs = jnp.take(x, src, axis=0)            # gather  [E, D]
    agg = jax.ops.segment_sum(msgs, dst, num_segments=N)  # scatter-add [N, D]
    return agg @ W_rel.T + b_rel + x @ W_root.T


def reference(x, edge_index, W1_rel, b1_rel, W1_root, W2_rel, b2_rel, W2_root):
    h = _graph_conv(x, edge_index, W1_rel, b1_rel, W1_root)
    out = _graph_conv(h, edge_index, W2_rel, b2_rel, W2_root)
    return out

if __name__ == "__main__":
    import jax
    _d = setup_inputs()
    print(jax.jit(kernel)(*tuple(_d.values())))

</pallas_src>

<mosaic_0001>
#map = affine_map<(d0, d1) -> (0, 0)>
#map1 = affine_map<(d0, d1) -> (0, 0, 0)>
module attributes {stable_mosaic.version = 14 : i64} {
  func.func @seg_kernel(%arg0: i32, %arg1: i32, %arg2: memref<10000x128xf32, #tpu.memory_space<hbm>>, %arg3: memref<32x80x128xi32, #tpu.memory_space<hbm>>, %arg4: memref<10112x128xf32, #tpu.memory_space<hbm>>, %arg5: memref<2x10112x128xf32, #tpu.memory_space<hbm>>, %arg6: memref<80x128xi32, #tpu.memory_space<vmem>>, %arg7: memref<2x128xi32, #tpu.memory_space<vmem>>, %arg8: memref<2x128xi32, #tpu.memory_space<vmem>>, %arg9: memref<128x128xf32, #tpu.memory_space<vmem>>, %arg10: memref<128x128xf32, #tpu.memory_space<vmem>>, %arg11: memref<10112x128xf32, #tpu.memory_space<vmem_shared>>, %arg12: memref<!tpu.dma_semaphore, #tpu.memory_space<semaphore_mem>>, %arg13: memref<!tpu.dma_semaphore, #tpu.memory_space<semaphore_mem>>, %arg14: memref<!tpu.dma_semaphore, #tpu.memory_space<semaphore_mem>>, %arg15: memref<!tpu.dma_semaphore, #tpu.memory_space<semaphore_mem>>) attributes {dimension_semantics = [#tpu.dimension_semantics<core_parallel>, #tpu.dimension_semantics<subcore_parallel>], iteration_bounds = array<i64: 2, 16>, scalar_prefetch = 0 : i64, scratch_operands = 10 : i64, tpu.core_type = #tpu.core_type<sc_vector_subcore>, window_params = [{transform_indices = #map}, {transform_indices = #map1}, {transform_indices = #map}, {transform_indices = #map1}]} {
    %mul3A = arith.constant 2 : i32
    %mul3A_0 = arith.muli %arg1, %mul3A : i32
    %add3A = arith.addi %mul3A_0, %arg0 : i32
    %mul3A_1 = arith.constant 632 : i32
    %mul3A_2 = arith.muli %arg1, %mul3A_1 : i32
    %mul3A_3 = arith.constant 632 : i32
    %mul3A_4 = arith.muli %arg1, %mul3A_3 : i32
    "tpu.region"() ({
      %run_scoped3A = tpu.sem_alloc : memref<!tpu.dma_semaphore, #tpu.memory_space<semaphore_mem>>
      %dma_start3A_432 = arith.constant 0 : i32
      %dma_start3A_433 = tpu.memref_slice %arg11[%mul3A_4, %dma_start3A_432] : memref<10112x128xf32, #tpu.memory_space<vmem_shared>> -> memref<632x128xf32, #tpu.memory_space<vmem_shared>>
      %dma_start3A_434 = arith.constant 0 : i32
      %dma_start3A_435 = tpu.memref_slice %arg4[%mul3A_2, %dma_start3A_434] : memref<10112x128xf32, #tpu.memory_space<hbm>> -> memref<632x128xf32, #tpu.memory_space<hbm>>
      tpu.enqueue_dma source(%dma_start3A_435 : memref<632x128xf32, #tpu.memory_space<hbm>>) target(%dma_start3A_433 : memref<632x128xf32, #tpu.memory_space<vmem_shared>>) target_semaphore(%run_scoped3A : memref<!tpu.dma_semaphore, #tpu.memory_space<semaphore_mem>>)
      %dma_wait3A_436 = arith.constant 0 : i32
      %dma_wait3A_437 = tpu.memref_slice %arg11[%mul3A_4, %dma_wait3A_436] : memref<10112x128xf32, #tpu.memory_space<vmem_shared>> -> memref<632x128xf32, #tpu.memory_space<vmem_shared>>
      %dma_wait3A_438 = arith.constant 0 : i32
      %dma_wait3A_439 = tpu.memref_slice %arg4[%mul3A_2, %dma_wait3A_438] : memref<10112x128xf32, #tpu.memory_space<hbm>> -> memref<632x128xf32, #tpu.memory_space<hbm>>
      tpu.wait_dma2 semaphore(%run_scoped3A : memref<!tpu.dma_semaphore, #tpu.memory_space<semaphore_mem>>) src(%dma_wait3A_439 : memref<632x128xf32, #tpu.memory_space<hbm>>) dst(%dma_wait3A_437 : memref<632x128xf32, #tpu.memory_space<vmem_shared>>)
      tpu.yield
    }) : () -> ()
    "tpu.region"() ({
      %run_scoped3A = tpu.sem_alloc : memref<!tpu.dma_semaphore, #tpu.memory_space<semaphore_mem>>
      %dma_start3A_432 = arith.constant 0 : i32
      %dma_start3A_433 = arith.constant 0 : i32
      %dma_start3A_434 = tpu.memref_slice %arg3[%add3A, %dma_start3A_432, %dma_start3A_433] : memref<32x80x128xi32, #tpu.memory_space<hbm>> -> memref<1x80x128xi32, #tpu.memory_space<hbm>>
      %dma_start3A_435 = tpu.memref_squeeze %dma_start3A_434 : memref<1x80x128xi32, #tpu.memory_space<hbm>> -> memref<80x128xi32, #tpu.memory_space<hbm>>
      %dma_start3A_436 = arith.constant 0 : i32
      %dma_start3A_437 = arith.constant 0 : i32
      %dma_start3A_438 = tpu.memref_slice %arg3[%add3A, %dma_start3A_436, %dma_start3A_437] : memref<32x80x128xi32, #tpu.memory_space<hbm>> -> memref<1x80x128xi32, #tpu.memory_space<hbm>>
      %dma_start3A_439 = tpu.memref_squeeze %dma_start3A_438 : memref<1x80x128xi32, #tpu.memory_space<hbm>> -> memref<80x128xi32, #tpu.memory_space<hbm>>
      tpu.enqueue_dma source(%dma_start3A_439 : memref<80x128xi32, #tpu.memory_space<hbm>>) target(%arg6 : memref<80x128xi32, #tpu.memory_space<vmem>>) target_semaphore(%run_scoped3A : memref<!tpu.dma_semaphore, #tpu.memory_space<semaphore_mem>>)
      %dma_wait3A_440 = arith.constant 0 : i32
      %dma_wait3A_441 = arith.constant 0 : i32
      %dma_wait3A_442 = tpu.memref_slice %arg3[%add3A, %dma_wait3A_440, %dma_wait3A_441] : memref<32x80x128xi32, #tpu.memory_space<hbm>> -> memref<1x80x128xi32, #tpu.memory_space<hbm>>
      %dma_wait3A_443 = tpu.memref_squeeze %dma_wait3A_442 : memref<1x80x128xi32, #tpu.memory_space<hbm>> -> memref<80x128xi32, #tpu.memory_space<hbm>>
      %dma_wait3A_444 = arith.constant 0 : i32
      %dma_wait3A_445 = arith.constant 0 : i32
      %dma_wait3A_446 = tpu.memref_slice %arg3[%add3A, %dma_wait3A_444, %dma_wait3A_445] : memref<32x80x128xi32, #tpu.memory_space<hbm>> -> memref<1x80x128xi32, #tpu.memory_space<hbm>>
      %dma_wait3A_447 = tpu.memref_squeeze %dma_wait3A_446 : memref<1x80x128xi32, #tpu.memory_space<hbm>> -> memref<80x128xi32, #tpu.memory_space<hbm>>
      tpu.wait_dma2 semaphore(%run_scoped3A : memref<!tpu.dma_semaphore, #tpu.memory_space<semaphore_mem>>) src(%dma_wait3A_447 : memref<80x128xi32, #tpu.memory_space<hbm>>) dst(%arg6 : memref<80x128xi32, #tpu.memory_space<vmem>>)
      tpu.yield
    }) : () -> ()
    %get3A = arith.constant 0 : i32
    %get3A_5 = arith.index_cast %get3A : i32 to index
    %get3A_6 = arith.constant 0 : index
    %get3A_7 = tpu.vector_load %arg6[%get3A_5, %get3A_6] {strides = array<i32>} : memref<80x128xi32, #tpu.memory_space<vmem>>, vector<1x16xi32>,
    %get3A_8 = vector.shape_cast %get3A_7 : vector<1x16xi32> to vector<16xi32>
    %and3A = arith.constant 16383 : i32
    %and3A_9 = vector.broadcast %and3A : i32 to vector<16xi32>
    %and3A_10 = arith.andi %get3A_8, %and3A_9 : vector<16xi32>
    %swap3A = arith.constant 0 : i32
    %swap3A_11 = arith.index_cast %swap3A : i32 to index
    %swap3A_12 = arith.constant 0 : index
    %swap3A_13 = tpu.vector_load %arg7[%swap3A_11, %swap3A_12] {strides = array<i32>} : memref<2x128xi32, #tpu.memory_space<vmem>>, vector<1x16xi32>,
    %swap3A_14 = vector.shape_cast %swap3A_13 : vector<1x16xi32> to vector<16xi32>
    %swap3A_15 = vector.shape_cast %and3A_10 : vector<16xi32> to vector<1x16xi32>
    tpu.vector_store %arg7[%swap3A_11, %swap3A_12], %swap3A_15 {strides = array<i32>} : memref<2x128xi32, #tpu.memory_space<vmem>>, vector<1x16xi32>,
    %shift_right_logical3A = arith.constant 14 : i32
    %shift_right_logical3A_16 = vector.broadcast %shift_right_logical3A : i32 to vector<16xi32>
    %shift_right_logical3A_17 = arith.shrui %get3A_8, %shift_right_logical3A_16 : vector<16xi32>
    %swap3A_18 = arith.constant 0 : i32
    %swap3A_19 = arith.index_cast %swap3A_18 : i32 to index
    %swap3A_20 = arith.constant 0 : index
    %swap3A_21 = tpu.vector_load %arg8[%swap3A_19, %swap3A_20] {strides = array<i32>} : memref<2x128xi32, #tpu.memory_space<vmem>>, vector<1x16xi32>,
    %swap3A_22 = vector.shape_cast %swap3A_21 : vector<1x16xi32> to vector<16xi32>
    %swap3A_23 = vector.shape_cast %shift_right_logical3A_17 : vector<16xi32> to vector<1x16xi32>
    tpu.vector_store %arg8[%swap3A_19, %swap3A_20], %swap3A_23 {strides = array<i32>} : memref<2x128xi32, #tpu.memory_space<vmem>>, vector<1x16xi32>,
    %get3A_24 = arith.constant 0 : i32
    %get3A_25 = arith.index_cast %get3A_24 : i32 to index
    %get3A_26 = arith.constant 16 : index
    %get3A_27 = tpu.vector_load %arg6[%get3A_25, %get3A_26] {strides = array<i32>} : memref<80x128xi32, #tpu.memory_space<vmem>>, vector<1x16xi32>,
    %get3A_28 = vector.shape_cast %get3A_27 : vector<1x16xi32> to vector<16xi32>
    %and3A_29 = arith.constant 16383 : i32
    %and3A_30 = vector.broadcast %and3A_29 : i32 to vector<16xi32>
    %and3A_31 = arith.andi %get3A_28, %and3A_30 : vector<16xi32>
    %swap3A_32 = arith.constant 0 : i32
    %swap3A_33 = arith.index_cast %swap3A_32 : i32 to index
    %swap3A_34 = arith.constant 16 : index
    %swap3A_35 = tpu.vector_load %arg7[%swap3A_33, %swap3A_34] {strides = array<i32>} : memref<2x128xi32, #tpu.memory_space<vmem>>, vector<1x16xi32>,
    %swap3A_36 = vector.shape_cast %swap3A_35 : vector<1x16xi32> to vector<16xi32>
    %swap3A_37 = vector.shape_cast %and3A_31 : vector<16xi32> to vector<1x16xi32>
    tpu.vector_store %arg7[%swap3A_33, %swap3A_34], %swap3A_37 {strides = array<i32>} : memref<2x128xi32, #tpu.memory_space<vmem>>, vector<1x16xi32>,
    %shift_right_logical3A_38 = arith.constant 14 : i32
    %shift_right_logical3A_39 = vector.broadcast %shift_right_logical3A_38 : i32 to vector<16xi32>
    %shift_right_logical3A_40 = arith.shrui %get3A_28, %shift_right_logical3A_39 : vector<16xi32>
    %swap3A_41 = arith.constant 0 : i32
    %swap3A_42 = arith.index_cast %swap3A_41 : i32 to index
    %swap3A_43 = arith.constant 16 : index
    %swap3A_44 = tpu.vector_load %arg8[%swap3A_42, %swap3A_43] {strides = array<i32>} : memref<2x128xi32, #tpu.memory_space<vmem>>, vector<1x16xi32>,
    %swap3A_45 = vector.shape_cast %swap3A_44 : vector<1x16xi32> to vector<16xi32>
    %swap3A_46 = vector.shape_cast %shift_right_logical3A_40 : vector<16xi32> to vector<1x16xi32>
    tpu.vector_store %arg8[%swap3A_42, %swap3A_43], %swap3A_46 {strides = array<i32>} : memref<2x128xi32, #tpu.memory_space<vmem>>, vector<1x16xi32>,
    %get3A_47 = arith.constant 0 : i32
    %get3A_48 = arith.index_cast %get3A_47 : i32 to index
    %get3A_49 = arith.constant 32 : index
    %get3A_50 = tpu.vector_load %arg6[%get3A_48, %get3A_49] {strides = array<i32>} : memref<80x128xi32, #tpu.memory_space<vmem>>, vector<1x16xi32>,
    %get3A_51 = vector.shape_cast %get3A_50 : vector<1x16xi32> to vector<16xi32>
    %and3A_52 = arith.constant 16383 : i32
    %and3A_53 = vector.broadcast %and3A_52 : i32 to vector<16xi32>
    %and3A_54 = arith.andi %get3A_51, %and3A_53 : vector<16xi32>
    %swap3A_55 = arith.constant 0 : i32
    %swap3A_56 = arith.index_cast %swap3A_55 : i32 to index
    %swap3A_57 = arith.constant 32 : index
    %swap3A_58 = tpu.vector_load %arg7[%swap3A_56, %swap3A_57] {strides = array<i32>} : memref<2x128xi32, #tpu.memory_space<vmem>>, vector<1x16xi32>,
    %swap3A_59 = vector.shape_cast %swap3A_58 : vector<1x16xi32> to vector<16xi32>
    %swap3A_60 = vector.shape_cast %and3A_54 : vector<16xi32> to vector<1x16xi32>
    tpu.vector_store %arg7[%swap3A_56, %swap3A_57], %swap3A_60 {strides = array<i32>} : memref<2x128xi32, #tpu.memory_space<vmem>>, vector<1x16xi32>,
    %shift_right_logical3A_61 = arith.constant 14 : i32
    %shift_right_logical3A_62 = vector.broadcast %shift_right_logical3A_61 : i32 to vector<16xi32>
    %shift_right_logical3A_63 = arith.shrui %get3A_51, %shift_right_logical3A_62 : vector<16xi32>
    %swap3A_64 = arith.constant 0 : i32
    %swap3A_65 = arith.index_cast %swap3A_64 : i32 to index
    %swap3A_66 = arith.constant 32 : index
    %swap3A_67 = tpu.vector_load %arg8[%swap3A_65, %swap3A_66] {strides = array<i32>} : memref<2x128xi32, #tpu.memory_space<vmem>>, vector<1x16xi32>,
    %swap3A_68 = vector.shape_cast %swap3A_67 : vector<1x16xi32> to vector<16xi32>
    %swap3A_69 = vector.shape_cast %shift_right_logical3A_63 : vector<16xi32> to vector<1x16xi32>
    tpu.vector_store %arg8[%swap3A_65, %swap3A_66], %swap3A_69 {strides = array<i32>} : memref<2x128xi32, #tpu.memory_space<vmem>>, vector<1x16xi32>,
    %get3A_70 = arith.constant 0 : i32
    %get3A_71 = arith.index_cast %get3A_70 : i32 to index
    %get3A_72 = arith.constant 48 : index
    %get3A_73 = tpu.vector_load %arg6[%get3A_71, %get3A_72] {strides = array<i32>} : memref<80x128xi32, #tpu.memory_space<vmem>>, vector<1x16xi32>,
    %get3A_74 = vector.shape_cast %get3A_73 : vector<1x16xi32> to vector<16xi32>
    %and3A_75 = arith.constant 16383 : i32
    %and3A_76 = vector.broadcast %and3A_75 : i32 to vector<16xi32>
    %and3A_77 = arith.andi %get3A_74, %and3A_76 : vector<16xi32>
    %swap3A_78 = arith.constant 0 : i32
    %swap3A_79 = arith.index_cast %swap3A_78 : i32 to index
    %swap3A_80 = arith.constant 48 : index
    %swap3A_81 = tpu.vector_load %arg7[%swap3A_79, %swap3A_80] {strides = array<i32>} : memref<2x128xi32, #tpu.memory_space<vmem>>, vector<1x16xi32>,
    %swap3A_82 = vector.shape_cast %swap3A_81 : vector<1x16xi32> to vector<16xi32>
    %swap3A_83 = vector.shape_cast %and3A_77 : vector<16xi32> to vector<1x16xi32>
    tpu.vector_store %arg7[%swap3A_79, %swap3A_80], %swap3A_83 {strides = array<i32>} : memref<2x128xi32, #tpu.memory_space<vmem>>, vector<1x16xi32>,
    %shift_right_logical3A_84 = arith.constant 14 : i32
    %shift_right_logical3A_85 = vector.broadcast %shift_right_logical3A_84 : i32 to vector<16xi32>
    %shift_right_logical3A_86 = arith.shrui %get3A_74, %shift_right_logical3A_85 : vector<16xi32>
    %swap3A_87 = arith.constant 0 : i32
    %swap3A_88 = arith.index_cast %swap3A_87 : i32 to index
    %swap3A_89 = arith.constant 48 : index
    %swap3A_90 = tpu.vector_load %arg8[%swap3A_88, %swap3A_89] {strides = array<i32>} : memref<2x128xi32, #tpu.memory_space<vmem>>, vector<1x16xi32>,
    %swap3A_91 = vector.shape_cast %swap3A_90 : vector<1x16xi32> to vector<16xi32>
    %swap3A_92 = vector.shape_cast %shift_right_logical3A_86 : vector<16xi32> to vector<1x16xi32>
    tpu.vector_store %arg8[%swap3A_88, %swap3A_89], %swap3A_92 {strides = array<i32>} : memref<2x128xi32, #tpu.memory_space<vmem>>, vector<1x16xi32>,
    %get3A_93 = arith.constant 0 : i32
    %get3A_94 = arith.index_cast %get3A_93 : i32 to index
    %get3A_95 = arith.constant 64 : index
    %get3A_96 = tpu.vector_load %arg6[%get3A_94, %get3A_95] {strides = array<i32>} : memref<80x128xi32, #tpu.memory_space<vmem>>, vector<1x16xi32>,
    %get3A_97 = vector.shape_cast %get3A_96 : vector<1x16xi32> to vector<16xi32>
    %and3A_98 = arith.constant 16383 : i32
    %and3A_99 = vector.broadcast %and3A_98 : i32 to vector<16xi32>
    %and3A_100 = arith.andi %get3A_97, %and3A_99 : vector<16xi32>
    %swap3A_101 = arith.constant 0 : i32
    %swap3A_102 = arith.index_cast %swap3A_101 : i32 to index
    %swap3A_103 = arith.constant 64 : index
    %swap3A_104 = tpu.vector_load %arg7[%swap3A_102, %swap3A_103] {strides = array<i32>} : memref<2x128xi32, #tpu.memory_space<vmem>>, vector<1x16xi32>,
    %swap3A_105 = vector.shape_cast %swap3A_104 : vector<1x16xi32> to vector<16xi32>
    %swap3A_106 = vector.shape_cast %and3A_100 : vector<16xi32> to vector<1x16xi32>
    tpu.vector_store %arg7[%swap3A_102, %swap3A_103], %swap3A_106 {strides = array<i32>} : memref<2x128xi32, #tpu.memory_space<vmem>>, vector<1x16xi32>,
    %shift_right_logical3A_107 = arith.constant 14 : i32
    %shift_right_logical3A_108 = vector.broadcast %shift_right_logical3A_107 : i32 to vector<16xi32>
    %shift_right_logical3A_109 = arith.shrui %get3A_97, %shift_right_logical3A_108 : vector<16xi32>
    %swap3A_110 = arith.constant 0 : i32
    %swap3A_111 = arith.index_cast %swap3A_110 : i32 to index
    %swap3A_112 = arith.constant 64 : index
    %swap3A_113 = tpu.vector_load %arg8[%swap3A_111, %swap3A_112] {strides = array<i32>} : memref<2x128xi32, #tpu.memory_space<vmem>>, vector<1x16xi32>,
    %swap3A_114 = vector.shape_cast %swap3A_113 : vector<1x16xi32> to vector<16xi32>
    %swap3A_115 = vector.shape_cast %shift_right_logical3A_109 : vector<16xi32> to vector<1x16xi32>
    tpu.vector_store %arg8[%swap3A_111, %swap3A_112], %swap3A_115 {strides = array<i32>} : memref<2x128xi32, #tpu.memory_space<vmem>>, vector<1x16xi32>,
    %get3A_116 = arith.constant 0 : i32
    %get3A_117 = arith.index_cast %get3A_116 : i32 to index
    %get3A_118 = arith.constant 80 : index
    %get3A_119 = tpu.vector_load %arg6[%get3A_117, %get3A_118] {strides = array<i32>} : memref<80x128xi32, #tpu.memory_space<vmem>>, vector<1x16xi32>,
    %get3A_120 = vector.shape_cast %get3A_119 : vector<1x16xi32> to vector<16xi32>
    %and3A_121 = arith.constant 16383 : i32
    %and3A_122 = vector.broadcast %and3A_121 : i32 to vector<16xi32>
    %and3A_123 = arith.andi %get3A_120, %and3A_122 : vector<16xi32>
    %swap3A_124 = arith.constant 0 : i32
    %swap3A_125 = arith.index_cast %swap3A_124 : i32 to index
    %swap3A_126 = arith.constant 80 : index
    %swap3A_127 = tpu.vector_load %arg7[%swap3A_125, %swap3A_126] {strides = array<i32>} : memref<2x128xi32, #tpu.memory_space<vmem>>, vector<1x16xi32>,
    %swap3A_128 = vector.shape_cast %swap3A_127 : vector<1x16xi32> to vector<16xi32>
    %swap3A_129 = vector.shape_cast %and3A_123 : vector<16xi32> to vector<1x16xi32>
    tpu.vector_store %arg7[%swap3A_125, %swap3A_126], %swap3A_129 {strides = array<i32>} : memref<2x128xi32, #tpu.memory_space<vmem>>, vector<1x16xi32>,
    %shift_right_logical3A_130 = arith.constant 14 : i32
    %shift_right_logical3A_131 = vector.broadcast %shift_right_logical3A_130 : i32 to vector<16xi32>
    %shift_right_logical3A_132 = arith.shrui %get3A_120, %shift_right_logical3A_131 : vector<16xi32>
    %swap3A_133 = arith.constant 0 : i32
    %swap3A_134 = arith.index_cast %swap3A_133 : i32 to index
    %swap3A_135 = arith.constant 80 : index
    %swap3A_136 = tpu.vector_load %arg8[%swap3A_134, %swap3A_135] {strides = array<i32>} : memref<2x128xi32, #tpu.memory_space<vmem>>, vector<1x16xi32>,
    %swap3A_137 = vector.shape_cast %swap3A_136 : vector<1x16xi32> to vector<16xi32>
    %swap3A_138 = vector.shape_cast %shift_right_logical3A_132 : vector<16xi32> to vector<1x16xi32>
    tpu.vector_store %arg8[%swap3A_134, %swap3A_135], %swap3A_138 {strides = array<i32>} : memref<2x128xi32, #tpu.memory_space<vmem>>, vector<1x16xi32>,
    %get3A_139 = arith.constant 0 : i32
    %get3A_140 = arith.index_cast %get3A_139 : i32 to index
    %get3A_141 = arith.constant 96 : index
    %get3A_142 = tpu.vector_load %arg6[%get3A_140, %get3A_141] {strides = array<i32>} : memref<80x128xi32, #tpu.memory_space<vmem>>, vector<1x16xi32>,
    %get3A_143 = vector.shape_cast %get3A_142 : vector<1x16xi32> to vector<16xi32>
    %and3A_144 = arith.constant 16383 : i32
    %and3A_145 = vector.broadcast %and3A_144 : i32 to vector<16xi32>
    %and3A_146 = arith.andi %get3A_143, %and3A_145 : vector<16xi32>
    %swap3A_147 = arith.constant 0 : i32
    %swap3A_148 = arith.index_cast %swap3A_147 : i32 to index
    %swap3A_149 = arith.constant 96 : index
    %swap3A_150 = tpu.vector_load %arg7[%swap3A_148, %swap3A_149] {strides = array<i32>} : memref<2x128xi32, #tpu.memory_space<vmem>>, vector<1x16xi32>,
    %swap3A_151 = vector.shape_cast %swap3A_150 : vector<1x16xi32> to vector<16xi32>
    %swap3A_152 = vector.shape_cast %and3A_146 : vector<16xi32> to vector<1x16xi32>
    tpu.vector_store %arg7[%swap3A_148, %swap3A_149], %swap3A_152 {strides = array<i32>} : memref<2x128xi32, #tpu.memory_space<vmem>>, vector<1x16xi32>,
    %shift_right_logical3A_153 = arith.constant 14 : i32
    %shift_right_logical3A_154 = vector.broadcast %shift_right_logical3A_153 : i32 to vector<16xi32>
    %shift_right_logical3A_155 = arith.shrui %get3A_143, %shift_right_logical3A_154 : vector<16xi32>
    %swap3A_156 = arith.constant 0 : i32
    %swap3A_157 = arith.index_cast %swap3A_156 : i32 to index
    %swap3A_158 = arith.constant 96 : index
    %swap3A_159 = tpu.vector_load %arg8[%swap3A_157, %swap3A_158] {strides = array<i32>} : memref<2x128xi32, #tpu.memory_space<vmem>>, vector<1x16xi32>,
    %swap3A_160 = vector.shape_cast %swap3A_159 : vector<1x16xi32> to vector<16xi32>
    %swap3A_161 = vector.shape_cast %shift_right_logical3A_155 : vector<16xi32> to vector<1x16xi32>
    tpu.vector_store %arg8[%swap3A_157, %swap3A_158], %swap3A_161 {strides = array<i32>} : memref<2x128xi32, #tpu.memory_space<vmem>>, vector<1x16xi32>,
    %get3A_162 = arith.constant 0 : i32
    %get3A_163 = arith.index_cast %get3A_162 : i32 to index
    %get3A_164 = arith.constant 112 : index
    %get3A_165 = tpu.vector_load %arg6[%get3A_163, %get3A_164] {strides = array<i32>} : memref<80x128xi32, #tpu.memory_space<vmem>>, vector<1x16xi32>,
    %get3A_166 = vector.shape_cast %get3A_165 : vector<1x16xi32> to vector<16xi32>
    %and3A_167 = arith.constant 16383 : i32
    %and3A_168 = vector.broadcast %and3A_167 : i32 to vector<16xi32>
    %and3A_169 = arith.andi %get3A_166, %and3A_168 : vector<16xi32>
    %swap3A_170 = arith.constant 0 : i32
    %swap3A_171 = arith.index_cast %swap3A_170 : i32 to index
    %swap3A_172 = arith.constant 112 : index
    %swap3A_173 = tpu.vector_load %arg7[%swap3A_171, %swap3A_172] {strides = array<i32>} : memref<2x128xi32, #tpu.memory_space<vmem>>, vector<1x16xi32>,
    %swap3A_174 = vector.shape_cast %swap3A_173 : vector<1x16xi32> to vector<16xi32>
    %swap3A_175 = vector.shape_cast %and3A_169 : vector<16xi32> to vector<1x16xi32>
    tpu.vector_store %arg7[%swap3A_171, %swap3A_172], %swap3A_175 {strides = array<i32>} : memref<2x128xi32, #tpu.memory_space<vmem>>, vector<1x16xi32>,
    %shift_right_logical3A_176 = arith.constant 14 : i32
    %shift_right_logical3A_177 = vector.broadcast %shift_right_logical3A_176 : i32 to vector<16xi32>
    %shift_right_logical3A_178 = arith.shrui %get3A_166, %shift_right_logical3A_177 : vector<16xi32>
    %swap3A_179 = arith.constant 0 : i32
    %swap3A_180 = arith.index_cast %swap3A_179 : i32 to index
    %swap3A_181 = arith.constant 112 : index
    %swap3A_182 = tpu.vector_load %arg8[%swap3A_180, %swap3A_181] {strides = array<i32>} : memref<2x128xi32, #tpu.memory_space<vmem>>, vector<1x16xi32>,
    %swap3A_183 = vector.shape_cast %swap3A_182 : vector<1x16xi32> to vector<16xi32>
    %swap3A_184 = vector.shape_cast %shift_right_logical3A_178 : vector<16xi32> to vector<1x16xi32>
    tpu.vector_store %arg8[%swap3A_180, %swap3A_181], %swap3A_184 {strides = array<i32>} : memref<2x128xi32, #tpu.memory_space<vmem>>, vector<1x16xi32>,
    %dma_start3A = arith.constant 0 : i32
    %dma_start3A_185 = arith.constant 0 : i32
    %dma_start3A_186 = tpu.memref_slice %arg7[%dma_start3A, %dma_start3A_185] : memref<2x128xi32, #tpu.memory_space<vmem>> -> memref<1x128xi32, #tpu.memory_space<vmem>>
    %dma_start3A_187 = tpu.memref_squeeze %dma_start3A_186 : memref<1x128xi32, #tpu.memory_space<vmem>> -> memref<128xi32, #tpu.memory_space<vmem>>
    %dma_start3A_188 = arith.constant 0 : i32
    %dma_start3A_189 = arith.constant 0 : i32
    %dma_start3A_190 = tpu.memref_slice %arg2[%dma_start3A_188, %dma_start3A_189] : memref<10000x128xf32, #tpu.memory_space<hbm>> -> memref<10000x128xf32, #tpu.memory_space<hbm>>
    tpu.enqueue_indirect_dma source(%dma_start3A_190 : memref<10000x128xf32, #tpu.memory_space<hbm>>) target(%arg9 : memref<128x128xf32, #tpu.memory_space<vmem>>) offsets(%dma_start3A_187 : memref<128xi32, #tpu.memory_space<vmem>>) semaphore(%arg12 : memref<!tpu.dma_semaphore, #tpu.memory_space<semaphore_mem>>)
    %get3A_191 = arith.constant 1 : i32
    %get3A_192 = arith.index_cast %get3A_191 : i32 to index
    %get3A_193 = arith.constant 0 : index
    %get3A_194 = tpu.vector_load %arg6[%get3A_192, %get3A_193] {strides = array<i32>} : memref<80x128xi32, #tpu.memory_space<vmem>>, vector<1x16xi32>,
    %get3A_195 = vector.shape_cast %get3A_194 : vector<1x16xi32> to vector<16xi32>
    %and3A_196 = arith.constant 16383 : i32
    %and3A_197 = vector.broadcast %and3A_196 : i32 to vector<16xi32>
    %and3A_198 = arith.andi %get3A_195, %and3A_197 : vector<16xi32>
    %swap3A_199 = arith.constant 1 : i32
    %swap3A_200 = arith.index_cast %swap3A_199 : i32 to index
    %swap3A_201 = arith.constant 0 : index
    %swap3A_202 = tpu.vector_load %arg7[%swap3A_200, %swap3A_201] {strides = array<i32>} : memref<2x128xi32, #tpu.memory_space<vmem>>, vector<1x16xi32>,
    %swap3A_203 = vector.shape_cast %swap3A_202 : vector<1x16xi32> to vector<16xi32>
    %swap3A_204 = vector.shape_cast %and3A_198 : vector<16xi32> to vector<1x16xi32>
    tpu.vector_store %arg7[%swap3A_200, %swap3A_201], %swap3A_204 {strides = array<i32>} : memref<2x128xi32, #tpu.memory_space<vmem>>, vector<1x16xi32>,
    %shift_right_logical3A_205 = arith.constant 14 : i32
    %shift_right_logical3A_206 = vector.broadcast %shift_right_logical3A_205 : i32 to vector<16xi32>
    %shift_right_logical3A_207 = arith.shrui %get3A_195, %shift_right_logical3A_206 : vector<16xi32>
    %swap3A_208 = arith.constant 1 : i32
    %swap3A_209 = arith.index_cast %swap3A_208 : i32 to index
    %swap3A_210 = arith.constant 0 : index
    %swap3A_211 = tpu.vector_load %arg8[%swap3A_209, %swap3A_210] {strides = array<i32>} : memref<2x128xi32, #tpu.memory_space<vmem>>, vector<1x16xi32>,
    %swap3A_212 = vector.shape_cast %swap3A_211 : vector<1x16xi32> to vector<16xi32>
    %swap3A_213 = vector.shape_cast %shift_right_logical3A_207 : vector<16xi32> to vector<1x16xi32>
    tpu.vector_store %arg8[%swap3A_209, %swap3A_210], %swap3A_213 {strides = array<i32>} : memref<2x128xi32, #tpu.memory_space<vmem>>, vector<1x16xi32>,
    %get3A_214 = arith.constant 1 : i32
    %get3A_215 = arith.index_cast %get3A_214 : i32 to index
    %get3A_216 = arith.constant 16 : index
    %get3A_217 = tpu.vector_load %arg6[%get3A_215, %get3A_216] {strides = array<i32>} : memref<80x128xi32, #tpu.memory_space<vmem>>, vector<1x16xi32>,
    %get3A_218 = vector.shape_cast %get3A_217 : vector<1x16xi32> to vector<16xi32>
    %and3A_219 = arith.constant 16383 : i32
    %and3A_220 = vector.broadcast %and3A_219 : i32 to vector<16xi32>
    %and3A_221 = arith.andi %get3A_218, %and3A_220 : vector<16xi32>
    %swap3A_222 = arith.constant 1 : i32
    %swap3A_223 = arith.index_cast %swap3A_222 : i32 to index
    %swap3A_224 = arith.constant 16 : index
    %swap3A_225 = tpu.vector_load %arg7[%swap3A_223, %swap3A_224] {strides = array<i32>} : memref<2x128xi32, #tpu.memory_space<vmem>>, vector<1x16xi32>,
    %swap3A_226 = vector.shape_cast %swap3A_225 : vector<1x16xi32> to vector<16xi32>
    %swap3A_227 = vector.shape_cast %and3A_221 : vector<16xi32> to vector<1x16xi32>
    tpu.vector_store %arg7[%swap3A_223, %swap3A_224], %swap3A_227 {strides = array<i32>} : memref<2x128xi32, #tpu.memory_space<vmem>>, vector<1x16xi32>,
    %shift_right_logical3A_228 = arith.constant 14 : i32
    %shift_right_logical3A_229 = vector.broadcast %shift_right_logical3A_228 : i32 to vector<16xi32>
    %shift_right_logical3A_230 = arith.shrui %get3A_218, %shift_right_logical3A_229 : vector<16xi32>
    %swap3A_231 = arith.constant 1 : i32
    %swap3A_232 = arith.index_cast %swap3A_231 : i32 to index
    %swap3A_233 = arith.constant 16 : index
    %swap3A_234 = tpu.vector_load %arg8[%swap3A_232, %swap3A_233] {strides = array<i32>} : memref<2x128xi32, #tpu.memory_space<vmem>>, vector<1x16xi32>,
    %swap3A_235 = vector.shape_cast %swap3A_234 : vector<1x16xi32> to vector<16xi32>
    %swap3A_236 = vector.shape_cast %shift_right_logical3A_230 : vector<16xi32> to vector<1x16xi32>
    tpu.vector_store %arg8[%swap3A_232, %swap3A_233], %swap3A_236 {strides = array<i32>} : memref<2x128xi32, #tpu.memory_space<vmem>>, vector<1x16xi32>,
    %get3A_237 = arith.constant 1 : i32
    %get3A_238 = arith.index_cast %get3A_237 : i32 to index
    %get3A_239 = arith.constant 32 : index
    %get3A_240 = tpu.vector_load %arg6[%get3A_238, %get3A_239] {strides = array<i32>} : memref<80x128xi32, #tpu.memory_space<vmem>>, vector<1x16xi32>,
    %get3A_241 = vector.shape_cast %get3A_240 : vector<1x16xi32> to vector<16xi32>
    %and3A_242 = arith.constant 16383 : i32
    %and3A_243 = vector.broadcast %and3A_242 : i32 to vector<16xi32>
    %and3A_244 = arith.andi %get3A_241, %and3A_243 : vector<16xi32>
    %swap3A_245 = arith.constant 1 : i32
    %swap3A_246 = arith.index_cast %swap3A_245 : i32 to index
    %swap3A_247 = arith.constant 32 : index
    %swap3A_248 = tpu.vector_load %arg7[%swap3A_246, %swap3A_247] {strides = array<i32>} : memref<2x128xi32, #tpu.memory_space<vmem>>, vector<1x16xi32>,
    %swap3A_249 = vector.shape_cast %swap3A_248 : vector<1x16xi32> to vector<16xi32>
    %swap3A_250 = vector.shape_cast %and3A_244 : vector<16xi32> to vector<1x16xi32>
    tpu.vector_store %arg7[%swap3A_246, %swap3A_247], %swap3A_250 {strides = array<i32>} : memref<2x128xi32, #tpu.memory_space<vmem>>, vector<1x16xi32>,
    %shift_right_logical3A_251 = arith.constant 14 : i32
    %shift_right_logical3A_252 = vector.broadcast %shift_right_logical3A_251 : i32 to vector<16xi32>
    %shift_right_logical3A_253 = arith.shrui %get3A_241, %shift_right_logical3A_252 : vector<16xi32>
    %swap3A_254 = arith.constant 1 : i32
    %swap3A_255 = arith.index_cast %swap3A_254 : i32 to index
    %swap3A_256 = arith.constant 32 : index
    %swap3A_257 = tpu.vector_load %arg8[%swap3A_255, %swap3A_256] {strides = array<i32>} : memref<2x128xi32, #tpu.memory_space<vmem>>, vector<1x16xi32>,
    %swap3A_258 = vector.shape_cast %swap3A_257 : vector<1x16xi32> to vector<16xi32>
    %swap3A_259 = vector.shape_cast %shift_right_logical3A_253 : vector<16xi32> to vector<1x16xi32>
    tpu.vector_store %arg8[%swap3A_255, %swap3A_256], %swap3A_259 {strides = array<i32>} : memref<2x128xi32, #tpu.memory_space<vmem>>, vector<1x16xi32>,
    %get3A_260 = arith.constant 1 : i32
    %get3A_261 = arith.index_cast %get3A_260 : i32 to index
    %get3A_262 = arith.constant 48 : index
    %get3A_263 = tpu.vector_load %arg6[%get3A_261, %get3A_262] {strides = array<i32>} : memref<80x128xi32, #tpu.memory_space<vmem>>, vector<1x16xi32>,
    %get3A_264 = vector.shape_cast %get3A_263 : vector<1x16xi32> to vector<16xi32>
    %and3A_265 = arith.constant 16383 : i32
    %and3A_266 = vector.broadcast %and3A_265 : i32 to vector<16xi32>
    %and3A_267 = arith.andi %get3A_264, %and3A_266 : vector<16xi32>
    %swap3A_268 = arith.constant 1 : i32
    %swap3A_269 = arith.index_cast %swap3A_268 : i32 to index
    %swap3A_270 = arith.constant 48 : index
    %swap3A_271 = tpu.vector_load %arg7[%swap3A_269, %swap3A_270] {strides = array<i32>} : memref<2x128xi32, #tpu.memory_space<vmem>>, vector<1x16xi32>,
    %swap3A_272 = vector.shape_cast %swap3A_271 : vector<1x16xi32> to vector<16xi32>
    %swap3A_273 = vector.shape_cast %and3A_267 : vector<16xi32> to vector<1x16xi32>
    tpu.vector_store %arg7[%swap3A_269, %swap3A_270], %swap3A_273 {strides = array<i32>} : memref<2x128xi32, #tpu.memory_space<vmem>>, vector<1x16xi32>,
    %shift_right_logical3A_274 = arith.constant 14 : i32
    %shift_right_logical3A_275 = vector.broadcast %shift_right_logical3A_274 : i32 to vector<16xi32>
    %shift_right_logical3A_276 = arith.shrui %get3A_264, %shift_right_logical3A_275 : vector<16xi32>
    %swap3A_277 = arith.constant 1 : i32
    %swap3A_278 = arith.index_cast %swap3A_277 : i32 to index
    %swap3A_279 = arith.constant 48 : index
    %swap3A_280 = tpu.vector_load %arg8[%swap3A_278, %swap3A_279] {strides = array<i32>} : memref<2x128xi32, #tpu.memory_space<vmem>>, vector<1x16xi32>,
    %swap3A_281 = vector.shape_cast %swap3A_280 : vector<1x16xi32> to vector<16xi32>
    %swap3A_282 = vector.shape_cast %shift_right_logical3A_276 : vector<16xi32> to vector<1x16xi32>
    tpu.vector_store %arg8[%swap3A_278, %swap3A_279], %swap3A_282 {strides = array<i32>} : memref<2x128xi32, #tpu.memory_space<vmem>>, vector<1x16xi32>,
    %get3A_283 = arith.constant 1 : i32
    %get3A_284 = arith.index_cast %get3A_283 : i32 to index
    %get3A_285 = arith.constant 64 : index
    %get3A_286 = tpu.vector_load %arg6[%get3A_284, %get3A_285] {strides = array<i32>} : memref<80x128xi32, #tpu.memory_space<vmem>>, vector<1x16xi32>,
    %get3A_287 = vector.shape_cast %get3A_286 : vector<1x16xi32> to vector<16xi32>
    %and3A_288 = arith.constant 16383 : i32
    %and3A_289 = vector.broadcast %and3A_288 : i32 to vector<16xi32>
    %and3A_290 = arith.andi %get3A_287, %and3A_289 : vector<16xi32>
    %swap3A_291 = arith.constant 1 : i32
    %swap3A_292 = arith.index_cast %swap3A_291 : i32 to index
    %swap3A_293 = arith.constant 64 : index
    %swap3A_294 = tpu.vector_load %arg7[%swap3A_292, %swap3A_293] {strides = array<i32>} : memref<2x128xi32, #tpu.memory_space<vmem>>, vector<1x16xi32>,
    %swap3A_295 = vector.shape_cast %swap3A_294 : vector<1x16xi32> to vector<16xi32>
    %swap3A_296 = vector.shape_cast %and3A_290 : vector<16xi32> to vector<1x16xi32>
    tpu.vector_store %arg7[%swap3A_292, %swap3A_293], %swap3A_296 {strides = array<i32>} : memref<2x128xi32, #tpu.memory_space<vmem>>, vector<1x16xi32>,
    %shift_right_logical3A_297 = arith.constant 14 : i32
    %shift_right_logical3A_298 = vector.broadcast %shift_right_logical3A_297 : i32 to vector<16xi32>
    %shift_right_logical3A_299 = arith.shrui %get3A_287, %shift_right_logical3A_298 : vector<16xi32>
    %swap3A_300 = arith.constant 1 : i32
    %swap3A_301 = arith.index_cast %swap3A_300 : i32 to index
    %swap3A_302 = arith.constant 64 : index
    %swap3A_303 = tpu.vector_load %arg8[%swap3A_301, %swap3A_302] {strides = array<i32>} : memref<2x128xi32, #tpu.memory_space<vmem>>, vector<1x16xi32>,
    %swap3A_304 = vector.shape_cast %swap3A_303 : vector<1x16xi32> to vector<16xi32>
    %swap3A_305 = vector.shape_cast %shift_right_logical3A_299 : vector<16xi32> to vector<1x16xi32>
    tpu.vector_store %arg8[%swap3A_301, %swap3A_302], %swap3A_305 {strides = array<i32>} : memref<2x128xi32, #tpu.memory_space<vmem>>, vector<1x16xi32>,
    %get3A_306 = arith.constant 1 : i32
    %get3A_307 = arith.index_cast %get3A_306 : i32 to index
    %get3A_308 = arith.constant 80 : index
    %get3A_309 = tpu.vector_load %arg6[%get3A_307, %get3A_308] {strides = array<i32>} : memref<80x128xi32, #tpu.memory_space<vmem>>, vector<1x16xi32>,
    %get3A_310 = vector.shape_cast %get3A_309 : vector<1x16xi32> to vector<16xi32>
    %and3A_311 = arith.constant 16383 : i32
    %and3A_312 = vector.broadcast %and3A_311 : i32 to vector<16xi32>
    %and3A_313 = arith.andi %get3A_310, %and3A_312 : vector<16xi32>
    %swap3A_314 = arith.constant 1 : i32
    %swap3A_315 = arith.index_cast %swap3A_314 : i32 to index
    %swap3A_316 = arith.constant 80 : index
    %swap3A_317 = tpu.vector_load %arg7[%swap3A_315, %swap3A_316] {strides = array<i32>} : memref<2x128xi32, #tpu.memory_space<vmem>>, vector<1x16xi32>,
    %swap3A_318 = vector.shape_cast %swap3A_317 : vector<1x16xi32> to vector<16xi32>
    %swap3A_319 = vector.shape_cast %and3A_313 : vector<16xi32> to vector<1x16xi32>
    tpu.vector_store %arg7[%swap3A_315, %swap3A_316], %swap3A_319 {strides = array<i32>} : memref<2x128xi32, #tpu.memory_space<vmem>>, vector<1x16xi32>,
    %shift_right_logical3A_320 = arith.constant 14 : i32
    %shift_right_logical3A_321 = vector.broadcast %shift_right_logical3A_320 : i32 to vector<16xi32>
    %shift_right_logical3A_322 = arith.shrui %get3A_310, %shift_right_logical3A_321 : vector<16xi32>
    %swap3A_323 = arith.constant 1 : i32
    %swap3A_324 = arith.index_cast %swap3A_323 : i32 to index
    %swap3A_325 = arith.constant 80 : index
    %swap3A_326 = tpu.vector_load %arg8[%swap3A_324, %swap3A_325] {strides = array<i32>} : memref<2x128xi32, #tpu.memory_space<vmem>>, vector<1x16xi32>,
    %swap3A_327 = vector.shape_cast %swap3A_326 : vector<1x16xi32> to vector<16xi32>
    %swap3A_328 = vector.shape_cast %shift_right_logical3A_322 : vector<16xi32> to vector<1x16xi32>
    tpu.vector_store %arg8[%swap3A_324, %swap3A_325], %swap3A_328 {strides = array<i32>} : memref<2x128xi32, #tpu.memory_space<vmem>>, vector<1x16xi32>,
    %get3A_329 = arith.constant 1 : i32
    %get3A_330 = arith.index_cast %get3A_329 : i32 to index
    %get3A_331 = arith.constant 96 : index
    %get3A_332 = tpu.vector_load %arg6[%get3A_330, %get3A_331] {strides = array<i32>} : memref<80x128xi32, #tpu.memory_space<vmem>>, vector<1x16xi32>,
    %get3A_333 = vector.shape_cast %get3A_332 : vector<1x16xi32> to vector<16xi32>
    %and3A_334 = arith.constant 16383 : i32
    %and3A_335 = vector.broadcast %and3A_334 : i32 to vector<16xi32>
    %and3A_336 = arith.andi %get3A_333, %and3A_335 : vector<16xi32>
    %swap3A_337 = arith.constant 1 : i32
    %swap3A_338 = arith.index_cast %swap3A_337 : i32 to index
    %swap3A_339 = arith.constant 96 : index
    %swap3A_340 = tpu.vector_load %arg7[%swap3A_338, %swap3A_339] {strides = array<i32>} : memref<2x128xi32, #tpu.memory_space<vmem>>, vector<1x16xi32>,
    %swap3A_341 = vector.shape_cast %swap3A_340 : vector<1x16xi32> to vector<16xi32>
    %swap3A_342 = vector.shape_cast %and3A_336 : vector<16xi32> to vector<1x16xi32>
    tpu.vector_store %arg7[%swap3A_338, %swap3A_339], %swap3A_342 {strides = array<i32>} : memref<2x128xi32, #tpu.memory_space<vmem>>, vector<1x16xi32>,
    %shift_right_logical3A_343 = arith.constant 14 : i32
    %shift_right_logical3A_344 = vector.broadcast %shift_right_logical3A_343 : i32 to vector<16xi32>
    %shift_right_logical3A_345 = arith.shrui %get3A_333, %shift_right_logical3A_344 : vector<16xi32>
    %swap3A_346 = arith.constant 1 : i32
    %swap3A_347 = arith.index_cast %swap3A_346 : i32 to index
    %swap3A_348 = arith.constant 96 : index
    %swap3A_349 = tpu.vector_load %arg8[%swap3A_347, %swap3A_348] {strides = array<i32>} : memref<2x128xi32, #tpu.memory_space<vmem>>, vector<1x16xi32>,
    %swap3A_350 = vector.shape_cast %swap3A_349 : vector<1x16xi32> to vector<16xi32>
    %swap3A_351 = vector.shape_cast %shift_right_logical3A_345 : vector<16xi32> to vector<1x16xi32>
    tpu.vector_store %arg8[%swap3A_347, %swap3A_348], %swap3A_351 {strides = array<i32>} : memref<2x128xi32, #tpu.memory_space<vmem>>, vector<1x16xi32>,
    %get3A_352 = arith.constant 1 : i32
    %get3A_353 = arith.index_cast %get3A_352 : i32 to index
    %get3A_354 = arith.constant 112 : index
    %get3A_355 = tpu.vector_load %arg6[%get3A_353, %get3A_354] {strides = array<i32>} : memref<80x128xi32, #tpu.memory_space<vmem>>, vector<1x16xi32>,
    %get3A_356 = vector.shape_cast %get3A_355 : vector<1x16xi32> to vector<16xi32>
    %and3A_357 = arith.constant 16383 : i32
    %and3A_358 = vector.broadcast %and3A_357 : i32 to vector<16xi32>
    %and3A_359 = arith.andi %get3A_356, %and3A_358 : vector<16xi32>
    %swap3A_360 = arith.constant 1 : i32
    %swap3A_361 = arith.index_cast %swap3A_360 : i32 to index
    %swap3A_362 = arith.constant 112 : index
    %swap3A_363 = tpu.vector_load %arg7[%swap3A_361, %swap3A_362] {strides = array<i32>} : memref<2x128xi32, #tpu.memory_space<vmem>>, vector<1x16xi32>,
    %swap3A_364 = vector.shape_cast %swap3A_363 : vector<1x16xi32> to vector<16xi32>
    %swap3A_365 = vector.shape_cast %and3A_359 : vector<16xi32> to vector<1x16xi32>
    tpu.vector_store %arg7[%swap3A_361, %swap3A_362], %swap3A_365 {strides = array<i32>} : memref<2x128xi32, #tpu.memory_space<vmem>>, vector<1x16xi32>,
    %shift_right_logical3A_366 = arith.constant 14 : i32
    %shift_right_logical3A_367 = vector.broadcast %shift_right_logical3A_366 : i32 to vector<16xi32>
    %shift_right_logical3A_368 = arith.shrui %get3A_356, %shift_right_logical3A_367 : vector<16xi32>
    %swap3A_369 = arith.constant 1 : i32
    %swap3A_370 = arith.index_cast %swap3A_369 : i32 to index
    %swap3A_371 = arith.constant 112 : index
    %swap3A_372 = tpu.vector_load %arg8[%swap3A_370, %swap3A_371] {strides = array<i32>} : memref<2x128xi32, #tpu.memory_space<vmem>>, vector<1x16xi32>,
    %swap3A_373 = vector.shape_cast %swap3A_372 : vector<1x16xi32> to vector<16xi32>
    %swap3A_374 = vector.shape_cast %shift_right_logical3A_368 : vector<16xi32> to vector<1x16xi32>
    tpu.vector_store %arg8[%swap3A_370, %swap3A_371], %swap3A_374 {strides = array<i32>} : memref<2x128xi32, #tpu.memory_space<vmem>>, vector<1x16xi32>,
    %dma_start3A_375 = arith.constant 1 : i32
    %dma_start3A_376 = arith.constant 0 : i32
    %dma_start3A_377 = tpu.memref_slice %arg7[%dma_start3A_375, %dma_start3A_376] : memref<2x128xi32, #tpu.memory_space<vmem>> -> memref<1x128xi32, #tpu.memory_space<vmem>>
    %dma_start3A_378 = tpu.memref_squeeze %dma_start3A_377 : memref<1x128xi32, #tpu.memory_space<vmem>> -> memref<128xi32, #tpu.memory_space<vmem>>
    %dma_start3A_379 = arith.constant 0 : i32
    %dma_start3A_380 = arith.constant 0 : i32
    %dma_start3A_381 = tpu.memref_slice %arg2[%dma_start3A_379, %dma_start3A_380] : memref<10000x128xf32, #tpu.memory_space<hbm>> -> memref<10000x128xf32, #tpu.memory_space<hbm>>
    tpu.enqueue_indirect_dma source(%dma_start3A_381 : memref<10000x128xf32, #tpu.memory_space<hbm>>) target(%arg10 : memref<128x128xf32, #tpu.memory_space<vmem>>) offsets(%dma_start3A_378 : memref<128xi32, #tpu.memory_space<vmem>>) semaphore(%arg13 : memref<!tpu.dma_semaphore, #tpu.memory_space<semaphore_mem>>)
    %dma_wait3A = arith.constant 0 : i32
    %dma_wait3A_382 = arith.constant 0 : i32
    %dma_wait3A_383 = tpu.memref_slice %arg7[%dma_wait3A, %dma_wait3A_382] : memref<2x128xi32, #tpu.memory_space<vmem>> -> memref<1x128xi32, #tpu.memory_space<vmem>>
    %dma_wait3A_384 = tpu.memref_squeeze %dma_wait3A_383 : memref<1x128xi32, #tpu.memory_space<vmem>> -> memref<128xi32, #tpu.memory_space<vmem>>
    %dma_wait3A_385 = arith.constant 0 : i32
    %dma_wait3A_386 = arith.constant 0 : i32
    %dma_wait3A_387 = tpu.memref_slice %arg2[%dma_wait3A_385, %dma_wait3A_386] : memref<10000x128xf32, #tpu.memory_space<hbm>> -> memref<10000x128xf32, #tpu.memory_space<hbm>>
    tpu.wait_indirect_dma semaphore(%arg12 : memref<!tpu.dma_semaphore, #tpu.memory_space<semaphore_mem>>) src(%dma_wait3A_387 : memref<10000x128xf32, #tpu.memory_space<hbm>>) dst(%arg9 : memref<128x128xf32, #tpu.memory_space<vmem>>)
    %barrier3A = arith.constant 0 : index
    tpu.barrier barrier_id(%barrier3A)
    %dma_start3A_388 = arith.constant 0 : i32
    %dma_start3A_389 = arith.constant 0 : i32
    %dma_start3A_390 = tpu.memref_slice %arg8[%dma_start3A_388, %dma_start3A_389] : memref<2x128xi32, #tpu.memory_space<vmem>> -> memref<1x128xi32, #tpu.memory_space<vmem>>
    %dma_start3A_391 = tpu.memref_squeeze %dma_start3A_390 : memref<1x128xi32, #tpu.memory_space<vmem>> -> memref<128xi32, #tpu.memory_space<vmem>>
    %dma_start3A_392 = arith.constant 0 : i32
    %dma_start3A_393 = arith.constant 0 : i32
    %dma_start3A_394 = tpu.memref_slice %arg11[%dma_start3A_392, %dma_start3A_393] : memref<10112x128xf32, #tpu.memory_space<vmem_shared>> -> memref<10112x128xf32, #tpu.memory_space<vmem_shared>>
    tpu.enqueue_indirect_dma source(%arg9 : memref<128x128xf32, #tpu.memory_space<vmem>>) target(%dma_start3A_394 : memref<10112x128xf32, #tpu.memory_space<vmem_shared>>) offsets(%dma_start3A_391 : memref<128xi32, #tpu.memory_space<vmem>>) semaphore(%arg14 : memref<!tpu.dma_semaphore, #tpu.memory_space<semaphore_mem>>) {add = true}
    %scan3A = arith.constant 0 : i32
    %scan3A_395 = arith.constant 39 : i32
    %scan3A_396 = arith.addi %scan3A, %scan3A_395 : i32
    %scan3A_397 = arith.constant 1 : i32
    scf.for %scan3A_432 = %scan3A to %scan3A_396 step %scan3A_397  : i32 {
      %mul3A_433 = arith.constant 2 : i32
      %mul3A_434 = arith.muli %scan3A_432, %mul3A_433 : i32
      %add3A_435 = arith.constant 1 : i32
      %add3A_436 = arith.addi %add3A_435, %mul3A_434 : i32
      %add3A_437 = arith.constant 0 : i32
      %add3A_438 = arith.addi %add3A_436, %add3A_437 : i32
      %dma_wait3A_439 = arith.constant 0 : i32
      %dma_wait3A_440 = arith.constant 0 : i32
      %dma_wait3A_441 = tpu.memref_slice %arg8[%dma_wait3A_439, %dma_wait3A_440] : memref<2x128xi32, #tpu.memory_space<vmem>> -> memref<1x128xi32, #tpu.memory_space<vmem>>
      %dma_wait3A_442 = tpu.memref_squeeze %dma_wait3A_441 : memref<1x128xi32, #tpu.memory_space<vmem>> -> memref<128xi32, #tpu.memory_space<vmem>>
      %dma_wait3A_443 = arith.constant 0 : i32
      %dma_wait3A_444 = arith.constant 0 : i32
      %dma_wait3A_445 = tpu.memref_slice %arg11[%dma_wait3A_443, %dma_wait3A_444] : memref<10112x128xf32, #tpu.memory_space<vmem_shared>> -> memref<10112x128xf32, #tpu.memory_space<vmem_shared>>
      tpu.wait_indirect_dma semaphore(%arg14 : memref<!tpu.dma_semaphore, #tpu.memory_space<semaphore_mem>>) src(%arg9 : memref<128x128xf32, #tpu.memory_space<vmem>>) dst(%dma_wait3A_445 : memref<10112x128xf32, #tpu.memory_space<vmem_shared>>)
      %add3A_446 = arith.constant 1 : i32
      %add3A_447 = arith.addi %add3A_438, %add3A_446 : i32
      %get3A_448 = arith.index_cast %add3A_447 : i32 to index
      %get3A_449 = arith.constant 0 : index
      %get3A_450 = tpu.vector_load %arg6[%get3A_448, %get3A_449] {strides = array<i32>} : memref<80x128xi32, #tpu.memory_space<vmem>>, vector<1x16xi32>,
      %get3A_451 = vector.shape_cast %get3A_450 : vector<1x16xi32> to vector<16xi32>
      %and3A_452 = arith.constant 16383 : i32
      %and3A_453 = vector.broadcast %and3A_452 : i32 to vector<16xi32>
      %and3A_454 = arith.andi %get3A_451, %and3A_453 : vector<16xi32>
      %swap3A_455 = arith.constant 0 : i32
      %swap3A_456 = arith.index_cast %swap3A_455 : i32 to index
      %swap3A_457 = arith.constant 0 : index
      %swap3A_458 = tpu.vector_load %arg7[%swap3A_456, %swap3A_457] {strides = array<i32>} : memref<2x128xi32, #tpu.memory_space<vmem>>, vector<1x16xi32>,
      %swap3A_459 = vector.shape_cast %swap3A_458 : vector<1x16xi32> to vector<16xi32>
      %swap3A_460 = vector.shape_cast %and3A_454 : vector<16xi32> to vector<1x16xi32>
      tpu.vector_store %arg7[%swap3A_456, %swap3A_457], %swap3A_460 {strides = array<i32>} : memref<2x128xi32, #tpu.memory_space<vmem>>, vector<1x16xi32>,
      %shift_right_logical3A_461 = arith.constant 14 : i32
      %shift_right_logical3A_462 = vector.broadcast %shift_right_logical3A_461 : i32 to vector<16xi32>
      %shift_right_logical3A_463 = arith.shrui %get3A_451, %shift_right_logical3A_462 : vector<16xi32>
      %swap3A_464 = arith.constant 0 : i32
      %swap3A_465 = arith.index_cast %swap3A_464 : i32 to index
      %swap3A_466 = arith.constant 0 : index
      %swap3A_467 = tpu.vector_load %arg8[%swap3A_465, %swap3A_466] {strides = array<i32>} : memref<2x128xi32, #tpu.memory_space<vmem>>, vector<1x16xi32>,
      %swap3A_468 = vector.shape_cast %swap3A_467 : vector<1x16xi32> to vector<16xi32>
      %swap3A_469 = vector.shape_cast %shift_right_logical3A_463 : vector<16xi32> to vector<1x16xi32>
      tpu.vector_store %arg8[%swap3A_465, %swap3A_466], %swap3A_469 {strides = array<i32>} : memref<2x128xi32, #tpu.memory_space<vmem>>, vector<1x16xi32>,
      %get3A_470 = arith.index_cast %add3A_447 : i32 to index
      %get3A_471 = arith.constant 16 : index
      %get3A_472 = tpu.vector_load %arg6[%get3A_470, %get3A_471] {strides = array<i32>} : memref<80x128xi32, #tpu.memory_space<vmem>>, vector<1x16xi32>,
      %get3A_473 = vector.shape_cast %get3A_472 : vector<1x16xi32> to vector<16xi32>
      %and3A_474 = arith.constant 16383 : i32
      %and3A_475 = vector.broadcast %and3A_474 : i32 to vector<16xi32>
      %and3A_476 = arith.andi %get3A_473, %and3A_475 : vector<16xi32>
      %swap3A_477 = arith.constant 0 : i32
      %swap3A_478 = arith.index_cast %swap3A_477 : i32 to index
      %swap3A_479 = arith.constant 16 : index
      %swap3A_480 = tpu.vector_load %arg7[%swap3A_478, %swap3A_479] {strides = array<i32>} : memref<2x128xi32, #tpu.memory_space<vmem>>, vector<1x16xi32>,
      %swap3A_481 = vector.shape_cast %swap3A_480 : vector<1x16xi32> to vector<16xi32>
      %swap3A_482 = vector.shape_cast %and3A_476 : vector<16xi32> to vector<1x16xi32>
      tpu.vector_store %arg7[%swap3A_478, %swap3A_479], %swap3A_482 {strides = array<i32>} : memref<2x128xi32, #tpu.memory_space<vmem>>, vector<1x16xi32>,
      %shift_right_logical3A_483 = arith.constant 14 : i32
      %shift_right_logical3A_484 = vector.broadcast %shift_right_logical3A_483 : i32 to vector<16xi32>
      %shift_right_logical3A_485 = arith.shrui %get3A_473, %shift_right_logical3A_484 : vector<16xi32>
      %swap3A_486 = arith.constant 0 : i32
      %swap3A_487 = arith.index_cast %swap3A_486 : i32 to index
      %swap3A_488 = arith.constant 16 : index
      %swap3A_489 = tpu.vector_load %arg8[%swap3A_487, %swap3A_488] {strides = array<i32>} : memref<2x128xi32, #tpu.memory_space<vmem>>, vector<1x16xi32>,
      %swap3A_490 = vector.shape_cast %swap3A_489 : vector<1x16xi32> to vector<16xi32>
      %swap3A_491 = vector.shape_cast %shift_right_logical3A_485 : vector<16xi32> to vector<1x16xi32>
      tpu.vector_store %arg8[%swap3A_487, %swap3A_488], %swap3A_491 {strides = array<i32>} : memref<2x128xi32, #tpu.memory_space<vmem>>, vector<1x16xi32>,
      %get3A_492 = arith.index_cast %add3A_447 : i32 to index
      %get3A_493 = arith.constant 32 : index
      %get3A_494 = tpu.vector_load %arg6[%get3A_492, %get3A_493] {strides = array<i32>} : memref<80x128xi32, #tpu.memory_space<vmem>>, vector<1x16xi32>,
      %get3A_495 = vector.shape_cast %get3A_494 : vector<1x16xi32> to vector<16xi32>
      %and3A_496 = arith.constant 16383 : i32
      %and3A_497 = vector.broadcast %and3A_496 : i32 to vector<16xi32>
      %and3A_498 = arith.andi %get3A_495, %and3A_497 : vector<16xi32>
      %swap3A_499 = arith.constant 0 : i32
      %swap3A_500 = arith.index_cast %swap3A_499 : i32 to index
      %swap3A_501 = arith.constant 32 : index
      %swap3A_502 = tpu.vector_load %arg7[%swap3A_500, %swap3A_501] {strides = array<i32>} : memref<2x128xi32, #tpu.memory_space<vmem>>, vector<1x16xi32>,
      %swap3A_503 = vector.shape_cast %swap3A_502 : vector<1x16xi32> to vector<16xi32>
      %swap3A_504 = vector.shape_cast %and3A_498 : vector<16xi32> to vector<1x16xi32>
      tpu.vector_store %arg7[%swap3A_500, %swap3A_501], %swap3A_504 {strides = array<i32>} : memref<2x128xi32, #tpu.memory_space<vmem>>, vector<1x16xi32>,
      %shift_right_logical3A_505 = arith.constant 14 : i32
      %shift_right_logical3A_506 = vector.broadcast %shift_right_logical3A_505 : i32 to vector<16xi32>
      %shift_right_logical3A_507 = arith.shrui %get3A_495, %shift_right_logical3A_506 : vector<16xi32>
      %swap3A_508 = arith.constant 0 : i32
      %swap3A_509 = arith.index_cast %swap3A_508 : i32 to index
      %swap3A_510 = arith.constant 32 : index
      %swap3A_511 = tpu.vector_load %arg8[%swap3A_509, %swap3A_510] {strides = array<i32>} : memref<2x128xi32, #tpu.memory_space<vmem>>, vector<1x16xi32>,
      %swap3A_512 = vector.shape_cast %swap3A_511 : vector<1x16xi32> to vector<16xi32>
      %swap3A_513 = vector.shape_cast %shift_right_logical3A_507 : vector<16xi32> to vector<1x16xi32>
      tpu.vector_store %arg8[%swap3A_509, %swap3A_510], %swap3A_513 {strides = array<i32>} : memref<2x128xi32, #tpu.memory_space<vmem>>, vector<1x16xi32>,
      %get3A_514 = arith.index_cast %add3A_447 : i32 to index
      %get3A_515 = arith.constant 48 : index
      %get3A_516 = tpu.vector_load %arg6[%get3A_514, %get3A_515] {strides = array<i32>} : memref<80x128xi32, #tpu.memory_space<vmem>>, vector<1x16xi32>,
      %get3A_517 = vector.shape_cast %get3A_516 : vector<1x16xi32> to vector<16xi32>
      %and3A_518 = arith.constant 16383 : i32
      %and3A_519 = vector.broadcast %and3A_518 : i32 to vector<16xi32>
      %and3A_520 = arith.andi %get3A_517, %and3A_519 : vector<16xi32>
      %swap3A_521 = arith.constant 0 : i32
      %swap3A_522 = arith.index_cast %swap3A_521 : i32 to index
      %swap3A_523 = arith.constant 48 : index
      %swap3A_524 = tpu.vector_load %arg7[%swap3A_522, %swap3A_523] {strides = array<i32>} : memref<2x128xi32, #tpu.memory_space<vmem>>, vector<1x16xi32>,
      %swap3A_525 = vector.shape_cast %swap3A_524 : vector<1x16xi32> to vector<16xi32>
      %swap3A_526 = vector.shape_cast %and3A_520 : vector<16xi32> to vector<1x16xi32>
      tpu.vector_store %arg7[%swap3A_522, %swap3A_523], %swap3A_526 {strides = array<i32>} : memref<2x128xi32, #tpu.memory_space<vmem>>, vector<1x16xi32>,
      %shift_right_logical3A_527 = arith.constant 14 : i32
      %shift_right_logical3A_528 = vector.broadcast %shift_right_logical3A_527 : i32 to vector<16xi32>
      %shift_right_logical3A_529 = arith.shrui %get3A_517, %shift_right_logical3A_528 : vector<16xi32>
      %swap3A_530 = arith.constant 0 : i32
      %swap3A_531 = arith.index_cast %swap3A_530 : i32 to index
      %swap3A_532 = arith.constant 48 : index
      %swap3A_533 = tpu.vector_load %arg8[%swap3A_531, %swap3A_532] {strides = array<i32>} : memref<2x128xi32, #tpu.memory_space<vmem>>, vector<1x16xi32>,
      %swap3A_534 = vector.shape_cast %swap3A_533 : vector<1x16xi32> to vector<16xi32>
      %swap3A_535 = vector.shape_cast %shift_right_logical3A_529 : vector<16xi32> to vector<1x16xi32>
      tpu.vector_store %arg8[%swap3A_531, %swap3A_532], %swap3A_535 {strides = array<i32>} : memref<2x128xi32, #tpu.memory_space<vmem>>, vector<1x16xi32>,
      %get3A_536 = arith.index_cast %add3A_447 : i32 to index
      %get3A_537 = arith.constant 64 : index
      %get3A_538 = tpu.vector_load %arg6[%get3A_536, %get3A_537] {strides = array<i32>} : memref<80x128xi32, #tpu.memory_space<vmem>>, vector<1x16xi32>,
      %get3A_539 = vector.shape_cast %get3A_538 : vector<1x16xi32> to vector<16xi32>
      %and3A_540 = arith.constant 16383 : i32
      %and3A_541 = vector.broadcast %and3A_540 : i32 to vector<16xi32>
      %and3A_542 = arith.andi %get3A_539, %and3A_541 : vector<16xi32>
      %swap3A_543 = arith.constant 0 : i32
      %swap3A_544 = arith.index_cast %swap3A_543 : i32 to index
      %swap3A_545 = arith.constant 64 : index
      %swap3A_546 = tpu.vector_load %arg7[%swap3A_544, %swap3A_545] {strides = array<i32>} : memref<2x128xi32, #tpu.memory_space<vmem>>, vector<1x16xi32>,
      %swap3A_547 = vector.shape_cast %swap3A_546 : vector<1x16xi32> to vector<16xi32>
      %swap3A_548 = vector.shape_cast %and3A_542 : vector<16xi32> to vector<1x16xi32>
      tpu.vector_store %arg7[%swap3A_544, %swap3A_545], %swap3A_548 {strides = array<i32>} : memref<2x128xi32, #tpu.memory_space<vmem>>, vector<1x16xi32>,
      %shift_right_logical3A_549 = arith.constant 14 : i32
      %shift_right_logical3A_550 = vector.broadcast %shift_right_logical3A_549 : i32 to vector<16xi32>
      %shift_right_logical3A_551 = arith.shrui %get3A_539, %shift_right_logical3A_550 : vector<16xi32>
      %swap3A_552 = arith.constant 0 : i32
      %swap3A_553 = arith.index_cast %swap3A_552 : i32 to index
      %swap3A_554 = arith.constant 64 : index
      %swap3A_555 = tpu.vector_load %arg8[%swap3A_553, %swap3A_554] {strides = array<i32>} : memref<2x128xi32, #tpu.memory_space<vmem>>, vector<1x16xi32>,
      %swap3A_556 = vector.shape_cast %swap3A_555 : vector<1x16xi32> to vector<16xi32>
      %swap3A_557 = vector.shape_cast %shift_right_logical3A_551 : vector<16xi32> to vector<1x16xi32>
      tpu.vector_store %arg8[%swap3A_553, %swap3A_554], %swap3A_557 {strides = array<i32>} : memref<2x128xi32, #tpu.memory_space<vmem>>, vector<1x16xi32>,
      %get3A_558 = arith.index_cast %add3A_447 : i32 to index
      %get3A_559 = arith.constant 80 : index
      %get3A_560 = tpu.vector_load %arg6[%get3A_558, %get3A_559] {strides = array<i32>} : memref<80x128xi32, #tpu.memory_space<vmem>>, vector<1x16xi32>,
      %get3A_561 = vector.shape_cast %get3A_560 : vector<1x16xi32> to vector<16xi32>
      %and3A_562 = arith.constant 16383 : i32
      %and3A_563 = vector.broadcast %and3A_562 : i32 to vector<16xi32>
      %and3A_564 = arith.andi %get3A_561, %and3A_563 : vector<16xi32>
      %swap3A_565 = arith.constant 0 : i32
      %swap3A_566 = arith.index_cast %swap3A_565 : i32 to index
      %swap3A_567 = arith.constant 80 : index
      %swap3A_568 = tpu.vector_load %arg7[%swap3A_566, %swap3A_567] {strides = array<i32>} : memref<2x128xi32, #tpu.memory_space<vmem>>, vector<1x16xi32>,
      %swap3A_569 = vector.shape_cast %swap3A_568 : vector<1x16xi32> to vector<16xi32>
      %swap3A_570 = vector.shape_cast %and3A_564 : vector<16xi32> to vector<1x16xi32>
      tpu.vector_store %arg7[%swap3A_566, %swap3A_567], %swap3A_570 {strides = array<i32>} : memref<2x128xi32, #tpu.memory_space<vmem>>, vector<1x16xi32>,
      %shift_right_logical3A_571 = arith.constant 14 : i32
      %shift_right_logical3A_572 = vector.broadcast %shift_right_logical3A_571 : i32 to vector<16xi32>
      %shift_right_logical3A_573 = arith.shrui %get3A_561, %shift_right_logical3A_572 : vector<16xi32>
      %swap3A_574 = arith.constant 0 : i32
      %swap3A_575 = arith.index_cast %swap3A_574 : i32 to index
      %swap3A_576 = arith.constant 80 : index
      %swap3A_577 = tpu.vector_load %arg8[%swap3A_575, %swap3A_576] {strides = array<i32>} : memref<2x128xi32, #tpu.memory_space<vmem>>, vector<1x16xi32>,
      %swap3A_578 = vector.shape_cast %swap3A_577 : vector<1x16xi32> to vector<16xi32>
      %swap3A_579 = vector.shape_cast %shift_right_logical3A_573 : vector<16xi32> to vector<1x16xi32>
      tpu.vector_store %arg8[%swap3A_575, %swap3A_576], %swap3A_579 {strides = array<i32>} : memref<2x128xi32, #tpu.memory_space<vmem>>, vector<1x16xi32>,
      %get3A_580 = arith.index_cast %add3A_447 : i32 to index
      %get3A_581 = arith.constant 96 : index
      %get3A_582 = tpu.vector_load %arg6[%get3A_580, %get3A_581] {strides = array<i32>} : memref<80x128xi32, #tpu.memory_space<vmem>>, vector<1x16xi32>,
      %get3A_583 = vector.shape_cast %get3A_582 : vector<1x16xi32> to vector<16xi32>
      %and3A_584 = arith.constant 16383 : i32
      %and3A_585 = vector.broadcast %and3A_584 : i32 to vector<16xi32>
      %and3A_586 = arith.andi %get3A_583, %and3A_585 : vector<16xi32>
      %swap3A_587 = arith.constant 0 : i32
      %swap3A_588 = arith.index_cast %swap3A_587 : i32 to index
      %swap3A_589 = arith.constant 96 : index
      %swap3A_590 = tpu.vector_load %arg7[%swap3A_588, %swap3A_589] {strides = array<i32>} : memref<2x128xi32, #tpu.memory_space<vmem>>, vector<1x16xi32>,
      %swap3A_591 = vector.shape_cast %swap3A_590 : vector<1x16xi32> to vector<16xi32>
      %swap3A_592 = vector.shape_cast %and3A_586 : vector<16xi32> to vector<1x16xi32>
      tpu.vector_store %arg7[%swap3A_588, %swap3A_589], %swap3A_592 {strides = array<i32>} : memref<2x128xi32, #tpu.memory_space<vmem>>, vector<1x16xi32>,
      %shift_right_logical3A_593 = arith.constant 14 : i32
      %shift_right_logical3A_594 = vector.broadcast %shift_right_logical3A_593 : i32 to vector<16xi32>
      %shift_right_logical3A_595 = arith.shrui %get3A_583, %shift_right_logical3A_594 : vector<16xi32>
      %swap3A_596 = arith.constant 0 : i32
      %swap3A_597 = arith.index_cast %swap3A_596 : i32 to index
      %swap3A_598 = arith.constant 96 : index
      %swap3A_599 = tpu.vector_load %arg8[%swap3A_597, %swap3A_598] {strides = array<i32>} : memref<2x128xi32, #tpu.memory_space<vmem>>, vector<1x16xi32>,
      %swap3A_600 = vector.shape_cast %swap3A_599 : vector<1x16xi32> to vector<16xi32>
      %swap3A_601 = vector.shape_cast %shift_right_logical3A_595 : vector<16xi32> to vector<1x16xi32>
      tpu.vector_store %arg8[%swap3A_597, %swap3A_598], %swap3A_601 {strides = array<i32>} : memref<2x128xi32, #tpu.memory_space<vmem>>, vector<1x16xi32>,
      %get3A_602 = arith.index_cast %add3A_447 : i32 to index
      %get3A_603 = arith.constant 112 : index
      %get3A_604 = tpu.vector_load %arg6[%get3A_602, %get3A_603] {strides = array<i32>} : memref<80x128xi32, #tpu.memory_space<vmem>>, vector<1x16xi32>,
      %get3A_605 = vector.shape_cast %get3A_604 : vector<1x16xi32> to vector<16xi32>
      %and3A_606 = arith.constant 16383 : i32
      %and3A_607 = vector.broadcast %and3A_606 : i32 to vector<16xi32>
      %and3A_608 = arith.andi %get3A_605, %and3A_607 : vector<16xi32>
      %swap3A_609 = arith.constant 0 : i32
      %swap3A_610 = arith.index_cast %swap3A_609 : i32 to index
      %swap3A_611 = arith.constant 112 : index
      %swap3A_612 = tpu.vector_load %arg7[%swap3A_610, %swap3A_611] {strides = array<i32>} : memref<2x128xi32, #tpu.memory_space<vmem>>, vector<1x16xi32>,
      %swap3A_613 = vector.shape_cast %swap3A_612 : vector<1x16xi32> to vector<16xi32>
      %swap3A_614 = vector.shape_cast %and3A_608 : vector<16xi32> to vector<1x16xi32>
      tpu.vector_store %arg7[%swap3A_610, %swap3A_611], %swap3A_614 {strides = array<i32>} : memref<2x128xi32, #tpu.memory_space<vmem>>, vector<1x16xi32>,
      %shift_right_logical3A_615 = arith.constant 14 : i32
      %shift_right_logical3A_616 = vector.broadcast %shift_right_logical3A_615 : i32 to vector<16xi32>
      %shift_right_logical3A_617 = arith.shrui %get3A_605, %shift_right_logical3A_616 : vector<16xi32>
      %swap3A_618 = arith.constant 0 : i32
      %swap3A_619 = arith.index_cast %swap3A_618 : i32 to index
      %swap3A_620 = arith.constant 112 : index
      %swap3A_621 = tpu.vector_load %arg8[%swap3A_619, %swap3A_620] {strides = array<i32>} : memref<2x128xi32, #tpu.memory_space<vmem>>, vector<1x16xi32>,
      %swap3A_622 = vector.shape_cast %swap3A_621 : vector<1x16xi32> to vector<16xi32>
      %swap3A_623 = vector.shape_cast %shift_right_logical3A_617 : vector<16xi32> to vector<1x16xi32>
      tpu.vector_store %arg8[%swap3A_619, %swap3A_620], %swap3A_623 {strides = array<i32>} : memref<2x128xi32, #tpu.memory_space<vmem>>, vector<1x16xi32>,
      %dma_start3A_624 = arith.constant 0 : i32
      %dma_start3A_625 = arith.constant 0 : i32
      %dma_start3A_626 = tpu.memref_slice %arg7[%dma_start3A_624, %dma_start3A_625] : memref<2x128xi32, #tpu.memory_space<vmem>> -> memref<1x128xi32, #tpu.memory_space<vmem>>
      %dma_start3A_627 = tpu.memref_squeeze %dma_start3A_626 : memref<1x128xi32, #tpu.memory_space<vmem>> -> memref<128xi32, #tpu.memory_space<vmem>>
      %dma_start3A_628 = arith.constant 0 : i32
      %dma_start3A_629 = arith.constant 0 : i32
      %dma_start3A_630 = tpu.memref_slice %arg2[%dma_start3A_628, %dma_start3A_629] : memref<10000x128xf32, #tpu.memory_space<hbm>> -> memref<10000x128xf32, #tpu.memory_space<hbm>>
      tpu.enqueue_indirect_dma source(%dma_start3A_630 : memref<10000x128xf32, #tpu.memory_space<hbm>>) target(%arg9 : memref<128x128xf32, #tpu.memory_space<vmem>>) offsets(%dma_start3A_627 : memref<128xi32, #tpu.memory_space<vmem>>) semaphore(%arg12 : memref<!tpu.dma_semaphore, #tpu.memory_space<semaphore_mem>>)
      %dma_wait3A_631 = arith.constant 1 : i32
      %dma_wait3A_632 = arith.constant 0 : i32
      %dma_wait3A_633 = tpu.memref_slice %arg7[%dma_wait3A_631, %dma_wait3A_632] : memref<2x128xi32, #tpu.memory_space<vmem>> -> memref<1x128xi32, #tpu.memory_space<vmem>>
      %dma_wait3A_634 = tpu.memref_squeeze %dma_wait3A_633 : memref<1x128xi32, #tpu.memory_space<vmem>> -> memref<128xi32, #tpu.memory_space<vmem>>
      %dma_wait3A_635 = arith.constant 0 : i32
      %dma_wait3A_636 = arith.constant 0 : i32
      %dma_wait3A_637 = tpu.memref_slice %arg2[%dma_wait3A_635, %dma_wait3A_636] : memref<10000x128xf32, #tpu.memory_space<hbm>> -> memref<10000x128xf32, #tpu.memory_space<hbm>>
      tpu.wait_indirect_dma semaphore(%arg13 : memref<!tpu.dma_semaphore, #tpu.memory_space<semaphore_mem>>) src(%dma_wait3A_637 : memref<10000x128xf32, #tpu.memory_space<hbm>>) dst(%arg10 : memref<128x128xf32, #tpu.memory_space<vmem>>)
      %dma_start3A_638 = arith.constant 1 : i32
      %dma_start3A_639 = arith.constant 0 : i32
      %dma_start3A_640 = tpu.memref_slice %arg8[%dma_start3A_638, %dma_start3A_639] : memref<2x128xi32, #tpu.memory_space<vmem>> -> memref<1x128xi32, #tpu.memory_space<vmem>>
      %dma_start3A_641 = tpu.memref_squeeze %dma_start3A_640 : memref<1x128xi32, #tpu.memory_space<vmem>> -> memref<128xi32, #tpu.memory_space<vmem>>
      %dma_start3A_642 = arith.constant 0 : i32
      %dma_start3A_643 = arith.constant 0 : i32
      %dma_start3A_644 = tpu.memref_slice %arg11[%dma_start3A_642, %dma_start3A_643] : memref<10112x128xf32, #tpu.memory_space<vmem_shared>> -> memref<10112x128xf32, #tpu.memory_space<vmem_shared>>
      tpu.enqueue_indirect_dma source(%arg10 : memref<128x128xf32, #tpu.memory_space<vmem>>) target(%dma_start3A_644 : memref<10112x128xf32, #tpu.memory_space<vmem_shared>>) offsets(%dma_start3A_641 : memref<128xi32, #tpu.memory_space<vmem>>) semaphore(%arg15 : memref<!tpu.dma_semaphore, #tpu.memory_space<semaphore_mem>>) {add = true}
      %add3A_645 = arith.constant 1 : i32
      %add3A_646 = arith.addi %add3A_436, %add3A_645 : i32
      %dma_wait3A_647 = arith.constant 1 : i32
      %dma_wait3A_648 = arith.constant 0 : i32
      %dma_wait3A_649 = tpu.memref_slice %arg8[%dma_wait3A_647, %dma_wait3A_648] : memref<2x128xi32, #tpu.memory_space<vmem>> -> memref<1x128xi32, #tpu.memory_space<vmem>>
      %dma_wait3A_650 = tpu.memref_squeeze %dma_wait3A_649 : memref<1x128xi32, #tpu.memory_space<vmem>> -> memref<128xi32, #tpu.memory_space<vmem>>
      %dma_wait3A_651 = arith.constant 0 : i32
      %dma_wait3A_652 = arith.constant 0 : i32
      %dma_wait3A_653 = tpu.memref_slice %arg11[%dma_wait3A_651, %dma_wait3A_652] : memref<10112x128xf32, #tpu.memory_space<vmem_shared>> -> memref<10112x128xf32, #tpu.memory_space<vmem_shared>>
      tpu.wait_indirect_dma semaphore(%arg15 : memref<!tpu.dma_semaphore, #tpu.memory_space<semaphore_mem>>) src(%arg10 : memref<128x128xf32, #tpu.memory_space<vmem>>) dst(%dma_wait3A_653 : memref<10112x128xf32, #tpu.memory_space<vmem_shared>>)
      %add3A_654 = arith.constant 1 : i32
      %add3A_655 = arith.addi %add3A_646, %add3A_654 : i32
      %get3A_656 = arith.index_cast %add3A_655 : i32 to index
      %get3A_657 = arith.constant 0 : index
      %get3A_658 = tpu.vector_load %arg6[%get3A_656, %get3A_657] {strides = array<i32>} : memref<80x128xi32, #tpu.memory_space<vmem>>, vector<1x16xi32>,
      %get3A_659 = vector.shape_cast %get3A_658 : vector<1x16xi32> to vector<16xi32>
      %and3A_660 = arith.constant 16383 : i32
      %and3A_661 = vector.broadcast %and3A_660 : i32 to vector<16xi32>
      %and3A_662 = arith.andi %get3A_659, %and3A_661 : vector<16xi32>
      %swap3A_663 = arith.constant 1 : i32
      %swap3A_664 = arith.index_cast %swap3A_663 : i32 to index
      %swap3A_665 = arith.constant 0 : index
      %swap3A_666 = tpu.vector_load %arg7[%swap3A_664, %swap3A_665] {strides = array<i32>} : memref<2x128xi32, #tpu.memory_space<vmem>>, vector<1x16xi32>,
      %swap3A_667 = vector.shape_cast %swap3A_666 : vector<1x16xi32> to vector<16xi32>
      %swap3A_668 = vector.shape_cast %and3A_662 : vector<16xi32> to vector<1x16xi32>
      tpu.vector_store %arg7[%swap3A_664, %swap3A_665], %swap3A_668 {strides = array<i32>} : memref<2x128xi32, #tpu.memory_space<vmem>>, vector<1x16xi32>,
      %shift_right_logical3A_669 = arith.constant 14 : i32
      %shift_right_logical3A_670 = vector.broadcast %shift_right_logical3A_669 : i32 to vector<16xi32>
      %shift_right_logical3A_671 = arith.shrui %get3A_659, %shift_right_logical3A_670 : vector<16xi32>
      %swap3A_672 = arith.constant 1 : i32
      %swap3A_673 = arith.index_cast %swap3A_672 : i32 to index
      %swap3A_674 = arith.constant 0 : index
      %swap3A_675 = tpu.vector_load %arg8[%swap3A_673, %swap3A_674] {strides = array<i32>} : memref<2x128xi32, #tpu.memory_space<vmem>>, vector<1x16xi32>,
      %swap3A_676 = vector.shape_cast %swap3A_675 : vector<1x16xi32> to vector<16xi32>
      %swap3A_677 = vector.shape_cast %shift_right_logical3A_671 : vector<16xi32> to vector<1x16xi32>
      tpu.vector_store %arg8[%swap3A_673, %swap3A_674], %swap3A_677 {strides = array<i32>} : memref<2x128xi32, #tpu.memory_space<vmem>>, vector<1x16xi32>,
      %get3A_678 = arith.index_cast %add3A_655 : i32 to index
      %get3A_679 = arith.constant 16 : index
      %get3A_680 = tpu.vector_load %arg6[%get3A_678, %get3A_679] {strides = array<i32>} : memref<80x128xi32, #tpu.memory_space<vmem>>, vector<1x16xi32>,
      %get3A_681 = vector.shape_cast %get3A_680 : vector<1x16xi32> to vector<16xi32>
      %and3A_682 = arith.constant 16383 : i32
      %and3A_683 = vector.broadcast %and3A_682 : i32 to vector<16xi32>
      %and3A_684 = arith.andi %get3A_681, %and3A_683 : vector<16xi32>
      %swap3A_685 = arith.constant 1 : i32
      %swap3A_686 = arith.index_cast %swap3A_685 : i32 to index
      %swap3A_687 = arith.constant 16 : index
      %swap3A_688 = tpu.vector_load %arg7[%swap3A_686, %swap3A_687] {strides = array<i32>} : memref<2x128xi32, #tpu.memory_space<vmem>>, vector<1x16xi32>,
      %swap3A_689 = vector.shape_cast %swap3A_688 : vector<1x16xi32> to vector<16xi32>
      %swap3A_690 = vector.shape_cast %and3A_684 : vector<16xi32> to vector<1x16xi32>
      tpu.vector_store %arg7[%swap3A_686, %swap3A_687], %swap3A_690 {strides = array<i32>} : memref<2x128xi32, #tpu.memory_space<vmem>>, vector<1x16xi32>,
      %shift_right_logical3A_691 = arith.constant 14 : i32
      %shift_right_logical3A_692 = vector.broadcast %shift_right_logical3A_691 : i32 to vector<16xi32>
      %shift_right_logical3A_693 = arith.shrui %get3A_681, %shift_right_logical3A_692 : vector<16xi32>
      %swap3A_694 = arith.constant 1 : i32
      %swap3A_695 = arith.index_cast %swap3A_694 : i32 to index
      %swap3A_696 = arith.constant 16 : index
      %swap3A_697 = tpu.vector_load %arg8[%swap3A_695, %swap3A_696] {strides = array<i32>} : memref<2x128xi32, #tpu.memory_space<vmem>>, vector<1x16xi32>,
      %swap3A_698 = vector.shape_cast %swap3A_697 : vector<1x16xi32> to vector<16xi32>
      %swap3A_699 = vector.shape_cast %shift_right_logical3A_693 : vector<16xi32> to vector<1x16xi32>
      tpu.vector_store %arg8[%swap3A_695, %swap3A_696], %swap3A_699 {strides = array<i32>} : memref<2x128xi32, #tpu.memory_space<vmem>>, vector<1x16xi32>,
      %get3A_700 = arith.index_cast %add3A_655 : i32 to index
      %get3A_701 = arith.constant 32 : index
      %get3A_702 = tpu.vector_load %arg6[%get3A_700, %get3A_701] {strides = array<i32>} : memref<80x128xi32, #tpu.memory_space<vmem>>, vector<1x16xi32>,
      %get3A_703 = vector.shape_cast %get3A_702 : vector<1x16xi32> to vector<16xi32>
      %and3A_704 = arith.constant 16383 : i32
      %and3A_705 = vector.broadcast %and3A_704 : i32 to vector<16xi32>
      %and3A_706 = arith.andi %get3A_703, %and3A_705 : vector<16xi32>
      %swap3A_707 = arith.constant 1 : i32
      %swap3A_708 = arith.index_cast %swap3A_707 : i32 to index
      %swap3A_709 = arith.constant 32 : index
      %swap3A_710 = tpu.vector_load %arg7[%swap3A_708, %swap3A_709] {strides = array<i32>} : memref<2x128xi32, #tpu.memory_space<vmem>>, vector<1x16xi32>,
      %swap3A_711 = vector.shape_cast %swap3A_710 : vector<1x16xi32> to vector<16xi32>
      %swap3A_712 = vector.shape_cast %and3A_706 : vector<16xi32> to vector<1x16xi32>
      tpu.vector_store %arg7[%swap3A_708, %swap3A_709], %swap3A_712 {strides = array<i32>} : memref<2x128xi32, #tpu.memory_space<vmem>>, vector<1x16xi32>,
      %shift_right_logical3A_713 = arith.constant 14 : i32
      %shift_right_logical3A_714 = vector.broadcast %shift_right_logical3A_713 : i32 to vector<16xi32>
      %shift_right_logical3A_715 = arith.shrui %get3A_703, %shift_right_logical3A_714 : vector<16xi32>
      %swap3A_716 = arith.constant 1 : i32
      %swap3A_717 = arith.index_cast %swap3A_716 : i32 to index
      %swap3A_718 = arith.constant 32 : index
      %swap3A_719 = tpu.vector_load %arg8[%swap3A_717, %swap3A_718] {strides = array<i32>} : memref<2x128xi32, #tpu.memory_space<vmem>>, vector<1x16xi32>,
      %swap3A_720 = vector.shape_cast %swap3A_719 : vector<1x16xi32> to vector<16xi32>
      %swap3A_721 = vector.shape_cast %shift_right_logical3A_715 : vector<16xi32> to vector<1x16xi32>
      tpu.vector_store %arg8[%swap3A_717, %swap3A_718], %swap3A_721 {strides = array<i32>} : memref<2x128xi32, #tpu.memory_space<vmem>>, vector<1x16xi32>,
      %get3A_722 = arith.index_cast %add3A_655 : i32 to index
      %get3A_723 = arith.constant 48 : index
      %get3A_724 = tpu.vector_load %arg6[%get3A_722, %get3A_723] {strides = array<i32>} : memref<80x128xi32, #tpu.memory_space<vmem>>, vector<1x16xi32>,
      %get3A_725 = vector.shape_cast %get3A_724 : vector<1x16xi32> to vector<16xi32>
      %and3A_726 = arith.constant 16383 : i32
      %and3A_727 = vector.broadcast %and3A_726 : i32 to vector<16xi32>
      %and3A_728 = arith.andi %get3A_725, %and3A_727 : vector<16xi32>
      %swap3A_729 = arith.constant 1 : i32
      %swap3A_730 = arith.index_cast %swap3A_729 : i32 to index
      %swap3A_731 = arith.constant 48 : index
      %swap3A_732 = tpu.vector_load %arg7[%swap3A_730, %swap3A_731] {strides = array<i32>} : memref<2x128xi32, #tpu.memory_space<vmem>>, vector<1x16xi32>,
      %swap3A_733 = vector.shape_cast %swap3A_732 : vector<1x16xi32> to vector<16xi32>
      %swap3A_734 = vector.shape_cast %and3A_728 : vector<16xi32> to vector<1x16xi32>
      tpu.vector_store %arg7[%swap3A_730, %swap3A_731], %swap3A_734 {strides = array<i32>} : memref<2x128xi32, #tpu.memory_space<vmem>>, vector<1x16xi32>,
      %shift_right_logical3A_735 = arith.constant 14 : i32
      %shift_right_logical3A_736 = vector.broadcast %shift_right_logical3A_735 : i32 to vector<16xi32>
      %shift_right_logical3A_737 = arith.shrui %get3A_725, %shift_right_logical3A_736 : vector<16xi32>
      %swap3A_738 = arith.constant 1 : i32
      %swap3A_739 = arith.index_cast %swap3A_738 : i32 to index
      %swap3A_740 = arith.constant 48 : index
      %swap3A_741 = tpu.vector_load %arg8[%swap3A_739, %swap3A_740] {strides = array<i32>} : memref<2x128xi32, #tpu.memory_space<vmem>>, vector<1x16xi32>,
      %swap3A_742 = vector.shape_cast %swap3A_741 : vector<1x16xi32> to vector<16xi32>
      %swap3A_743 = vector.shape_cast %shift_right_logical3A_737 : vector<16xi32> to vector<1x16xi32>
      tpu.vector_store %arg8[%swap3A_739, %swap3A_740], %swap3A_743 {strides = array<i32>} : memref<2x128xi32, #tpu.memory_space<vmem>>, vector<1x16xi32>,
      %get3A_744 = arith.index_cast %add3A_655 : i32 to index
      %get3A_745 = arith.constant 64 : index
      %get3A_746 = tpu.vector_load %arg6[%get3A_744, %get3A_745] {strides = array<i32>} : memref<80x128xi32, #tpu.memory_space<vmem>>, vector<1x16xi32>,
      %get3A_747 = vector.shape_cast %get3A_746 : vector<1x16xi32> to vector<16xi32>
      %and3A_748 = arith.constant 16383 : i32
      %and3A_749 = vector.broadcast %and3A_748 : i32 to vector<16xi32>
      %and3A_750 = arith.andi %get3A_747, %and3A_749 : vector<16xi32>
      %swap3A_751 = arith.constant 1 : i32
      %swap3A_752 = arith.index_cast %swap3A_751 : i32 to index
      %swap3A_753 = arith.constant 64 : index
      %swap3A_754 = tpu.vector_load %arg7[%swap3A_752, %swap3A_753] {strides = array<i32>} : memref<2x128xi32, #tpu.memory_space<vmem>>, vector<1x16xi32>,
      %swap3A_755 = vector.shape_cast %swap3A_754 : vector<1x16xi32> to vector<16xi32>
      %swap3A_756 = vector.shape_cast %and3A_750 : vector<16xi32> to vector<1x16xi32>
      tpu.vector_store %arg7[%swap3A_752, %swap3A_753], %swap3A_756 {strides = array<i32>} : memref<2x128xi32, #tpu.memory_space<vmem>>, vector<1x16xi32>,
      %shift_right_logical3A_757 = arith.constant 14 : i32
      %shift_right_logical3A_758 = vector.broadcast %shift_right_logical3A_757 : i32 to vector<16xi32>
      %shift_right_logical3A_759 = arith.shrui %get3A_747, %shift_right_logical3A_758 : vector<16xi32>
      %swap3A_760 = arith.constant 1 : i32
      %swap3A_761 = arith.index_cast %swap3A_760 : i32 to index
      %swap3A_762 = arith.constant 64 : index
      %swap3A_763 = tpu.vector_load %arg8[%swap3A_761, %swap3A_762] {strides = array<i32>} : memref<2x128xi32, #tpu.memory_space<vmem>>, vector<1x16xi32>,
      %swap3A_764 = vector.shape_cast %swap3A_763 : vector<1x16xi32> to vector<16xi32>
      %swap3A_765 = vector.shape_cast %shift_right_logical3A_759 : vector<16xi32> to vector<1x16xi32>
      tpu.vector_store %arg8[%swap3A_761, %swap3A_762], %swap3A_765 {strides = array<i32>} : memref<2x128xi32, #tpu.memory_space<vmem>>, vector<1x16xi32>,
      %get3A_766 = arith.index_cast %add3A_655 : i32 to index
      %get3A_767 = arith.constant 80 : index
      %get3A_768 = tpu.vector_load %arg6[%get3A_766, %get3A_767] {strides = array<i32>} : memref<80x128xi32, #tpu.memory_space<vmem>>, vector<1x16xi32>,
      %get3A_769 = vector.shape_cast %get3A_768 : vector<1x16xi32> to vector<16xi32>
      %and3A_770 = arith.constant 16383 : i32
      %and3A_771 = vector.broadcast %and3A_770 : i32 to vector<16xi32>
      %and3A_772 = arith.andi %get3A_769, %and3A_771 : vector<16xi32>
      %swap3A_773 = arith.constant 1 : i32
      %swap3A_774 = arith.index_cast %swap3A_773 : i32 to index
      %swap3A_775 = arith.constant 80 : index
      %swap3A_776 = tpu.vector_load %arg7[%swap3A_774, %swap3A_775] {strides = array<i32>} : memref<2x128xi32, #tpu.memory_space<vmem>>, vector<1x16xi32>,
      %swap3A_777 = vector.shape_cast %swap3A_776 : vector<1x16xi32> to vector<16xi32>
      %swap3A_778 = vector.shape_cast %and3A_772 : vector<16xi32> to vector<1x16xi32>
      tpu.vector_store %arg7[%swap3A_774, %swap3A_775], %swap3A_778 {strides = array<i32>} : memref<2x128xi32, #tpu.memory_space<vmem>>, vector<1x16xi32>,
      %shift_right_logical3A_779 = arith.constant 14 : i32
      %shift_right_logical3A_780 = vector.broadcast %shift_right_logical3A_779 : i32 to vector<16xi32>
      %shift_right_logical3A_781 = arith.shrui %get3A_769, %shift_right_logical3A_780 : vector<16xi32>
      %swap3A_782 = arith.constant 1 : i32
      %swap3A_783 = arith.index_cast %swap3A_782 : i32 to index
      %swap3A_784 = arith.constant 80 : index
      %swap3A_785 = tpu.vector_load %arg8[%swap3A_783, %swap3A_784] {strides = array<i32>} : memref<2x128xi32, #tpu.memory_space<vmem>>, vector<1x16xi32>,
      %swap3A_786 = vector.shape_cast %swap3A_785 : vector<1x16xi32> to vector<16xi32>
      %swap3A_787 = vector.shape_cast %shift_right_logical3A_781 : vector<16xi32> to vector<1x16xi32>
      tpu.vector_store %arg8[%swap3A_783, %swap3A_784], %swap3A_787 {strides = array<i32>} : memref<2x128xi32, #tpu.memory_space<vmem>>, vector<1x16xi32>,
      %get3A_788 = arith.index_cast %add3A_655 : i32 to index
      %get3A_789 = arith.constant 96 : index
      %get3A_790 = tpu.vector_load %arg6[%get3A_788, %get3A_789] {strides = array<i32>} : memref<80x128xi32, #tpu.memory_space<vmem>>, vector<1x16xi32>,
      %get3A_791 = vector.shape_cast %get3A_790 : vector<1x16xi32> to vector<16xi32>
      %and3A_792 = arith.constant 16383 : i32
      %and3A_793 = vector.broadcast %and3A_792 : i32 to vector<16xi32>
      %and3A_794 = arith.andi %get3A_791, %and3A_793 : vector<16xi32>
      %swap3A_795 = arith.constant 1 : i32
      %swap3A_796 = arith.index_cast %swap3A_795 : i32 to index
      %swap3A_797 = arith.constant 96 : index
      %swap3A_798 = tpu.vector_load %arg7[%swap3A_796, %swap3A_797] {strides = array<i32>} : memref<2x128xi32, #tpu.memory_space<vmem>>, vector<1x16xi32>,
      %swap3A_799 = vector.shape_cast %swap3A_798 : vector<1x16xi32> to vector<16xi32>
      %swap3A_800 = vector.shape_cast %and3A_794 : vector<16xi32> to vector<1x16xi32>
      tpu.vector_store %arg7[%swap3A_796, %swap3A_797], %swap3A_800 {strides = array<i32>} : memref<2x128xi32, #tpu.memory_space<vmem>>, vector<1x16xi32>,
      %shift_right_logical3A_801 = arith.constant 14 : i32
      %shift_right_logical3A_802 = vector.broadcast %shift_right_logical3A_801 : i32 to vector<16xi32>
      %shift_right_logical3A_803 = arith.shrui %get3A_791, %shift_right_logical3A_802 : vector<16xi32>
      %swap3A_804 = arith.constant 1 : i32
      %swap3A_805 = arith.index_cast %swap3A_804 : i32 to index
      %swap3A_806 = arith.constant 96 : index
      %swap3A_807 = tpu.vector_load %arg8[%swap3A_805, %swap3A_806] {strides = array<i32>} : memref<2x128xi32, #tpu.memory_space<vmem>>, vector<1x16xi32>,
      %swap3A_808 = vector.shape_cast %swap3A_807 : vector<1x16xi32> to vector<16xi32>
      %swap3A_809 = vector.shape_cast %shift_right_logical3A_803 : vector<16xi32> to vector<1x16xi32>
      tpu.vector_store %arg8[%swap3A_805, %swap3A_806], %swap3A_809 {strides = array<i32>} : memref<2x128xi32, #tpu.memory_space<vmem>>, vector<1x16xi32>,
      %get3A_810 = arith.index_cast %add3A_655 : i32 to index
      %get3A_811 = arith.constant 112 : index
      %get3A_812 = tpu.vector_load %arg6[%get3A_810, %get3A_811] {strides = array<i32>} : memref<80x128xi32, #tpu.memory_space<vmem>>, vector<1x16xi32>,
      %get3A_813 = vector.shape_cast %get3A_812 : vector<1x16xi32> to vector<16xi32>
      %and3A_814 = arith.constant 16383 : i32
      %and3A_815 = vector.broadcast %and3A_814 : i32 to vector<16xi32>
      %and3A_816 = arith.andi %get3A_813, %and3A_815 : vector<16xi32>
      %swap3A_817 = arith.constant 1 : i32
      %swap3A_818 = arith.index_cast %swap3A_817 : i32 to index
      %swap3A_819 = arith.constant 112 : index
      %swap3A_820 = tpu.vector_load %arg7[%swap3A_818, %swap3A_819] {strides = array<i32>} : memref<2x128xi32, #tpu.memory_space<vmem>>, vector<1x16xi32>,
      %swap3A_821 = vector.shape_cast %swap3A_820 : vector<1x16xi32> to vector<16xi32>
      %swap3A_822 = vector.shape_cast %and3A_816 : vector<16xi32> to vector<1x16xi32>
      tpu.vector_store %arg7[%swap3A_818, %swap3A_819], %swap3A_822 {strides = array<i32>} : memref<2x128xi32, #tpu.memory_space<vmem>>, vector<1x16xi32>,
      %shift_right_logical3A_823 = arith.constant 14 : i32
      %shift_right_logical3A_824 = vector.broadcast %shift_right_logical3A_823 : i32 to vector<16xi32>
      %shift_right_logical3A_825 = arith.shrui %get3A_813, %shift_right_logical3A_824 : vector<16xi32>
      %swap3A_826 = arith.constant 1 : i32
      %swap3A_827 = arith.index_cast %swap3A_826 : i32 to index
      %swap3A_828 = arith.constant 112 : index
      %swap3A_829 = tpu.vector_load %arg8[%swap3A_827, %swap3A_828] {strides = array<i32>} : memref<2x128xi32, #tpu.memory_space<vmem>>, vector<1x16xi32>,
      %swap3A_830 = vector.shape_cast %swap3A_829 : vector<1x16xi32> to vector<16xi32>
      %swap3A_831 = vector.shape_cast %shift_right_logical3A_825 : vector<16xi32> to vector<1x16xi32>
      tpu.vector_store %arg8[%swap3A_827, %swap3A_828], %swap3A_831 {strides = array<i32>} : memref<2x128xi32, #tpu.memory_space<vmem>>, vector<1x16xi32>,
      %dma_start3A_832 = arith.constant 1 : i32
      %dma_start3A_833 = arith.constant 0 : i32
      %dma_start3A_834 = tpu.memref_slice %arg7[%dma_start3A_832, %dma_start3A_833] : memref<2x128xi32, #tpu.memory_space<vmem>> -> memref<1x128xi32, #tpu.memory_space<vmem>>
      %dma_start3A_835 = tpu.memref_squeeze %dma_start3A_834 : memref<1x128xi32, #tpu.memory_space<vmem>> -> memref<128xi32, #tpu.memory_space<vmem>>
      %dma_start3A_836 = arith.constant 0 : i32
      %dma_start3A_837 = arith.constant 0 : i32
      %dma_start3A_838 = tpu.memref_slice %arg2[%dma_start3A_836, %dma_start3A_837] : memref<10000x128xf32, #tpu.memory_space<hbm>> -> memref<10000x128xf32, #tpu.memory_space<hbm>>
      tpu.enqueue_indirect_dma source(%dma_start3A_838 : memref<10000x128xf32, #tpu.memory_space<hbm>>) target(%arg10 : memref<128x128xf32, #tpu.memory_space<vmem>>) offsets(%dma_start3A_835 : memref<128xi32, #tpu.memory_space<vmem>>) semaphore(%arg13 : memref<!tpu.dma_semaphore, #tpu.memory_space<semaphore_mem>>)
      %dma_wait3A_839 = arith.constant 0 : i32
      %dma_wait3A_840 = arith.constant 0 : i32
      %dma_wait3A_841 = tpu.memref_slice %arg7[%dma_wait3A_839, %dma_wait3A_840] : memref<2x128xi32, #tpu.memory_space<vmem>> -> memref<1x128xi32, #tpu.memory_space<vmem>>
      %dma_wait3A_842 = tpu.memref_squeeze %dma_wait3A_841 : memref<1x128xi32, #tpu.memory_space<vmem>> -> memref<128xi32, #tpu.memory_space<vmem>>
      %dma_wait3A_843 = arith.constant 0 : i32
      %dma_wait3A_844 = arith.constant 0 : i32
      %dma_wait3A_845 = tpu.memref_slice %arg2[%dma_wait3A_843, %dma_wait3A_844] : memref<10000x128xf32, #tpu.memory_space<hbm>> -> memref<10000x128xf32, #tpu.memory_space<hbm>>
      tpu.wait_indirect_dma semaphore(%arg12 : memref<!tpu.dma_semaphore, #tpu.memory_space<semaphore_mem>>) src(%dma_wait3A_845 : memref<10000x128xf32, #tpu.memory_space<hbm>>) dst(%arg9 : memref<128x128xf32, #tpu.memory_space<vmem>>)
      %dma_start3A_846 = arith.constant 0 : i32
      %dma_start3A_847 = arith.constant 0 : i32
      %dma_start3A_848 = tpu.memref_slice %arg8[%dma_start3A_846, %dma_start3A_847] : memref<2x128xi32, #tpu.memory_space<vmem>> -> memref<1x128xi32, #tpu.memory_space<vmem>>
      %dma_start3A_849 = tpu.memref_squeeze %dma_start3A_848 : memref<1x128xi32, #tpu.memory_space<vmem>> -> memref<128xi32, #tpu.memory_space<vmem>>
      %dma_start3A_850 = arith.constant 0 : i32
      %dma_start3A_851 = arith.constant 0 : i32
      %dma_start3A_852 = tpu.memref_slice %arg11[%dma_start3A_850, %dma_start3A_851] : memref<10112x128xf32, #tpu.memory_space<vmem_shared>> -> memref<10112x128xf32, #tpu.memory_space<vmem_shared>>
      tpu.enqueue_indirect_dma source(%arg9 : memref<128x128xf32, #tpu.memory_space<vmem>>) target(%dma_start3A_852 : memref<10112x128xf32, #tpu.memory_space<vmem_shared>>) offsets(%dma_start3A_849 : memref<128xi32, #tpu.memory_space<vmem>>) semaphore(%arg14 : memref<!tpu.dma_semaphore, #tpu.memory_space<semaphore_mem>>) {add = true}
    }
    %scan3A_398 = arith.constant 39 : i32
    %dma_wait3A_399 = arith.constant 1 : i32
    %dma_wait3A_400 = arith.constant 0 : i32
    %dma_wait3A_401 = tpu.memref_slice %arg7[%dma_wait3A_399, %dma_wait3A_400] : memref<2x128xi32, #tpu.memory_space<vmem>> -> memref<1x128xi32, #tpu.memory_space<vmem>>
    %dma_wait3A_402 = tpu.memref_squeeze %dma_wait3A_401 : memref<1x128xi32, #tpu.memory_space<vmem>> -> memref<128xi32, #tpu.memory_space<vmem>>
    %dma_wait3A_403 = arith.constant 0 : i32
    %dma_wait3A_404 = arith.constant 0 : i32
    %dma_wait3A_405 = tpu.memref_slice %arg2[%dma_wait3A_403, %dma_wait3A_404] : memref<10000x128xf32, #tpu.memory_space<hbm>> -> memref<10000x128xf32, #tpu.memory_space<hbm>>
    tpu.wait_indirect_dma semaphore(%arg13 : memref<!tpu.dma_semaphore, #tpu.memory_space<semaphore_mem>>) src(%dma_wait3A_405 : memref<10000x128xf32, #tpu.memory_space<hbm>>) dst(%arg10 : memref<128x128xf32, #tpu.memory_space<vmem>>)
    %dma_start3A_406 = arith.constant 1 : i32
    %dma_start3A_407 = arith.constant 0 : i32
    %dma_start3A_408 = tpu.memref_slice %arg8[%dma_start3A_406, %dma_start3A_407] : memref<2x128xi32, #tpu.memory_space<vmem>> -> memref<1x128xi32, #tpu.memory_space<vmem>>
    %dma_start3A_409 = tpu.memref_squeeze %dma_start3A_408 : memref<1x128xi32, #tpu.memory_space<vmem>> -> memref<128xi32, #tpu.memory_space<vmem>>
    %dma_start3A_410 = arith.constant 0 : i32
    %dma_start3A_411 = arith.constant 0 : i32
    %dma_start3A_412 = tpu.memref_slice %arg11[%dma_start3A_410, %dma_start3A_411] : memref<10112x128xf32, #tpu.memory_space<vmem_shared>> -> memref<10112x128xf32, #tpu.memory_space<vmem_shared>>
    tpu.enqueue_indirect_dma source(%arg10 : memref<128x128xf32, #tpu.memory_space<vmem>>) target(%dma_start3A_412 : memref<10112x128xf32, #tpu.memory_space<vmem_shared>>) offsets(%dma_start3A_409 : memref<128xi32, #tpu.memory_space<vmem>>) semaphore(%arg15 : memref<!tpu.dma_semaphore, #tpu.memory_space<semaphore_mem>>) {add = true}
    %dma_wait3A_413 = arith.constant 0 : i32
    %dma_wait3A_414 = arith.constant 0 : i32
    %dma_wait3A_415 = tpu.memref_slice %arg8[%dma_wait3A_413, %dma_wait3A_414] : memref<2x128xi32, #tpu.memory_space<vmem>> -> memref<1x128xi32, #tpu.memory_space<vmem>>
    %dma_wait3A_416 = tpu.memref_squeeze %dma_wait3A_415 : memref<1x128xi32, #tpu.memory_space<vmem>> -> memref<128xi32, #tpu.memory_space<vmem>>
    %dma_wait3A_417 = arith.constant 0 : i32
    %dma_wait3A_418 = arith.constant 0 : i32
    %dma_wait3A_419 = tpu.memref_slice %arg11[%dma_wait3A_417, %dma_wait3A_418] : memref<10112x128xf32, #tpu.memory_space<vmem_shared>> -> memref<10112x128xf32, #tpu.memory_space<vmem_shared>>
    tpu.wait_indirect_dma semaphore(%arg14 : memref<!tpu.dma_semaphore, #tpu.memory_space<semaphore_mem>>) src(%arg9 : memref<128x128xf32, #tpu.memory_space<vmem>>) dst(%dma_wait3A_419 : memref<10112x128xf32, #tpu.memory_space<vmem_shared>>)
    %dma_wait3A_420 = arith.constant 1 : i32
    %dma_wait3A_421 = arith.constant 0 : i32
    %dma_wait3A_422 = tpu.memref_slice %arg8[%dma_wait3A_420, %dma_wait3A_421] : memref<2x128xi32, #tpu.memory_space<vmem>> -> memref<1x128xi32, #tpu.memory_space<vmem>>
    %dma_wait3A_423 = tpu.memref_squeeze %dma_wait3A_422 : memref<1x128xi32, #tpu.memory_space<vmem>> -> memref<128xi32, #tpu.memory_space<vmem>>
    %dma_wait3A_424 = arith.constant 0 : i32
    %dma_wait3A_425 = arith.constant 0 : i32
    %dma_wait3A_426 = tpu.memref_slice %arg11[%dma_wait3A_424, %dma_wait3A_425] : memref<10112x128xf32, #tpu.memory_space<vmem_shared>> -> memref<10112x128xf32, #tpu.memory_space<vmem_shared>>
    tpu.wait_indirect_dma semaphore(%arg15 : memref<!tpu.dma_semaphore, #tpu.memory_space<semaphore_mem>>) src(%arg10 : memref<128x128xf32, #tpu.memory_space<vmem>>) dst(%dma_wait3A_426 : memref<10112x128xf32, #tpu.memory_space<vmem_shared>>)
    %barrier3A_427 = arith.constant 0 : index
    tpu.barrier barrier_id(%barrier3A_427)
    %mul3A_428 = arith.constant 632 : i32
    %mul3A_429 = arith.muli %arg1, %mul3A_428 : i32
    %mul3A_430 = arith.constant 632 : i32
    %mul3A_431 = arith.muli %arg1, %mul3A_430 : i32
    "tpu.region"() ({
      %run_scoped3A = tpu.sem_alloc : memref<!tpu.dma_semaphore, #tpu.memory_space<semaphore_mem>>
      %dma_start3A_432 = arith.constant 0 : i32
      %dma_start3A_433 = arith.constant 0 : i32
      %dma_start3A_434 = tpu.memref_slice %arg5[%arg0, %dma_start3A_432, %dma_start3A_433] : memref<2x10112x128xf32, #tpu.memory_space<hbm>> -> memref<1x10112x128xf32, #tpu.memory_space<hbm>>
      %dma_start3A_435 = tpu.memref_squeeze %dma_start3A_434 : memref<1x10112x128xf32, #tpu.memory_space<hbm>> -> memref<10112x128xf32, #tpu.memory_space<hbm>>
      %dma_start3A_436 = arith.constant 0 : i32
      %dma_start3A_437 = tpu.memref_slice %dma_start3A_435[%mul3A_431, %dma_start3A_436] : memref<10112x128xf32, #tpu.memory_space<hbm>> -> memref<632x128xf32, #tpu.memory_space<hbm>>
      %dma_start3A_438 = arith.constant 0 : i32
      %dma_start3A_439 = tpu.memref_slice %arg11[%mul3A_429, %dma_start3A_438] : memref<10112x128xf32, #tpu.memory_space<vmem_shared>> -> memref<632x128xf32, #tpu.memory_space<vmem_shared>>
      tpu.enqueue_dma source(%dma_start3A_439 : memref<632x128xf32, #tpu.memory_space<vmem_shared>>) target(%dma_start3A_437 : memref<632x128xf32, #tpu.memory_space<hbm>>) target_semaphore(%run_scoped3A : memref<!tpu.dma_semaphore, #tpu.memory_space<semaphore_mem>>)
      %dma_wait3A_440 = arith.constant 0 : i32
      %dma_wait3A_441 = arith.constant 0 : i32
      %dma_wait3A_442 = tpu.memref_slice %arg5[%arg0, %dma_wait3A_440, %dma_wait3A_441] : memref<2x10112x128xf32, #tpu.memory_space<hbm>> -> memref<1x10112x128xf32, #tpu.memory_space<hbm>>
      %dma_wait3A_443 = tpu.memref_squeeze %dma_wait3A_442 : memref<1x10112x128xf32, #tpu.memory_space<hbm>> -> memref<10112x128xf32, #tpu.memory_space<hbm>>
      %dma_wait3A_444 = arith.constant 0 : i32
      %dma_wait3A_445 = tpu.memref_slice %dma_wait3A_443[%mul3A_431, %dma_wait3A_444] : memref<10112x128xf32, #tpu.memory_space<hbm>> -> memref<632x128xf32, #tpu.memory_space<hbm>>
      %dma_wait3A_446 = arith.constant 0 : i32
      %dma_wait3A_447 = tpu.memref_slice %arg11[%mul3A_429, %dma_wait3A_446] : memref<10112x128xf32, #tpu.memory_space<vmem_shared>> -> memref<632x128xf32, #tpu.memory_space<vmem_shared>>
      tpu.wait_dma2 semaphore(%run_scoped3A : memref<!tpu.dma_semaphore, #tpu.memory_space<semaphore_mem>>) src(%dma_wait3A_447 : memref<632x128xf32, #tpu.memory_space<vmem_shared>>) dst(%dma_wait3A_445 : memref<632x128xf32, #tpu.memory_space<hbm>>)
      tpu.yield
    }) : () -> ()
    return
  }
}

#map = affine_map<(d0, d1) -> (0, 0)>
#map1 = affine_map<(d0, d1) -> (0, 0, 0)>
module attributes {stable_mosaic.version = 14 : i64} {
  func.func @seg_kernel(%arg0: i32, %arg1: i32, %arg2: memref<10000x128xf32, #tpu.memory_space<hbm>>, %arg3: memref<32x80x128xi32, #tpu.memory_space<hbm>>, %arg4: memref<10112x128xf32, #tpu.memory_space<hbm>>, %arg5: memref<2x10112x128xf32, #tpu.memory_space<hbm>>, %arg6: memref<80x128xi32, #tpu.memory_space<vmem>>, %arg7: memref<2x128xi32, #tpu.memory_space<vmem>>, %arg8: memref<2x128xi32, #tpu.memory_space<vmem>>, %arg9: memref<128x128xf32, #tpu.memory_space<vmem>>, %arg10: memref<128x128xf32, #tpu.memory_space<vmem>>, %arg11: memref<10112x128xf32, #tpu.memory_space<vmem_shared>>, %arg12: memref<!tpu.dma_semaphore, #tpu.memory_space<semaphore_mem>>, %arg13: memref<!tpu.dma_semaphore, #tpu.memory_space<semaphore_mem>>, %arg14: memref<!tpu.dma_semaphore, #tpu.memory_space<semaphore_mem>>, %arg15: memref<!tpu.dma_semaphore, #tpu.memory_space<semaphore_mem>>) attributes {dimension_semantics = [#tpu.dimension_semantics<core_parallel>, #tpu.dimension_semantics<subcore_parallel>], iteration_bounds = array<i64: 2, 16>, scalar_prefetch = 0 : i64, scratch_operands = 10 : i64, tpu.core_type = #tpu.core_type<sc_vector_subcore>, window_params = [{transform_indices = #map}, {transform_indices = #map1}, {transform_indices = #map}, {transform_indices = #map1}]} {
    %mul3A = arith.constant 2 : i32
    %mul3A_0 = arith.muli %arg1, %mul3A : i32
    %add3A = arith.addi %mul3A_0, %arg0 : i32
    %mul3A_1 = arith.constant 632 : i32
    %mul3A_2 = arith.muli %arg1, %mul3A_1 : i32
    %mul3A_3 = arith.constant 632 : i32
    %mul3A_4 = arith.muli %arg1, %mul3A_3 : i32
    "tpu.region"() ({
      %run_scoped3A = tpu.sem_alloc : memref<!tpu.dma_semaphore, #tpu.memory_space<semaphore_mem>>
      %dma_start3A_432 = arith.constant 0 : i32
      %dma_start3A_433 = tpu.memref_slice %arg11[%mul3A_4, %dma_start3A_432] : memref<10112x128xf32, #tpu.memory_space<vmem_shared>> -> memref<632x128xf32, #tpu.memory_space<vmem_shared>>
      %dma_start3A_434 = arith.constant 0 : i32
      %dma_start3A_435 = tpu.memref_slice %arg4[%mul3A_2, %dma_start3A_434] : memref<10112x128xf32, #tpu.memory_space<hbm>> -> memref<632x128xf32, #tpu.memory_space<hbm>>
      tpu.enqueue_dma source(%dma_start3A_435 : memref<632x128xf32, #tpu.memory_space<hbm>>) target(%dma_start3A_433 : memref<632x128xf32, #tpu.memory_space<vmem_shared>>) target_semaphore(%run_scoped3A : memref<!tpu.dma_semaphore, #tpu.memory_space<semaphore_mem>>)
      %dma_wait3A_436 = arith.constant 0 : i32
      %dma_wait3A_437 = tpu.memref_slice %arg11[%mul3A_4, %dma_wait3A_436] : memref<10112x128xf32, #tpu.memory_space<vmem_shared>> -> memref<632x128xf32, #tpu.memory_space<vmem_shared>>
      %dma_wait3A_438 = arith.constant 0 : i32
      %dma_wait3A_439 = tpu.memref_slice %arg4[%mul3A_2, %dma_wait3A_438] : memref<10112x128xf32, #tpu.memory_space<hbm>> -> memref<632x128xf32, #tpu.memory_space<hbm>>
      tpu.wait_dma2 semaphore(%run_scoped3A : memref<!tpu.dma_semaphore, #tpu.memory_space<semaphore_mem>>) src(%dma_wait3A_439 : memref<632x128xf32, #tpu.memory_space<hbm>>) dst(%dma_wait3A_437 : memref<632x128xf32, #tpu.memory_space<vmem_shared>>)
      tpu.yield
    }) : () -> ()
    "tpu.region"() ({
      %run_scoped3A = tpu.sem_alloc : memref<!tpu.dma_semaphore, #tpu.memory_space<semaphore_mem>>
      %dma_start3A_432 = arith.constant 0 : i32
      %dma_start3A_433 = arith.constant 0 : i32
      %dma_start3A_434 = tpu.memref_slice %arg3[%add3A, %dma_start3A_432, %dma_start3A_433] : memref<32x80x128xi32, #tpu.memory_space<hbm>> -> memref<1x80x128xi32, #tpu.memory_space<hbm>>
      %dma_start3A_435 = tpu.memref_squeeze %dma_start3A_434 : memref<1x80x128xi32, #tpu.memory_space<hbm>> -> memref<80x128xi32, #tpu.memory_space<hbm>>
      %dma_start3A_436 = arith.constant 0 : i32
      %dma_start3A_437 = arith.constant 0 : i32
      %dma_start3A_438 = tpu.memref_slice %arg3[%add3A, %dma_start3A_436, %dma_start3A_437] : memref<32x80x128xi32, #tpu.memory_space<hbm>> -> memref<1x80x128xi32, #tpu.memory_space<hbm>>
      %dma_start3A_439 = tpu.memref_squeeze %dma_start3A_438 : memref<1x80x128xi32, #tpu.memory_space<hbm>> -> memref<80x128xi32, #tpu.memory_space<hbm>>
      tpu.enqueue_dma source(%dma_start3A_439 : memref<80x128xi32, #tpu.memory_space<hbm>>) target(%arg6 : memref<80x128xi32, #tpu.memory_space<vmem>>) target_semaphore(%run_scoped3A : memref<!tpu.dma_semaphore, #tpu.memory_space<semaphore_mem>>)
      %dma_wait3A_440 = arith.constant 0 : i32
      %dma_wait3A_441 = arith.constant 0 : i32
      %dma_wait3A_442 = tpu.memref_slice %arg3[%add3A, %dma_wait3A_440, %dma_wait3A_441] : memref<32x80x128xi32, #tpu.memory_space<hbm>> -> memref<1x80x128xi32, #tpu.memory_space<hbm>>
      %dma_wait3A_443 = tpu.memref_squeeze %dma_wait3A_442 : memref<1x80x128xi32, #tpu.memory_space<hbm>> -> memref<80x128xi32, #tpu.memory_space<hbm>>
      %dma_wait3A_444 = arith.constant 0 : i32
      %dma_wait3A_445 = arith.constant 0 : i32
      %dma_wait3A_446 = tpu.memref_slice %arg3[%add3A, %dma_wait3A_444, %dma_wait3A_445] : memref<32x80x128xi32, #tpu.memory_space<hbm>> -> memref<1x80x128xi32, #tpu.memory_space<hbm>>
      %dma_wait3A_447 = tpu.memref_squeeze %dma_wait3A_446 : memref<1x80x128xi32, #tpu.memory_space<hbm>> -> memref<80x128xi32, #tpu.memory_space<hbm>>
      tpu.wait_dma2 semaphore(%run_scoped3A : memref<!tpu.dma_semaphore, #tpu.memory_space<semaphore_mem>>) src(%dma_wait3A_447 : memref<80x128xi32, #tpu.memory_space<hbm>>) dst(%arg6 : memref<80x128xi32, #tpu.memory_space<vmem>>)
      tpu.yield
    }) : () -> ()
    %get3A = arith.constant 0 : i32
    %get3A_5 = arith.index_cast %get3A : i32 to index
    %get3A_6 = arith.constant 0 : index
    %get3A_7 = tpu.vector_load %arg6[%get3A_5, %get3A_6] {strides = array<i32>} : memref<80x128xi32, #tpu.memory_space<vmem>>, vector<1x16xi32>,
    %get3A_8 = vector.shape_cast %get3A_7 : vector<1x16xi32> to vector<16xi32>
    %and3A = arith.constant 16383 : i32
    %and3A_9 = vector.broadcast %and3A : i32 to vector<16xi32>
    %and3A_10 = arith.andi %get3A_8, %and3A_9 : vector<16xi32>
    %swap3A = arith.constant 0 : i32
    %swap3A_11 = arith.index_cast %swap3A : i32 to index
    %swap3A_12 = arith.constant 0 : index
    %swap3A_13 = tpu.vector_load %arg7[%swap3A_11, %swap3A_12] {strides = array<i32>} : memref<2x128xi32, #tpu.memory_space<vmem>>, vector<1x16xi32>,
    %swap3A_14 = vector.shape_cast %swap3A_13 : vector<1x16xi32> to vector<16xi32>
    %swap3A_15 = vector.shape_cast %and3A_10 : vector<16xi32> to vector<1x16xi32>
    tpu.vector_store %arg7[%swap3A_11, %swap3A_12], %swap3A_15 {strides = array<i32>} : memref<2x128xi32, #tpu.memory_space<vmem>>, vector<1x16xi32>,
    %shift_right_logical3A = arith.constant 14 : i32
    %shift_right_logical3A_16 = vector.broadcast %shift_right_logical3A : i32 to vector<16xi32>
    %shift_right_logical3A_17 = arith.shrui %get3A_8, %shift_right_logical3A_16 : vector<16xi32>
    %swap3A_18 = arith.constant 0 : i32
    %swap3A_19 = arith.index_cast %swap3A_18 : i32 to index
    %swap3A_20 = arith.constant 0 : index
    %swap3A_21 = tpu.vector_load %arg8[%swap3A_19, %swap3A_20] {strides = array<i32>} : memref<2x128xi32, #tpu.memory_space<vmem>>, vector<1x16xi32>,
    %swap3A_22 = vector.shape_cast %swap3A_21 : vector<1x16xi32> to vector<16xi32>
    %swap3A_23 = vector.shape_cast %shift_right_logical3A_17 : vector<16xi32> to vector<1x16xi32>
    tpu.vector_store %arg8[%swap3A_19, %swap3A_20], %swap3A_23 {strides = array<i32>} : memref<2x128xi32, #tpu.memory_space<vmem>>, vector<1x16xi32>,
    %get3A_24 = arith.constant 0 : i32
    %get3A_25 = arith.index_cast %get3A_24 : i32 to index
    %get3A_26 = arith.constant 16 : index
    %get3A_27 = tpu.vector_load %arg6[%get3A_25, %get3A_26] {strides = array<i32>} : memref<80x128xi32, #tpu.memory_space<vmem>>, vector<1x16xi32>,
    %get3A_28 = vector.shape_cast %get3A_27 : vector<1x16xi32> to vector<16xi32>
    %and3A_29 = arith.constant 16383 : i32
    %and3A_30 = vector.broadcast %and3A_29 : i32 to vector<16xi32>
    %and3A_31 = arith.andi %get3A_28, %and3A_30 : vector<16xi32>
    %swap3A_32 = arith.constant 0 : i32
    %swap3A_33 = arith.index_cast %swap3A_32 : i32 to index
    %swap3A_34 = arith.constant 16 : index
    %swap3A_35 = tpu.vector_load %arg7[%swap3A_33, %swap3A_34] {strides = array<i32>} : memref<2x128xi32, #tpu.memory_space<vmem>>, vector<1x16xi32>,
    %swap3A_36 = vector.shape_cast %swap3A_35 : vector<1x16xi32> to vector<16xi32>
    %swap3A_37 = vector.shape_cast %and3A_31 : vector<16xi32> to vector<1x16xi32>
    tpu.vector_store %arg7[%swap3A_33, %swap3A_34], %swap3A_37 {strides = array<i32>} : memref<2x128xi32, #tpu.memory_space<vmem>>, vector<1x16xi32>,
    %shift_right_logical3A_38 = arith.constant 14 : i32
    %shift_right_logical3A_39 = vector.broadcast %shift_right_logical3A_38 : i32 to vector<16xi32>
    %shift_right_logical3A_40 = arith.shrui %get3A_28, %shift_right_logical3A_39 : vector<16xi32>
    %swap3A_41 = arith.constant 0 : i32
    %swap3A_42 = arith.index_cast %swap3A_41 : i32 to index
    %swap3A_43 = arith.constant 16 : index
    %swap3A_44 = tpu.vector_load %arg8[%swap3A_42, %swap3A_43] {strides = array<i32>} : memref<2x128xi32, #tpu.memory_space<vmem>>, vector<1x16xi32>,
    %swap3A_45 = vector.shape_cast %swap3A_44 : vector<1x16xi32> to vector<16xi32>
    %swap3A_46 = vector.shape_cast %shift_right_logical3A_40 : vector<16xi32> to vector<1x16xi32>
    tpu.vector_store %arg8[%swap3A_42, %swap3A_43], %swap3A_46 {strides = array<i32>} : memref<2x128xi32, #tpu.memory_space<vmem>>, vector<1x16xi32>,
    %get3A_47 = arith.constant 0 : i32
    %get3A_48 = arith.index_cast %get3A_47 : i32 to index
    %get3A_49 = arith.constant 32 : index
    %get3A_50 = tpu.vector_load %arg6[%get3A_48, %get3A_49] {strides = array<i32>} : memref<80x128xi32, #tpu.memory_space<vmem>>, vector<1x16xi32>,
    %get3A_51 = vector.shape_cast %get3A_50 : vector<1x16xi32> to vector<16xi32>
    %and3A_52 = arith.constant 16383 : i32
    %and3A_53 = vector.broadcast %and3A_52 : i32 to vector<16xi32>
    %and3A_54 = arith.andi %get3A_51, %and3A_53 : vector<16xi32>
    %swap3A_55 = arith.constant 0 : i32
    %swap3A_56 = arith.index_cast %swap3A_55 : i32 to index
    %swap3A_57 = arith.constant 32 : index
    %swap3A_58 = tpu.vector_load %arg7[%swap3A_56, %swap3A_57] {strides = array<i32>} : memref<2x128xi32, #tpu.memory_space<vmem>>, vector<1x16xi32>,
    %swap3A_59 = vector.shape_cast %swap3A_58 : vector<1x16xi32> to vector<16xi32>
    %swap3A_60 = vector.shape_cast %and3A_54 : vector<16xi32> to vector<1x16xi32>
    tpu.vector_store %arg7[%swap3A_56, %swap3A_57], %swap3A_60 {strides = array<i32>} : memref<2x128xi32, #tpu.memory_space<vmem>>, vector<1x16xi32>,
    %shift_right_logical3A_61 = arith.constant 14 : i32
    %shift_right_logical3A_62 = vector.broadcast %shift_right_logical3A_61 : i32 to vector<16xi32>
    %shift_right_logical3A_63 = arith.shrui %get3A_51, %shift_right_logical3A_62 : vector<16xi32>
    %swap3A_64 = arith.constant 0 : i32
    %swap3A_65 = arith.index_cast %swap3A_64 : i32 to index
    %swap3A_66 = arith.constant 32 : index
    %swap3A_67 = tpu.vector_load %arg8[%swap3A_65, %swap3A_66] {strides = array<i32>} : memref<2x128xi32, #tpu.memory_space<vmem>>, vector<1x16xi32>,
    %swap3A_68 = vector.shape_cast %swap3A_67 : vector<1x16xi32> to vector<16xi32>
    %swap3A_69 = vector.shape_cast %shift_right_logical3A_63 : vector<16xi32> to vector<1x16xi32>
    tpu.vector_store %arg8[%swap3A_65, %swap3A_66], %swap3A_69 {strides = array<i32>} : memref<2x128xi32, #tpu.memory_space<vmem>>, vector<1x16xi32>,
    %get3A_70 = arith.constant 0 : i32
    %get3A_71 = arith.index_cast %get3A_70 : i32 to index
    %get3A_72 = arith.constant 48 : index
    %get3A_73 = tpu.vector_load %arg6[%get3A_71, %get3A_72] {strides = array<i32>} : memref<80x128xi32, #tpu.memory_space<vmem>>, vector<1x16xi32>,
    %get3A_74 = vector.shape_cast %get3A_73 : vector<1x16xi32> to vector<16xi32>
    %and3A_75 = arith.constant 16383 : i32
    %and3A_76 = vector.broadcast %and3A_75 : i32 to vector<16xi32>
    %and3A_77 = arith.andi %get3A_74, %and3A_76 : vector<16xi32>
    %swap3A_78 = arith.constant 0 : i32
    %swap3A_79 = arith.index_cast %swap3A_78 : i32 to index
    %swap3A_80 = arith.constant 48 : index
    %swap3A_81 = tpu.vector_load %arg7[%swap3A_79, %swap3A_80] {strides = array<i32>} : memref<2x128xi32, #tpu.memory_space<vmem>>, vector<1x16xi32>,
    %swap3A_82 = vector.shape_cast %swap3A_81 : vector<1x16xi32> to vector<16xi32>
    %swap3A_83 = vector.shape_cast %and3A_77 : vector<16xi32> to vector<1x16xi32>
    tpu.vector_store %arg7[%swap3A_79, %swap3A_80], %swap3A_83 {strides = array<i32>} : memref<2x128xi32, #tpu.memory_space<vmem>>, vector<1x16xi32>,
    %shift_right_logical3A_84 = arith.constant 14 : i32
    %shift_right_logical3A_85 = vector.broadcast %shift_right_logical3A_84 : i32 to vector<16xi32>
    %shift_right_logical3A_86 = arith.shrui %get3A_74, %shift_right_logical3A_85 : vector<16xi32>
    %swap3A_87 = arith.constant 0 : i32
    %swap3A_88 = arith.index_cast %swap3A_87 : i32 to index
    %swap3A_89 = arith.constant 48 : index
    %swap3A_90 = tpu.vector_load %arg8[%swap3A_88, %swap3A_89] {strides = array<i32>} : memref<2x128xi32, #tpu.memory_space<vmem>>, vector<1x16xi32>,
    %swap3A_91 = vector.shape_cast %swap3A_90 : vector<1x16xi32> to vector<16xi32>
    %swap3A_92 = vector.shape_cast %shift_right_logical3A_86 : vector<16xi32> to vector<1x16xi32>
    tpu.vector_store %arg8[%swap3A_88, %swap3A_89], %swap3A_92 {strides = array<i32>} : memref<2x128xi32, #tpu.memory_space<vmem>>, vector<1x16xi32>,
    %get3A_93 = arith.constant 0 : i32
    %get3A_94 = arith.index_cast %get3A_93 : i32 to index
    %get3A_95 = arith.constant 64 : index
    %get3A_96 = tpu.vector_load %arg6[%get3A_94, %get3A_95] {strides = array<i32>} : memref<80x128xi32, #tpu.memory_space<vmem>>, vector<1x16xi32>,
    %get3A_97 = vector.shape_cast %get3A_96 : vector<1x16xi32> to vector<16xi32>
    %and3A_98 = arith.constant 16383 : i32
    %and3A_99 = vector.broadcast %and3A_98 : i32 to vector<16xi32>
    %and3A_100 = arith.andi %get3A_97, %and3A_99 : vector<16xi32>
    %swap3A_101 = arith.constant 0 : i32
    %swap3A_102 = arith.index_cast %swap3A_101 : i32 to index
    %swap3A_103 = arith.constant 64 : index
    %swap3A_104 = tpu.vector_load %arg7[%swap3A_102, %swap3A_103] {strides = array<i32>} : memref<2x128xi32, #tpu.memory_space<vmem>>, vector<1x16xi32>,
    %swap3A_105 = vector.shape_cast %swap3A_104 : vector<1x16xi32> to vector<16xi32>
    %swap3A_106 = vector.shape_cast %and3A_100 : vector<16xi32> to vector<1x16xi32>
    tpu.vector_store %arg7[%swap3A_102, %swap3A_103], %swap3A_106 {strides = array<i32>} : memref<2x128xi32, #tpu.memory_space<vmem>>, vector<1x16xi32>,
    %shift_right_logical3A_107 = arith.constant 14 : i32
    %shift_right_logical3A_108 = vector.broadcast %shift_right_logical3A_107 : i32 to vector<16xi32>
    %shift_right_logical3A_109 = arith.shrui %get3A_97, %shift_right_logical3A_108 : vector<16xi32>
    %swap3A_110 = arith.constant 0 : i32
    %swap3A_111 = arith.index_cast %swap3A_110 : i32 to index
    %swap3A_112 = arith.constant 64 : index
    %swap3A_113 = tpu.vector_load %arg8[%swap3A_111, %swap3A_112] {strides = array<i32>} : memref<2x128xi32, #tpu.memory_space<vmem>>, vector<1x16xi32>,
    %swap3A_114 = vector.shape_cast %swap3A_113 : vector<1x16xi32> to vector<16xi32>
    %swap3A_115 = vector.shape_cast %shift_right_logical3A_109 : vector<16xi32> to vector<1x16xi32>
    tpu.vector_store %arg8[%swap3A_111, %swap3A_112], %swap3A_115 {strides = array<i32>} : memref<2x128xi32, #tpu.memory_space<vmem>>, vector<1x16xi32>,
    %get3A_116 = arith.constant 0 : i32
    %get3A_117 = arith.index_cast %get3A_116 : i32 to index
    %get3A_118 = arith.constant 80 : index
    %get3A_119 = tpu.vector_load %arg6[%get3A_117, %get3A_118] {strides = array<i32>} : memref<80x128xi32, #tpu.memory_space<vmem>>, vector<1x16xi32>,
    %get3A_120 = vector.shape_cast %get3A_119 : vector<1x16xi32> to vector<16xi32>
    %and3A_121 = arith.constant 16383 : i32
    %and3A_122 = vector.broadcast %and3A_121 : i32 to vector<16xi32>
    %and3A_123 = arith.andi %get3A_120, %and3A_122 : vector<16xi32>
    %swap3A_124 = arith.constant 0 : i32
    %swap3A_125 = arith.index_cast %swap3A_124 : i32 to index
    %swap3A_126 = arith.constant 80 : index
    %swap3A_127 = tpu.vector_load %arg7[%swap3A_125, %swap3A_126] {strides = array<i32>} : memref<2x128xi32, #tpu.memory_space<vmem>>, vector<1x16xi32>,
    %swap3A_128 = vector.shape_cast %swap3A_127 : vector<1x16xi32> to vector<16xi32>
    %swap3A_129 = vector.shape_cast %and3A_123 : vector<16xi32> to vector<1x16xi32>
    tpu.vector_store %arg7[%swap3A_125, %swap3A_126], %swap3A_129 {strides = array<i32>} : memref<2x128xi32, #tpu.memory_space<vmem>>, vector<1x16xi32>,
    %shift_right_logical3A_130 = arith.constant 14 : i32
    %shift_right_logical3A_131 = vector.broadcast %shift_right_logical3A_130 : i32 to vector<16xi32>
    %shift_right_logical3A_132 = arith.shrui %get3A_120, %shift_right_logical3A_131 : vector<16xi32>
    %swap3A_133 = arith.constant 0 : i32
    %swap3A_134 = arith.index_cast %swap3A_133 : i32 to index
    %swap3A_135 = arith.constant 80 : index
    %swap3A_136 = tpu.vector_load %arg8[%swap3A_134, %swap3A_135] {strides = array<i32>} : memref<2x128xi32, #tpu.memory_space<vmem>>, vector<1x16xi32>,
    %swap3A_137 = vector.shape_cast %swap3A_136 : vector<1x16xi32> to vector<16xi32>
    %swap3A_138 = vector.shape_cast %shift_right_logical3A_132 : vector<16xi32> to vector<1x16xi32>
    tpu.vector_store %arg8[%swap3A_134, %swap3A_135], %swap3A_138 {strides = array<i32>} : memref<2x128xi32, #tpu.memory_space<vmem>>, vector<1x16xi32>,
    %get3A_139 = arith.constant 0 : i32
    %get3A_140 = arith.index_cast %get3A_139 : i32 to index
    %get3A_141 = arith.constant 96 : index
    %get3A_142 = tpu.vector_load %arg6[%get3A_140, %get3A_141] {strides = array<i32>} : memref<80x128xi32, #tpu.memory_space<vmem>>, vector<1x16xi32>,
    %get3A_143 = vector.shape_cast %get3A_142 : vector<1x16xi32> to vector<16xi32>
    %and3A_144 = arith.constant 16383 : i32
    %and3A_145 = vector.broadcast %and3A_144 : i32 to vector<16xi32>
    %and3A_146 = arith.andi %get3A_143, %and3A_145 : vector<16xi32>
    %swap3A_147 = arith.constant 0 : i32
    %swap3A_148 = arith.index_cast %swap3A_147 : i32 to index
    %swap3A_149 = arith.constant 96 : index
    %swap3A_150 = tpu.vector_load %arg7[%swap3A_148, %swap3A_149] {strides = array<i32>} : memref<2x128xi32, #tpu.memory_space<vmem>>, vector<1x16xi32>,
    %swap3A_151 = vector.shape_cast %swap3A_150 : vector<1x16xi32> to vector<16xi32>
    %swap3A_152 = vector.shape_cast %and3A_146 : vector<16xi32> to vector<1x16xi32>
    tpu.vector_store %arg7[%swap3A_148, %swap3A_149], %swap3A_152 {strides = array<i32>} : memref<2x128xi32, #tpu.memory_space<vmem>>, vector<1x16xi32>,
    %shift_right_logical3A_153 = arith.constant 14 : i32
    %shift_right_logical3A_154 = vector.broadcast %shift_right_logical3A_153 : i32 to vector<16xi32>
    %shift_right_logical3A_155 = arith.shrui %get3A_143, %shift_right_logical3A_154 : vector<16xi32>
    %swap3A_156 = arith.constant 0 : i32
    %swap3A_157 = arith.index_cast %swap3A_156 : i32 to index
    %swap3A_158 = arith.constant 96 : index
    %swap3A_159 = tpu.vector_load %arg8[%swap3A_157, %swap3A_158] {strides = array<i32>} : memref<2x128xi32, #tpu.memory_space<vmem>>, vector<1x16xi32>,
    %swap3A_160 = vector.shape_cast %swap3A_159 : vector<1x16xi32> to vector<16xi32>
    %swap3A_161 = vector.shape_cast %shift_right_logical3A_155 : vector<16xi32> to vector<1x16xi32>
    tpu.vector_store %arg8[%swap3A_157, %swap3A_158], %swap3A_161 {strides = array<i32>} : memref<2x128xi32, #tpu.memory_space<vmem>>, vector<1x16xi32>,
    %get3A_162 = arith.constant 0 : i32
    %get3A_163 = arith.index_cast %get3A_162 : i32 to index
    %get3A_164 = arith.constant 112 : index
    %get3A_165 = tpu.vector_load %arg6[%get3A_163, %get3A_164] {strides = array<i32>} : memref<80x128xi32, #tpu.memory_space<vmem>>, vector<1x16xi32>,
    %get3A_166 = vector.shape_cast %get3A_165 : vector<1x16xi32> to vector<16xi32>
    %and3A_167 = arith.constant 16383 : i32
    %and3A_168 = vector.broadcast %and3A_167 : i32 to vector<16xi32>
    %and3A_169 = arith.andi %get3A_166, %and3A_168 : vector<16xi32>
    %swap3A_170 = arith.constant 0 : i32
    %swap3A_171 = arith.index_cast %swap3A_170 : i32 to index
    %swap3A_172 = arith.constant 112 : index
    %swap3A_173 = tpu.vector_load %arg7[%swap3A_171, %swap3A_172] {strides = array<i32>} : memref<2x128xi32, #tpu.memory_space<vmem>>, vector<1x16xi32>,
    %swap3A_174 = vector.shape_cast %swap3A_173 : vector<1x16xi32> to vector<16xi32>
    %swap3A_175 = vector.shape_cast %and3A_169 : vector<16xi32> to vector<1x16xi32>
    tpu.vector_store %arg7[%swap3A_171, %swap3A_172], %swap3A_175 {strides = array<i32>} : memref<2x128xi32, #tpu.memory_space<vmem>>, vector<1x16xi32>,
    %shift_right_logical3A_176 = arith.constant 14 : i32
    %shift_right_logical3A_177 = vector.broadcast %shift_right_logical3A_176 : i32 to vector<16xi32>
    %shift_right_logical3A_178 = arith.shrui %get3A_166, %shift_right_logical3A_177 : vector<16xi32>
    %swap3A_179 = arith.constant 0 : i32
    %swap3A_180 = arith.index_cast %swap3A_179 : i32 to index
    %swap3A_181 = arith.constant 112 : index
    %swap3A_182 = tpu.vector_load %arg8[%swap3A_180, %swap3A_181] {strides = array<i32>} : memref<2x128xi32, #tpu.memory_space<vmem>>, vector<1x16xi32>,
    %swap3A_183 = vector.shape_cast %swap3A_182 : vector<1x16xi32> to vector<16xi32>
    %swap3A_184 = vector.shape_cast %shift_right_logical3A_178 : vector<16xi32> to vector<1x16xi32>
    tpu.vector_store %arg8[%swap3A_180, %swap3A_181], %swap3A_184 {strides = array<i32>} : memref<2x128xi32, #tpu.memory_space<vmem>>, vector<1x16xi32>,
    %dma_start3A = arith.constant 0 : i32
    %dma_start3A_185 = arith.constant 0 : i32
    %dma_start3A_186 = tpu.memref_slice %arg7[%dma_start3A, %dma_start3A_185] : memref<2x128xi32, #tpu.memory_space<vmem>> -> memref<1x128xi32, #tpu.memory_space<vmem>>
    %dma_start3A_187 = tpu.memref_squeeze %dma_start3A_186 : memref<1x128xi32, #tpu.memory_space<vmem>> -> memref<128xi32, #tpu.memory_space<vmem>>
    %dma_start3A_188 = arith.constant 0 : i32
    %dma_start3A_189 = arith.constant 0 : i32
    %dma_start3A_190 = tpu.memref_slice %arg2[%dma_start3A_188, %dma_start3A_189] : memref<10000x128xf32, #tpu.memory_space<hbm>> -> memref<10000x128xf32, #tpu.memory_space<hbm>>
    tpu.enqueue_indirect_dma source(%dma_start3A_190 : memref<10000x128xf32, #tpu.memory_space<hbm>>) target(%arg9 : memref<128x128xf32, #tpu.memory_space<vmem>>) offsets(%dma_start3A_187 : memref<128xi32, #tpu.memory_space<vmem>>) semaphore(%arg12 : memref<!tpu.dma_semaphore, #tpu.memory_space<semaphore_mem>>)
    %get3A_191 = arith.constant 1 : i32
    %get3A_192 = arith.index_cast %get3A_191 : i32 to index
    %get3A_193 = arith.constant 0 : index
    %get3A_194 = tpu.vector_load %arg6[%get3A_192, %get3A_193] {strides = array<i32>} : memref<80x128xi32, #tpu.memory_space<vmem>>, vector<1x16xi32>,
    %get3A_195 = vector.shape_cast %get3A_194 : vector<1x16xi32> to vector<16xi32>
    %and3A_196 = arith.constant 16383 : i32
    %and3A_197 = vector.broadcast %and3A_196 : i32 to vector<16xi32>
    %and3A_198 = arith.andi %get3A_195, %and3A_197 : vector<16xi32>
    %swap3A_199 = arith.constant 1 : i32
    %swap3A_200 = arith.index_cast %swap3A_199 : i32 to index
    %swap3A_201 = arith.constant 0 : index
    %swap3A_202 = tpu.vector_load %arg7[%swap3A_200, %swap3A_201] {strides = array<i32>} : memref<2x128xi32, #tpu.memory_space<vmem>>, vector<1x16xi32>,
    %swap3A_203 = vector.shape_cast %swap3A_202 : vector<1x16xi32> to vector<16xi32>
    %swap3A_204 = vector.shape_cast %and3A_198 : vector<16xi32> to vector<1x16xi32>
    tpu.vector_store %arg7[%swap3A_200, %swap3A_201], %swap3A_204 {strides = array<i32>} : memref<2x128xi32, #tpu.memory_space<vmem>>, vector<1x16xi32>,
    %shift_right_logical3A_205 = arith.constant 14 : i32
    %shift_right_logical3A_206 = vector.broadcast %shift_right_logical3A_205 : i32 to vector<16xi32>
    %shift_right_logical3A_207 = arith.shrui %get3A_195, %shift_right_logical3A_206 : vector<16xi32>
    %swap3A_208 = arith.constant 1 : i32
    %swap3A_209 = arith.index_cast %swap3A_208 : i32 to index
    %swap3A_210 = arith.constant 0 : index
    %swap3A_211 = tpu.vector_load %arg8[%swap3A_209, %swap3A_210] {strides = array<i32>} : memref<2x128xi32, #tpu.memory_space<vmem>>, vector<1x16xi32>,
    %swap3A_212 = vector.shape_cast %swap3A_211 : vector<1x16xi32> to vector<16xi32>
    %swap3A_213 = vector.shape_cast %shift_right_logical3A_207 : vector<16xi32> to vector<1x16xi32>
    tpu.vector_store %arg8[%swap3A_209, %swap3A_210], %swap3A_213 {strides = array<i32>} : memref<2x128xi32, #tpu.memory_space<vmem>>, vector<1x16xi32>,
    %get3A_214 = arith.constant 1 : i32
    %get3A_215 = arith.index_cast %get3A_214 : i32 to index
    %get3A_216 = arith.constant 16 : index
    %get3A_217 = tpu.vector_load %arg6[%get3A_215, %get3A_216] {strides = array<i32>} : memref<80x128xi32, #tpu.memory_space<vmem>>, vector<1x16xi32>,
    %get3A_218 = vector.shape_cast %get3A_217 : vector<1x16xi32> to vector<16xi32>
    %and3A_219 = arith.constant 16383 : i32
    %and3A_220 = vector.broadcast %and3A_219 : i32 to vector<16xi32>
    %and3A_221 = arith.andi %get3A_218, %and3A_220 : vector<16xi32>
    %swap3A_222 = arith.constant 1 : i32
    %swap3A_223 = arith.index_cast %swap3A_222 : i32 to index
    %swap3A_224 = arith.constant 16 : index
    %swap3A_225 = tpu.vector_load %arg7[%swap3A_223, %swap3A_224] {strides = array<i32>} : memref<2x128xi32, #tpu.memory_space<vmem>>, vector<1x16xi32>,
    %swap3A_226 = vector.shape_cast %swap3A_225 : vector<1x16xi32> to vector<16xi32>
    %swap3A_227 = vector.shape_cast %and3A_221 : vector<16xi32> to vector<1x16xi32>
    tpu.vector_store %arg7[%swap3A_223, %swap3A_224], %swap3A_227 {strides = array<i32>} : memref<2x128xi32, #tpu.memory_space<vmem>>, vector<1x16xi32>,
    %shift_right_logical3A_228 = arith.constant 14 : i32
    %shift_right_logical3A_229 = vector.broadcast %shift_right_logical3A_228 : i32 to vector<16xi32>
    %shift_right_logical3A_230 = arith.shrui %get3A_218, %shift_right_logical3A_229 : vector<16xi32>
    %swap3A_231 = arith.constant 1 : i32
    %swap3A_232 = arith.index_cast %swap3A_231 : i32 to index
    %swap3A_233 = arith.constant 16 : index
    %swap3A_234 = tpu.vector_load %arg8[%swap3A_232, %swap3A_233] {strides = array<i32>} : memref<2x128xi32, #tpu.memory_space<vmem>>, vector<1x16xi32>,
    %swap3A_235 = vector.shape_cast %swap3A_234 : vector<1x16xi32> to vector<16xi32>
    %swap3A_236 = vector.shape_cast %shift_right_logical3A_230 : vector<16xi32> to vector<1x16xi32>
    tpu.vector_store %arg8[%swap3A_232, %swap3A_233], %swap3A_236 {strides = array<i32>} : memref<2x128xi32, #tpu.memory_space<vmem>>, vector<1x16xi32>,
    %get3A_237 = arith.constant 1 : i32
    %get3A_238 = arith.index_cast %get3A_237 : i32 to index
    %get3A_239 = arith.constant 32 : index
    %get3A_240 = tpu.vector_load %arg6[%get3A_238, %get3A_239] {strides = array<i32>} : memref<80x128xi32, #tpu.memory_space<vmem>>, vector<1x16xi32>,
    %get3A_241 = vector.shape_cast %get3A_240 : vector<1x16xi32> to vector<16xi32>
    %and3A_242 = arith.constant 16383 : i32
    %and3A_243 = vector.broadcast %and3A_242 : i32 to vector<16xi32>
    %and3A_244 = arith.andi %get3A_241, %and3A_243 : vector<16xi32>
    %swap3A_245 = arith.constant 1 : i32
    %swap3A_246 = arith.index_cast %swap3A_245 : i32 to index
    %swap3A_247 = arith.constant 32 : index
    %swap3A_248 = tpu.vector_load %arg7[%swap3A_246, %swap3A_247] {strides = array<i32>} : memref<2x128xi32, #tpu.memory_space<vmem>>, vector<1x16xi32>,
    %swap3A_249 = vector.shape_cast %swap3A_248 : vector<1x16xi32> to vector<16xi32>
    %swap3A_250 = vector.shape_cast %and3A_244 : vector<16xi32> to vector<1x16xi32>
    tpu.vector_store %arg7[%swap3A_246, %swap3A_247], %swap3A_250 {strides = array<i32>} : memref<2x128xi32, #tpu.memory_space<vmem>>, vector<1x16xi32>,
    %shift_right_logical3A_251 = arith.constant 14 : i32
    %shift_right_logical3A_252 = vector.broadcast %shift_right_logical3A_251 : i32 to vector<16xi32>
    %shift_right_logical3A_253 = arith.shrui %get3A_241, %shift_right_logical3A_252 : vector<16xi32>
    %swap3A_254 = arith.constant 1 : i32
    %swap3A_255 = arith.index_cast %swap3A_254 : i32 to index
    %swap3A_256 = arith.constant 32 : index
    %swap3A_257 = tpu.vector_load %arg8[%swap3A_255, %swap3A_256] {strides = array<i32>} : memref<2x128xi32, #tpu.memory_space<vmem>>, vector<1x16xi32>,
    %swap3A_258 = vector.shape_cast %swap3A_257 : vector<1x16xi32> to vector<16xi32>
    %swap3A_259 = vector.shape_cast %shift_right_logical3A_253 : vector<16xi32> to vector<1x16xi32>
    tpu.vector_store %arg8[%swap3A_255, %swap3A_256], %swap3A_259 {strides = array<i32>} : memref<2x128xi32, #tpu.memory_space<vmem>>, vector<1x16xi32>,
    %get3A_260 = arith.constant 1 : i32
    %get3A_261 = arith.index_cast %get3A_260 : i32 to index
    %get3A_262 = arith.constant 48 : index
    %get3A_263 = tpu.vector_load %arg6[%get3A_261, %get3A_262] {strides = array<i32>} : memref<80x128xi32, #tpu.memory_space<vmem>>, vector<1x16xi32>,
    %get3A_264 = vector.shape_cast %get3A_263 : vector<1x16xi32> to vector<16xi32>
    %and3A_265 = arith.constant 16383 : i32
    %and3A_266 = vector.broadcast %and3A_265 : i32 to vector<16xi32>
    %and3A_267 = arith.andi %get3A_264, %and3A_266 : vector<16xi32>
    %swap3A_268 = arith.constant 1 : i32
    %swap3A_269 = arith.index_cast %swap3A_268 : i32 to index
    %swap3A_270 = arith.constant 48 : index
    %swap3A_271 = tpu.vector_load %arg7[%swap3A_269, %swap3A_270] {strides = array<i32>} : memref<2x128xi32, #tpu.memory_space<vmem>>, vector<1x16xi32>,
    %swap3A_272 = vector.shape_cast %swap3A_271 : vector<1x16xi32> to vector<16xi32>
    %swap3A_273 = vector.shape_cast %and3A_267 : vector<16xi32> to vector<1x16xi32>
    tpu.vector_store %arg7[%swap3A_269, %swap3A_270], %swap3A_273 {strides = array<i32>} : memref<2x128xi32, #tpu.memory_space<vmem>>, vector<1x16xi32>,
    %shift_right_logical3A_274 = arith.constant 14 : i32
    %shift_right_logical3A_275 = vector.broadcast %shift_right_logical3A_274 : i32 to vector<16xi32>
    %shift_right_logical3A_276 = arith.shrui %get3A_264, %shift_right_logical3A_275 : vector<16xi32>
    %swap3A_277 = arith.constant 1 : i32
    %swap3A_278 = arith.index_cast %swap3A_277 : i32 to index
    %swap3A_279 = arith.constant 48 : index
    %swap3A_280 = tpu.vector_load %arg8[%swap3A_278, %swap3A_279] {strides = array<i32>} : memref<2x128xi32, #tpu.memory_space<vmem>>, vector<1x16xi32>,
    %swap3A_281 = vector.shape_cast %swap3A_280 : vector<1x16xi32> to vector<16xi32>
    %swap3A_282 = vector.shape_cast %shift_right_logical3A_276 : vector<16xi32> to vector<1x16xi32>
    tpu.vector_store %arg8[%swap3A_278, %swap3A_279], %swap3A_282 {strides = array<i32>} : memref<2x128xi32, #tpu.memory_space<vmem>>, vector<1x16xi32>,
    %get3A_283 = arith.constant 1 : i32
    %get3A_284 = arith.index_cast %get3A_283 : i32 to index
    %get3A_285 = arith.constant 64 : index
    %get3A_286 = tpu.vector_load %arg6[%get3A_284, %get3A_285] {strides = array<i32>} : memref<80x128xi32, #tpu.memory_space<vmem>>, vector<1x16xi32>,
    %get3A_287 = vector.shape_cast %get3A_286 : vector<1x16xi32> to vector<16xi32>
    %and3A_288 = arith.constant 16383 : i32
    %and3A_289 = vector.broadcast %and3A_288 : i32 to vector<16xi32>
    %and3A_290 = arith.andi %get3A_287, %and3A_289 : vector<16xi32>
    %swap3A_291 = arith.constant 1 : i32
    %swap3A_292 = arith.index_cast %swap3A_291 : i32 to index
    %swap3A_293 = arith.constant 64 : index
    %swap3A_294 = tpu.vector_load %arg7[%swap3A_292, %swap3A_293] {strides = array<i32>} : memref<2x128xi32, #tpu.memory_space<vmem>>, vector<1x16xi32>,
    %swap3A_295 = vector.shape_cast %swap3A_294 : vector<1x16xi32> to vector<16xi32>
    %swap3A_296 = vector.shape_cast %and3A_290 : vector<16xi32> to vector<1x16xi32>
    tpu.vector_store %arg7[%swap3A_292, %swap3A_293], %swap3A_296 {strides = array<i32>} : memref<2x128xi32, #tpu.memory_space<vmem>>, vector<1x16xi32>,
    %shift_right_logical3A_297 = arith.constant 14 : i32
    %shift_right_logical3A_298 = vector.broadcast %shift_right_logical3A_297 : i32 to vector<16xi32>
    %shift_right_logical3A_299 = arith.shrui %get3A_287, %shift_right_logical3A_298 : vector<16xi32>
    %swap3A_300 = arith.constant 1 : i32
    %swap3A_301 = arith.index_cast %swap3A_300 : i32 to index
    %swap3A_302 = arith.constant 64 : index
    %swap3A_303 = tpu.vector_load %arg8[%swap3A_301, %swap3A_302] {strides = array<i32>} : memref<2x128xi32, #tpu.memory_space<vmem>>, vector<1x16xi32>,
    %swap3A_304 = vector.shape_cast %swap3A_303 : vector<1x16xi32> to vector<16xi32>
    %swap3A_305 = vector.shape_cast %shift_right_logical3A_299 : vector<16xi32> to vector<1x16xi32>
    tpu.vector_store %arg8[%swap3A_301, %swap3A_302], %swap3A_305 {strides = array<i32>} : memref<2x128xi32, #tpu.memory_space<vmem>>, vector<1x16xi32>,
    %get3A_306 = arith.constant 1 : i32
    %get3A_307 = arith.index_cast %get3A_306 : i32 to index
    %get3A_308 = arith.constant 80 : index
    %get3A_309 = tpu.vector_load %arg6[%get3A_307, %get3A_308] {strides = array<i32>} : memref<80x128xi32, #tpu.memory_space<vmem>>, vector<1x16xi32>,
    %get3A_310 = vector.shape_cast %get3A_309 : vector<1x16xi32> to vector<16xi32>
    %and3A_311 = arith.constant 16383 : i32
    %and3A_312 = vector.broadcast %and3A_311 : i32 to vector<16xi32>
    %and3A_313 = arith.andi %get3A_310, %and3A_312 : vector<16xi32>
    %swap3A_314 = arith.constant 1 : i32
    %swap3A_315 = arith.index_cast %swap3A_314 : i32 to index
    %swap3A_316 = arith.constant 80 : index
    %swap3A_317 = tpu.vector_load %arg7[%swap3A_315, %swap3A_316] {strides = array<i32>} : memref<2x128xi32, #tpu.memory_space<vmem>>, vector<1x16xi32>,
    %swap3A_318 = vector.shape_cast %swap3A_317 : vector<1x16xi32> to vector<16xi32>
    %swap3A_319 = vector.shape_cast %and3A_313 : vector<16xi32> to vector<1x16xi32>
    tpu.vector_store %arg7[%swap3A_315, %swap3A_316], %swap3A_319 {strides = array<i32>} : memref<2x128xi32, #tpu.memory_space<vmem>>, vector<1x16xi32>,
    %shift_right_logical3A_320 = arith.constant 14 : i32
    %shift_right_logical3A_321 = vector.broadcast %shift_right_logical3A_320 : i32 to vector<16xi32>
    %shift_right_logical3A_322 = arith.shrui %get3A_310, %shift_right_logical3A_321 : vector<16xi32>
    %swap3A_323 = arith.constant 1 : i32
    %swap3A_324 = arith.index_cast %swap3A_323 : i32 to index
    %swap3A_325 = arith.constant 80 : index
    %swap3A_326 = tpu.vector_load %arg8[%swap3A_324, %swap3A_325] {strides = array<i32>} : memref<2x128xi32, #tpu.memory_space<vmem>>, vector<1x16xi32>,
    %swap3A_327 = vector.shape_cast %swap3A_326 : vector<1x16xi32> to vector<16xi32>
    %swap3A_328 = vector.shape_cast %shift_right_logical3A_322 : vector<16xi32> to vector<1x16xi32>
    tpu.vector_store %arg8[%swap3A_324, %swap3A_325], %swap3A_328 {strides = array<i32>} : memref<2x128xi32, #tpu.memory_space<vmem>>, vector<1x16xi32>,
    %get3A_329 = arith.constant 1 : i32
    %get3A_330 = arith.index_cast %get3A_329 : i32 to index
    %get3A_331 = arith.constant 96 : index
    %get3A_332 = tpu.vector_load %arg6[%get3A_330, %get3A_331] {strides = array<i32>} : memref<80x128xi32, #tpu.memory_space<vmem>>, vector<1x16xi32>,
    %get3A_333 = vector.shape_cast %get3A_332 : vector<1x16xi32> to vector<16xi32>
    %and3A_334 = arith.constant 16383 : i32
    %and3A_335 = vector.broadcast %and3A_334 : i32 to vector<16xi32>
    %and3A_336 = arith.andi %get3A_333, %and3A_335 : vector<16xi32>
    %swap3A_337 = arith.constant 1 : i32
    %swap3A_338 = arith.index_cast %swap3A_337 : i32 to index
    %swap3A_339 = arith.constant 96 : index
    %swap3A_340 = tpu.vector_load %arg7[%swap3A_338, %swap3A_339] {strides = array<i32>} : memref<2x128xi32, #tpu.memory_space<vmem>>, vector<1x16xi32>,
    %swap3A_341 = vector.shape_cast %swap3A_340 : vector<1x16xi32> to vector<16xi32>
    %swap3A_342 = vector.shape_cast %and3A_336 : vector<16xi32> to vector<1x16xi32>
    tpu.vector_store %arg7[%swap3A_338, %swap3A_339], %swap3A_342 {strides = array<i32>} : memref<2x128xi32, #tpu.memory_space<vmem>>, vector<1x16xi32>,
    %shift_right_logical3A_343 = arith.constant 14 : i32
    %shift_right_logical3A_344 = vector.broadcast %shift_right_logical3A_343 : i32 to vector<16xi32>
    %shift_right_logical3A_345 = arith.shrui %get3A_333, %shift_right_logical3A_344 : vector<16xi32>
    %swap3A_346 = arith.constant 1 : i32
    %swap3A_347 = arith.index_cast %swap3A_346 : i32 to index
    %swap3A_348 = arith.constant 96 : index
    %swap3A_349 = tpu.vector_load %arg8[%swap3A_347, %swap3A_348] {strides = array<i32>} : memref<2x128xi32, #tpu.memory_space<vmem>>, vector<1x16xi32>,
    %swap3A_350 = vector.shape_cast %swap3A_349 : vector<1x16xi32> to vector<16xi32>
    %swap3A_351 = vector.shape_cast %shift_right_logical3A_345 : vector<16xi32> to vector<1x16xi32>
    tpu.vector_store %arg8[%swap3A_347, %swap3A_348], %swap3A_351 {strides = array<i32>} : memref<2x128xi32, #tpu.memory_space<vmem>>, vector<1x16xi32>,
    %get3A_352 = arith.constant 1 : i32
    %get3A_353 = arith.index_cast %get3A_352 : i32 to index
    %get3A_354 = arith.constant 112 : index
    %get3A_355 = tpu.vector_load %arg6[%get3A_353, %get3A_354] {strides = array<i32>} : memref<80x128xi32, #tpu.memory_space<vmem>>, vector<1x16xi32>,
    %get3A_356 = vector.shape_cast %get3A_355 : vector<1x16xi32> to vector<16xi32>
    %and3A_357 = arith.constant 16383 : i32
    %and3A_358 = vector.broadcast %and3A_357 : i32 to vector<16xi32>
    %and3A_359 = arith.andi %get3A_356, %and3A_358 : vector<16xi32>
    %swap3A_360 = arith.constant 1 : i32
    %swap3A_361 = arith.index_cast %swap3A_360 : i32 to index
    %swap3A_362 = arith.constant 112 : index
    %swap3A_363 = tpu.vector_load %arg7[%swap3A_361, %swap3A_362] {strides = array<i32>} : memref<2x128xi32, #tpu.memory_space<vmem>>, vector<1x16xi32>,
    %swap3A_364 = vector.shape_cast %swap3A_363 : vector<1x16xi32> to vector<16xi32>
    %swap3A_365 = vector.shape_cast %and3A_359 : vector<16xi32> to vector<1x16xi32>
    tpu.vector_store %arg7[%swap3A_361, %swap3A_362], %swap3A_365 {strides = array<i32>} : memref<2x128xi32, #tpu.memory_space<vmem>>, vector<1x16xi32>,
    %shift_right_logical3A_366 = arith.constant 14 : i32
    %shift_right_logical3A_367 = vector.broadcast %shift_right_logical3A_366 : i32 to vector<16xi32>
    %shift_right_logical3A_368 = arith.shrui %get3A_356, %shift_right_logical3A_367 : vector<16xi32>
    %swap3A_369 = arith.constant 1 : i32
    %swap3A_370 = arith.index_cast %swap3A_369 : i32 to index
    %swap3A_371 = arith.constant 112 : index
    %swap3A_372 = tpu.vector_load %arg8[%swap3A_370, %swap3A_371] {strides = array<i32>} : memref<2x128xi32, #tpu.memory_space<vmem>>, vector<1x16xi32>,
    %swap3A_373 = vector.shape_cast %swap3A_372 : vector<1x16xi32> to vector<16xi32>
    %swap3A_374 = vector.shape_cast %shift_right_logical3A_368 : vector<16xi32> to vector<1x16xi32>
    tpu.vector_store %arg8[%swap3A_370, %swap3A_371], %swap3A_374 {strides = array<i32>} : memref<2x128xi32, #tpu.memory_space<vmem>>, vector<1x16xi32>,
    %dma_start3A_375 = arith.constant 1 : i32
    %dma_start3A_376 = arith.constant 0 : i32
    %dma_start3A_377 = tpu.memref_slice %arg7[%dma_start3A_375, %dma_start3A_376] : memref<2x128xi32, #tpu.memory_space<vmem>> -> memref<1x128xi32, #tpu.memory_space<vmem>>
    %dma_start3A_378 = tpu.memref_squeeze %dma_start3A_377 : memref<1x128xi32, #tpu.memory_space<vmem>> -> memref<128xi32, #tpu.memory_space<vmem>>
    %dma_start3A_379 = arith.constant 0 : i32
    %dma_start3A_380 = arith.constant 0 : i32
    %dma_start3A_381 = tpu.memref_slice %arg2[%dma_start3A_379, %dma_start3A_380] : memref<10000x128xf32, #tpu.memory_space<hbm>> -> memref<10000x128xf32, #tpu.memory_space<hbm>>
    tpu.enqueue_indirect_dma source(%dma_start3A_381 : memref<10000x128xf32, #tpu.memory_space<hbm>>) target(%arg10 : memref<128x128xf32, #tpu.memory_space<vmem>>) offsets(%dma_start3A_378 : memref<128xi32, #tpu.memory_space<vmem>>) semaphore(%arg13 : memref<!tpu.dma_semaphore, #tpu.memory_space<semaphore_mem>>)
    %dma_wait3A = arith.constant 0 : i32
    %dma_wait3A_382 = arith.constant 0 : i32
    %dma_wait3A_383 = tpu.memref_slice %arg7[%dma_wait3A, %dma_wait3A_382] : memref<2x128xi32, #tpu.memory_space<vmem>> -> memref<1x128xi32, #tpu.memory_space<vmem>>
    %dma_wait3A_384 = tpu.memref_squeeze %dma_wait3A_383 : memref<1x128xi32, #tpu.memory_space<vmem>> -> memref<128xi32, #tpu.memory_space<vmem>>
    %dma_wait3A_385 = arith.constant 0 : i32
    %dma_wait3A_386 = arith.constant 0 : i32
    %dma_wait3A_387 = tpu.memref_slice %arg2[%dma_wait3A_385, %dma_wait3A_386] : memref<10000x128xf32, #tpu.memory_space<hbm>> -> memref<10000x128xf32, #tpu.memory_space<hbm>>
    tpu.wait_indirect_dma semaphore(%arg12 : memref<!tpu.dma_semaphore, #tpu.memory_space<semaphore_mem>>) src(%dma_wait3A_387 : memref<10000x128xf32, #tpu.memory_space<hbm>>) dst(%arg9 : memref<128x128xf32, #tpu.memory_space<vmem>>)
    %barrier3A = arith.constant 0 : index
    tpu.barrier barrier_id(%barrier3A)
    %dma_start3A_388 = arith.constant 0 : i32
    %dma_start3A_389 = arith.constant 0 : i32
    %dma_start3A_390 = tpu.memref_slice %arg8[%dma_start3A_388, %dma_start3A_389] : memref<2x128xi32, #tpu.memory_space<vmem>> -> memref<1x128xi32, #tpu.memory_space<vmem>>
    %dma_start3A_391 = tpu.memref_squeeze %dma_start3A_390 : memref<1x128xi32, #tpu.memory_space<vmem>> -> memref<128xi32, #tpu.memory_space<vmem>>
    %dma_start3A_392 = arith.constant 0 : i32
    %dma_start3A_393 = arith.constant 0 : i32
    %dma_start3A_394 = tpu.memref_slice %arg11[%dma_start3A_392, %dma_start3A_393] : memref<10112x128xf32, #tpu.memory_space<vmem_shared>> -> memref<10112x128xf32, #tpu.memory_space<vmem_shared>>
    tpu.enqueue_indirect_dma source(%arg9 : memref<128x128xf32, #tpu.memory_space<vmem>>) target(%dma_start3A_394 : memref<10112x128xf32, #tpu.memory_space<vmem_shared>>) offsets(%dma_start3A_391 : memref<128xi32, #tpu.memory_space<vmem>>) semaphore(%arg14 : memref<!tpu.dma_semaphore, #tpu.memory_space<semaphore_mem>>) {add = true}
    %scan3A = arith.constant 0 : i32
    %scan3A_395 = arith.constant 39 : i32
    %scan3A_396 = arith.addi %scan3A, %scan3A_395 : i32
    %scan3A_397 = arith.constant 1 : i32
    scf.for %scan3A_432 = %scan3A to %scan3A_396 step %scan3A_397  : i32 {
      %mul3A_433 = arith.constant 2 : i32
      %mul3A_434 = arith.muli %scan3A_432, %mul3A_433 : i32
      %add3A_435 = arith.constant 1 : i32
      %add3A_436 = arith.addi %add3A_435, %mul3A_434 : i32
      %add3A_437 = arith.constant 0 : i32
      %add3A_438 = arith.addi %add3A_436, %add3A_437 : i32
      %dma_wait3A_439 = arith.constant 0 : i32
      %dma_wait3A_440 = arith.constant 0 : i32
      %dma_wait3A_441 = tpu.memref_slice %arg8[%dma_wait3A_439, %dma_wait3A_440] : memref<2x128xi32, #tpu.memory_space<vmem>> -> memref<1x128xi32, #tpu.memory_space<vmem>>
      %dma_wait3A_442 = tpu.memref_squeeze %dma_wait3A_441 : memref<1x128xi32, #tpu.memory_space<vmem>> -> memref<128xi32, #tpu.memory_space<vmem>>
      %dma_wait3A_443 = arith.constant 0 : i32
      %dma_wait3A_444 = arith.constant 0 : i32
      %dma_wait3A_445 = tpu.memref_slice %arg11[%dma_wait3A_443, %dma_wait3A_444] : memref<10112x128xf32, #tpu.memory_space<vmem_shared>> -> memref<10112x128xf32, #tpu.memory_space<vmem_shared>>
      tpu.wait_indirect_dma semaphore(%arg14 : memref<!tpu.dma_semaphore, #tpu.memory_space<semaphore_mem>>) src(%arg9 : memref<128x128xf32, #tpu.memory_space<vmem>>) dst(%dma_wait3A_445 : memref<10112x128xf32, #tpu.memory_space<vmem_shared>>)
      %add3A_446 = arith.constant 1 : i32
      %add3A_447 = arith.addi %add3A_438, %add3A_446 : i32
      %get3A_448 = arith.index_cast %add3A_447 : i32 to index
      %get3A_449 = arith.constant 0 : index
      %get3A_450 = tpu.vector_load %arg6[%get3A_448, %get3A_449] {strides = array<i32>} : memref<80x128xi32, #tpu.memory_space<vmem>>, vector<1x16xi32>,
      %get3A_451 = vector.shape_cast %get3A_450 : vector<1x16xi32> to vector<16xi32>
      %and3A_452 = arith.constant 16383 : i32
      %and3A_453 = vector.broadcast %and3A_452 : i32 to vector<16xi32>
      %and3A_454 = arith.andi %get3A_451, %and3A_453 : vector<16xi32>
      %swap3A_455 = arith.constant 0 : i32
      %swap3A_456 = arith.index_cast %swap3A_455 : i32 to index
      %swap3A_457 = arith.constant 0 : index
      %swap3A_458 = tpu.vector_load %arg7[%swap3A_456, %swap3A_457] {strides = array<i32>} : memref<2x128xi32, #tpu.memory_space<vmem>>, vector<1x16xi32>,
      %swap3A_459 = vector.shape_cast %swap3A_458 : vector<1x16xi32> to vector<16xi32>
      %swap3A_460 = vector.shape_cast %and3A_454 : vector<16xi32> to vector<1x16xi32>
      tpu.vector_store %arg7[%swap3A_456, %swap3A_457], %swap3A_460 {strides = array<i32>} : memref<2x128xi32, #tpu.memory_space<vmem>>, vector<1x16xi32>,
      %shift_right_logical3A_461 = arith.constant 14 : i32
      %shift_right_logical3A_462 = vector.broadcast %shift_right_logical3A_461 : i32 to vector<16xi32>
      %shift_right_logical3A_463 = arith.shrui %get3A_451, %shift_right_logical3A_462 : vector<16xi32>
      %swap3A_464 = arith.constant 0 : i32
      %swap3A_465 = arith.index_cast %swap3A_464 : i32 to index
      %swap3A_466 = arith.constant 0 : index
      %swap3A_467 = tpu.vector_load %arg8[%swap3A_465, %swap3A_466] {strides = array<i32>} : memref<2x128xi32, #tpu.memory_space<vmem>>, vector<1x16xi32>,
      %swap3A_468 = vector.shape_cast %swap3A_467 : vector<1x16xi32> to vector<16xi32>
      %swap3A_469 = vector.shape_cast %shift_right_logical3A_463 : vector<16xi32> to vector<1x16xi32>
      tpu.vector_store %arg8[%swap3A_465, %swap3A_466], %swap3A_469 {strides = array<i32>} : memref<2x128xi32, #tpu.memory_space<vmem>>, vector<1x16xi32>,
      %get3A_470 = arith.index_cast %add3A_447 : i32 to index
      %get3A_471 = arith.constant 16 : index
      %get3A_472 = tpu.vector_load %arg6[%get3A_470, %get3A_471] {strides = array<i32>} : memref<80x128xi32, #tpu.memory_space<vmem>>, vector<1x16xi32>,
      %get3A_473 = vector.shape_cast %get3A_472 : vector<1x16xi32> to vector<16xi32>
      %and3A_474 = arith.constant 16383 : i32
      %and3A_475 = vector.broadcast %and3A_474 : i32 to vector<16xi32>
      %and3A_476 = arith.andi %get3A_473, %and3A_475 : vector<16xi32>
      %swap3A_477 = arith.constant 0 : i32
      %swap3A_478 = arith.index_cast %swap3A_477 : i32 to index
      %swap3A_479 = arith.constant 16 : index
      %swap3A_480 = tpu.vector_load %arg7[%swap3A_478, %swap3A_479] {strides = array<i32>} : memref<2x128xi32, #tpu.memory_space<vmem>>, vector<1x16xi32>,
      %swap3A_481 = vector.shape_cast %swap3A_480 : vector<1x16xi32> to vector<16xi32>
      %swap3A_482 = vector.shape_cast %and3A_476 : vector<16xi32> to vector<1x16xi32>
      tpu.vector_store %arg7[%swap3A_478, %swap3A_479], %swap3A_482 {strides = array<i32>} : memref<2x128xi32, #tpu.memory_space<vmem>>, vector<1x16xi32>,
      %shift_right_logical3A_483 = arith.constant 14 : i32
      %shift_right_logical3A_484 = vector.broadcast %shift_right_logical3A_483 : i32 to vector<16xi32>
      %shift_right_logical3A_485 = arith.shrui %get3A_473, %shift_right_logical3A_484 : vector<16xi32>
      %swap3A_486 = arith.constant 0 : i32
      %swap3A_487 = arith.index_cast %swap3A_486 : i32 to index
      %swap3A_488 = arith.constant 16 : index
      %swap3A_489 = tpu.vector_load %arg8[%swap3A_487, %swap3A_488] {strides = array<i32>} : memref<2x128xi32, #tpu.memory_space<vmem>>, vector<1x16xi32>,
      %swap3A_490 = vector.shape_cast %swap3A_489 : vector<1x16xi32> to vector<16xi32>
      %swap3A_491 = vector.shape_cast %shift_right_logical3A_485 : vector<16xi32> to vector<1x16xi32>
      tpu.vector_store %arg8[%swap3A_487, %swap3A_488], %swap3A_491 {strides = array<i32>} : memref<2x128xi32, #tpu.memory_space<vmem>>, vector<1x16xi32>,
      %get3A_492 = arith.index_cast %add3A_447 : i32 to index
      %get3A_493 = arith.constant 32 : index
      %get3A_494 = tpu.vector_load %arg6[%get3A_492, %get3A_493] {strides = array<i32>} : memref<80x128xi32, #tpu.memory_space<vmem>>, vector<1x16xi32>,
      %get3A_495 = vector.shape_cast %get3A_494 : vector<1x16xi32> to vector<16xi32>
      %and3A_496 = arith.constant 16383 : i32
      %and3A_497 = vector.broadcast %and3A_496 : i32 to vector<16xi32>
      %and3A_498 = arith.andi %get3A_495, %and3A_497 : vector<16xi32>
      %swap3A_499 = arith.constant 0 : i32
      %swap3A_500 = arith.index_cast %swap3A_499 : i32 to index
      %swap3A_501 = arith.constant 32 : index
      %swap3A_502 = tpu.vector_load %arg7[%swap3A_500, %swap3A_501] {strides = array<i32>} : memref<2x128xi32, #tpu.memory_space<vmem>>, vector<1x16xi32>,
      %swap3A_503 = vector.shape_cast %swap3A_502 : vector<1x16xi32> to vector<16xi32>
      %swap3A_504 = vector.shape_cast %and3A_498 : vector<16xi32> to vector<1x16xi32>
      tpu.vector_store %arg7[%swap3A_500, %swap3A_501], %swap3A_504 {strides = array<i32>} : memref<2x128xi32, #tpu.memory_space<vmem>>, vector<1x16xi32>,
      %shift_right_logical3A_505 = arith.constant 14 : i32
      %shift_right_logical3A_506 = vector.broadcast %shift_right_logical3A_505 : i32 to vector<16xi32>
      %shift_right_logical3A_507 = arith.shrui %get3A_495, %shift_right_logical3A_506 : vector<16xi32>
      %swap3A_508 = arith.constant 0 : i32
      %swap3A_509 = arith.index_cast %swap3A_508 : i32 to index
      %swap3A_510 = arith.constant 32 : index
      %swap3A_511 = tpu.vector_load %arg8[%swap3A_509, %swap3A_510] {strides = array<i32>} : memref<2x128xi32, #tpu.memory_space<vmem>>, vector<1x16xi32>,
      %swap3A_512 = vector.shape_cast %swap3A_511 : vector<1x16xi32> to vector<16xi32>
      %swap3A_513 = vector.shape_cast %shift_right_logical3A_507 : vector<16xi32> to vector<1x16xi32>
      tpu.vector_store %arg8[%swap3A_509, %swap3A_510], %swap3A_513 {strides = array<i32>} : memref<2x128xi32, #tpu.memory_space<vmem>>, vector<1x16xi32>,
      %get3A_514 = arith.index_cast %add3A_447 : i32 to index
      %get3A_515 = arith.constant 48 : index
      %get3A_516 = tpu.vector_load %arg6[%get3A_514, %get3A_515] {strides = array<i32>} : memref<80x128xi32, #tpu.memory_space<vmem>>, vector<1x16xi32>,
      %get3A_517 = vector.shape_cast %get3A_516 : vector<1x16xi32> to vector<16xi32>
      %and3A_518 = arith.constant 16383 : i32
      %and3A_519 = vector.broadcast %and3A_518 : i32 to vector<16xi32>
      %and3A_520 = arith.andi %get3A_517, %and3A_519 : vector<16xi32>
      %swap3A_521 = arith.constant 0 : i32
      %swap3A_522 = arith.index_cast %swap3A_521 : i32 to index
      %swap3A_523 = arith.constant 48 : index
      %swap3A_524 = tpu.vector_load %arg7[%swap3A_522, %swap3A_523] {strides = array<i32>} : memref<2x128xi32, #tpu.memory_space<vmem>>, vector<1x16xi32>,
      %swap3A_525 = vector.shape_cast %swap3A_524 : vector<1x16xi32> to vector<16xi32>
      %swap3A_526 = vector.shape_cast %and3A_520 : vector<16xi32> to vector<1x16xi32>
      tpu.vector_store %arg7[%swap3A_522, %swap3A_523], %swap3A_526 {strides = array<i32>} : memref<2x128xi32, #tpu.memory_space<vmem>>, vector<1x16xi32>,
      %shift_right_logical3A_527 = arith.constant 14 : i32
      %shift_right_logical3A_528 = vector.broadcast %shift_right_logical3A_527 : i32 to vector<16xi32>
      %shift_right_logical3A_529 = arith.shrui %get3A_517, %shift_right_logical3A_528 : vector<16xi32>
      %swap3A_530 = arith.constant 0 : i32
      %swap3A_531 = arith.index_cast %swap3A_530 : i32 to index
      %swap3A_532 = arith.constant 48 : index
      %swap3A_533 = tpu.vector_load %arg8[%swap3A_531, %swap3A_532] {strides = array<i32>} : memref<2x128xi32, #tpu.memory_space<vmem>>, vector<1x16xi32>,
      %swap3A_534 = vector.shape_cast %swap3A_533 : vector<1x16xi32> to vector<16xi32>
      %swap3A_535 = vector.shape_cast %shift_right_logical3A_529 : vector<16xi32> to vector<1x16xi32>
      tpu.vector_store %arg8[%swap3A_531, %swap3A_532], %swap3A_535 {strides = array<i32>} : memref<2x128xi32, #tpu.memory_space<vmem>>, vector<1x16xi32>,
      %get3A_536 = arith.index_cast %add3A_447 : i32 to index
      %get3A_537 = arith.constant 64 : index
      %get3A_538 = tpu.vector_load %arg6[%get3A_536, %get3A_537] {strides = array<i32>} : memref<80x128xi32, #tpu.memory_space<vmem>>, vector<1x16xi32>,
      %get3A_539 = vector.shape_cast %get3A_538 : vector<1x16xi32> to vector<16xi32>
      %and3A_540 = arith.constant 16383 : i32
      %and3A_541 = vector.broadcast %and3A_540 : i32 to vector<16xi32>
      %and3A_542 = arith.andi %get3A_539, %and3A_541 : vector<16xi32>
      %swap3A_543 = arith.constant 0 : i32
      %swap3A_544 = arith.index_cast %swap3A_543 : i32 to index
      %swap3A_545 = arith.constant 64 : index
      %swap3A_546 = tpu.vector_load %arg7[%swap3A_544, %swap3A_545] {strides = array<i32>} : memref<2x128xi32, #tpu.memory_space<vmem>>, vector<1x16xi32>,
      %swap3A_547 = vector.shape_cast %swap3A_546 : vector<1x16xi32> to vector<16xi32>
      %swap3A_548 = vector.shape_cast %and3A_542 : vector<16xi32> to vector<1x16xi32>
      tpu.vector_store %arg7[%swap3A_544, %swap3A_545], %swap3A_548 {strides = array<i32>} : memref<2x128xi32, #tpu.memory_space<vmem>>, vector<1x16xi32>,
      %shift_right_logical3A_549 = arith.constant 14 : i32
      %shift_right_logical3A_550 = vector.broadcast %shift_right_logical3A_549 : i32 to vector<16xi32>
      %shift_right_logical3A_551 = arith.shrui %get3A_539, %shift_right_logical3A_550 : vector<16xi32>
      %swap3A_552 = arith.constant 0 : i32
      %swap3A_553 = arith.index_cast %swap3A_552 : i32 to index
      %swap3A_554 = arith.constant 64 : index
      %swap3A_555 = tpu.vector_load %arg8[%swap3A_553, %swap3A_554] {strides = array<i32>} : memref<2x128xi32, #tpu.memory_space<vmem>>, vector<1x16xi32>,
      %swap3A_556 = vector.shape_cast %swap3A_555 : vector<1x16xi32> to vector<16xi32>
      %swap3A_557 = vector.shape_cast %shift_right_logical3A_551 : vector<16xi32> to vector<1x16xi32>
      tpu.vector_store %arg8[%swap3A_553, %swap3A_554], %swap3A_557 {strides = array<i32>} : memref<2x128xi32, #tpu.memory_space<vmem>>, vector<1x16xi32>,
      %get3A_558 = arith.index_cast %add3A_447 : i32 to index
      %get3A_559 = arith.constant 80 : index
      %get3A_560 = tpu.vector_load %arg6[%get3A_558, %get3A_559] {strides = array<i32>} : memref<80x128xi32, #tpu.memory_space<vmem>>, vector<1x16xi32>,
      %get3A_561 = vector.shape_cast %get3A_560 : vector<1x16xi32> to vector<16xi32>
      %and3A_562 = arith.constant 16383 : i32
      %and3A_563 = vector.broadcast %and3A_562 : i32 to vector<16xi32>
      %and3A_564 = arith.andi %get3A_561, %and3A_563 : vector<16xi32>
      %swap3A_565 = arith.constant 0 : i32
      %swap3A_566 = arith.index_cast %swap3A_565 : i32 to index
      %swap3A_567 = arith.constant 80 : index
      %swap3A_568 = tpu.vector_load %arg7[%swap3A_566, %swap3A_567] {strides = array<i32>} : memref<2x128xi32, #tpu.memory_space<vmem>>, vector<1x16xi32>,
      %swap3A_569 = vector.shape_cast %swap3A_568 : vector<1x16xi32> to vector<16xi32>
      %swap3A_570 = vector.shape_cast %and3A_564 : vector<16xi32> to vector<1x16xi32>
      tpu.vector_store %arg7[%swap3A_566, %swap3A_567], %swap3A_570 {strides = array<i32>} : memref<2x128xi32, #tpu.memory_space<vmem>>, vector<1x16xi32>,
      %shift_right_logical3A_571 = arith.constant 14 : i32
      %shift_right_logical3A_572 = vector.broadcast %shift_right_logical3A_571 : i32 to vector<16xi32>
      %shift_right_logical3A_573 = arith.shrui %get3A_561, %shift_right_logical3A_572 : vector<16xi32>
      %swap3A_574 = arith.constant 0 : i32
      %swap3A_575 = arith.index_cast %swap3A_574 : i32 to index
      %swap3A_576 = arith.constant 80 : index
      %swap3A_577 = tpu.vector_load %arg8[%swap3A_575, %swap3A_576] {strides = array<i32>} : memref<2x128xi32, #tpu.memory_space<vmem>>, vector<1x16xi32>,
      %swap3A_578 = vector.shape_cast %swap3A_577 : vector<1x16xi32> to vector<16xi32>
      %swap3A_579 = vector.shape_cast %shift_right_logical3A_573 : vector<16xi32> to vector<1x16xi32>
      tpu.vector_store %arg8[%swap3A_575, %swap3A_576], %swap3A_579 {strides = array<i32>} : memref<2x128xi32, #tpu.memory_space<vmem>>, vector<1x16xi32>,
      %get3A_580 = arith.index_cast %add3A_447 : i32 to index
      %get3A_581 = arith.constant 96 : index
      %get3A_582 = tpu.vector_load %arg6[%get3A_580, %get3A_581] {strides = array<i32>} : memref<80x128xi32, #tpu.memory_space<vmem>>, vector<1x16xi32>,
      %get3A_583 = vector.shape_cast %get3A_582 : vector<1x16xi32> to vector<16xi32>
      %and3A_584 = arith.constant 16383 : i32
      %and3A_585 = vector.broadcast %and3A_584 : i32 to vector<16xi32>
      %and3A_586 = arith.andi %get3A_583, %and3A_585 : vector<16xi32>
      %swap3A_587 = arith.constant 0 : i32
      %swap3A_588 = arith.index_cast %swap3A_587 : i32 to index
      %swap3A_589 = arith.constant 96 : index
      %swap3A_590 = tpu.vector_load %arg7[%swap3A_588, %swap3A_589] {strides = array<i32>} : memref<2x128xi32, #tpu.memory_space<vmem>>, vector<1x16xi32>,
      %swap3A_591 = vector.shape_cast %swap3A_590 : vector<1x16xi32> to vector<16xi32>
      %swap3A_592 = vector.shape_cast %and3A_586 : vector<16xi32> to vector<1x16xi32>
      tpu.vector_store %arg7[%swap3A_588, %swap3A_589], %swap3A_592 {strides = array<i32>} : memref<2x128xi32, #tpu.memory_space<vmem>>, vector<1x16xi32>,
      %shift_right_logical3A_593 = arith.constant 14 : i32
      %shift_right_logical3A_594 = vector.broadcast %shift_right_logical3A_593 : i32 to vector<16xi32>
      %shift_right_logical3A_595 = arith.shrui %get3A_583, %shift_right_logical3A_594 : vector<16xi32>
      %swap3A_596 = arith.constant 0 : i32
      %swap3A_597 = arith.index_cast %swap3A_596 : i32 to index
      %swap3A_598 = arith.constant 96 : index
      %swap3A_599 = tpu.vector_load %arg8[%swap3A_597, %swap3A_598] {strides = array<i32>} : memref<2x128xi32, #tpu.memory_space<vmem>>, vector<1x16xi32>,
      %swap3A_600 = vector.shape_cast %swap3A_599 : vector<1x16xi32> to vector<16xi32>
      %swap3A_601 = vector.shape_cast %shift_right_logical3A_595 : vector<16xi32> to vector<1x16xi32>
      tpu.vector_store %arg8[%swap3A_597, %swap3A_598], %swap3A_601 {strides = array<i32>} : memref<2x128xi32, #tpu.memory_space<vmem>>, vector<1x16xi32>,
      %get3A_602 = arith.index_cast %add3A_447 : i32 to index
      %get3A_603 = arith.constant 112 : index
      %get3A_604 = tpu.vector_load %arg6[%get3A_602, %get3A_603] {strides = array<i32>} : memref<80x128xi32, #tpu.memory_space<vmem>>, vector<1x16xi32>,
      %get3A_605 = vector.shape_cast %get3A_604 : vector<1x16xi32> to vector<16xi32>
      %and3A_606 = arith.constant 16383 : i32
      %and3A_607 = vector.broadcast %and3A_606 : i32 to vector<16xi32>
      %and3A_608 = arith.andi %get3A_605, %and3A_607 : vector<16xi32>
      %swap3A_609 = arith.constant 0 : i32
      %swap3A_610 = arith.index_cast %swap3A_609 : i32 to index
      %swap3A_611 = arith.constant 112 : index
      %swap3A_612 = tpu.vector_load %arg7[%swap3A_610, %swap3A_611] {strides = array<i32>} : memref<2x128xi32, #tpu.memory_space<vmem>>, vector<1x16xi32>,
      %swap3A_613 = vector.shape_cast %swap3A_612 : vector<1x16xi32> to vector<16xi32>
      %swap3A_614 = vector.shape_cast %and3A_608 : vector<16xi32> to vector<1x16xi32>
      tpu.vector_store %arg7[%swap3A_610, %swap3A_611], %swap3A_614 {strides = array<i32>} : memref<2x128xi32, #tpu.memory_space<vmem>>, vector<1x16xi32>,
      %shift_right_logical3A_615 = arith.constant 14 : i32
      %shift_right_logical3A_616 = vector.broadcast %shift_right_logical3A_615 : i32 to vector<16xi32>
      %shift_right_logical3A_617 = arith.shrui %get3A_605, %shift_right_logical3A_616 : vector<16xi32>
      %swap3A_618 = arith.constant 0 : i32
      %swap3A_619 = arith.index_cast %swap3A_618 : i32 to index
      %swap3A_620 = arith.constant 112 : index
      %swap3A_621 = tpu.vector_load %arg8[%swap3A_619, %swap3A_620] {strides = array<i32>} : memref<2x128xi32, #tpu.memory_space<vmem>>, vector<1x16xi32>,
      %swap3A_622 = vector.shape_cast %swap3A_621 : vector<1x16xi32> to vector<16xi32>
      %swap3A_623 = vector.shape_cast %shift_right_logical3A_617 : vector<16xi32> to vector<1x16xi32>
      tpu.vector_store %arg8[%swap3A_619, %swap3A_620], %swap3A_623 {strides = array<i32>} : memref<2x128xi32, #tpu.memory_space<vmem>>, vector<1x16xi32>,
      %dma_start3A_624 = arith.constant 0 : i32
      %dma_start3A_625 = arith.constant 0 : i32
      %dma_start3A_626 = tpu.memref_slice %arg7[%dma_start3A_624, %dma_start3A_625] : memref<2x128xi32, #tpu.memory_space<vmem>> -> memref<1x128xi32, #tpu.memory_space<vmem>>
      %dma_start3A_627 = tpu.memref_squeeze %dma_start3A_626 : memref<1x128xi32, #tpu.memory_space<vmem>> -> memref<128xi32, #tpu.memory_space<vmem>>
      %dma_start3A_628 = arith.constant 0 : i32
      %dma_start3A_629 = arith.constant 0 : i32
      %dma_start3A_630 = tpu.memref_slice %arg2[%dma_start3A_628, %dma_start3A_629] : memref<10000x128xf32, #tpu.memory_space<hbm>> -> memref<10000x128xf32, #tpu.memory_space<hbm>>
      tpu.enqueue_indirect_dma source(%dma_start3A_630 : memref<10000x128xf32, #tpu.memory_space<hbm>>) target(%arg9 : memref<128x128xf32, #tpu.memory_space<vmem>>) offsets(%dma_start3A_627 : memref<128xi32, #tpu.memory_space<vmem>>) semaphore(%arg12 : memref<!tpu.dma_semaphore, #tpu.memory_space<semaphore_mem>>)
      %dma_wait3A_631 = arith.constant 1 : i32
      %dma_wait3A_632 = arith.constant 0 : i32
      %dma_wait3A_633 = tpu.memref_slice %arg7[%dma_wait3A_631, %dma_wait3A_632] : memref<2x128xi32, #tpu.memory_space<vmem>> -> memref<1x128xi32, #tpu.memory_space<vmem>>
      %dma_wait3A_634 = tpu.memref_squeeze %dma_wait3A_633 : memref<1x128xi32, #tpu.memory_space<vmem>> -> memref<128xi32, #tpu.memory_space<vmem>>
      %dma_wait3A_635 = arith.constant 0 : i32
      %dma_wait3A_636 = arith.constant 0 : i32
      %dma_wait3A_637 = tpu.memref_slice %arg2[%dma_wait3A_635, %dma_wait3A_636] : memref<10000x128xf32, #tpu.memory_space<hbm>> -> memref<10000x128xf32, #tpu.memory_space<hbm>>
      tpu.wait_indirect_dma semaphore(%arg13 : memref<!tpu.dma_semaphore, #tpu.memory_space<semaphore_mem>>) src(%dma_wait3A_637 : memref<10000x128xf32, #tpu.memory_space<hbm>>) dst(%arg10 : memref<128x128xf32, #tpu.memory_space<vmem>>)
      %dma_start3A_638 = arith.constant 1 : i32
      %dma_start3A_639 = arith.constant 0 : i32
      %dma_start3A_640 = tpu.memref_slice %arg8[%dma_start3A_638, %dma_start3A_639] : memref<2x128xi32, #tpu.memory_space<vmem>> -> memref<1x128xi32, #tpu.memory_space<vmem>>
      %dma_start3A_641 = tpu.memref_squeeze %dma_start3A_640 : memref<1x128xi32, #tpu.memory_space<vmem>> -> memref<128xi32, #tpu.memory_space<vmem>>
      %dma_start3A_642 = arith.constant 0 : i32
      %dma_start3A_643 = arith.constant 0 : i32
      %dma_start3A_644 = tpu.memref_slice %arg11[%dma_start3A_642, %dma_start3A_643] : memref<10112x128xf32, #tpu.memory_space<vmem_shared>> -> memref<10112x128xf32, #tpu.memory_space<vmem_shared>>
      tpu.enqueue_indirect_dma source(%arg10 : memref<128x128xf32, #tpu.memory_space<vmem>>) target(%dma_start3A_644 : memref<10112x128xf32, #tpu.memory_space<vmem_shared>>) offsets(%dma_start3A_641 : memref<128xi32, #tpu.memory_space<vmem>>) semaphore(%arg15 : memref<!tpu.dma_semaphore, #tpu.memory_space<semaphore_mem>>) {add = true}
      %add3A_645 = arith.constant 1 : i32
      %add3A_646 = arith.addi %add3A_436, %add3A_645 : i32
      %dma_wait3A_647 = arith.constant 1 : i32
      %dma_wait3A_648 = arith.constant 0 : i32
      %dma_wait3A_649 = tpu.memref_slice %arg8[%dma_wait3A_647, %dma_wait3A_648] : memref<2x128xi32, #tpu.memory_space<vmem>> -> memref<1x128xi32, #tpu.memory_space<vmem>>
      %dma_wait3A_650 = tpu.memref_squeeze %dma_wait3A_649 : memref<1x128xi32, #tpu.memory_space<vmem>> -> memref<128xi32, #tpu.memory_space<vmem>>
      %dma_wait3A_651 = arith.constant 0 : i32
      %dma_wait3A_652 = arith.constant 0 : i32
      %dma_wait3A_653 = tpu.memref_slice %arg11[%dma_wait3A_651, %dma_wait3A_652] : memref<10112x128xf32, #tpu.memory_space<vmem_shared>> -> memref<10112x128xf32, #tpu.memory_space<vmem_shared>>
      tpu.wait_indirect_dma semaphore(%arg15 : memref<!tpu.dma_semaphore, #tpu.memory_space<semaphore_mem>>) src(%arg10 : memref<128x128xf32, #tpu.memory_space<vmem>>) dst(%dma_wait3A_653 : memref<10112x128xf32, #tpu.memory_space<vmem_shared>>)
      %add3A_654 = arith.constant 1 : i32
      %add3A_655 = arith.addi %add3A_646, %add3A_654 : i32
      %get3A_656 = arith.index_cast %add3A_655 : i32 to index
      %get3A_657 = arith.constant 0 : index
      %get3A_658 = tpu.vector_load %arg6[%get3A_656, %get3A_657] {strides = array<i32>} : memref<80x128xi32, #tpu.memory_space<vmem>>, vector<1x16xi32>,
      %get3A_659 = vector.shape_cast %get3A_658 : vector<1x16xi32> to vector<16xi32>
      %and3A_660 = arith.constant 16383 : i32
      %and3A_661 = vector.broadcast %and3A_660 : i32 to vector<16xi32>
      %and3A_662 = arith.andi %get3A_659, %and3A_661 : vector<16xi32>
      %swap3A_663 = arith.constant 1 : i32
      %swap3A_664 = arith.index_cast %swap3A_663 : i32 to index
      %swap3A_665 = arith.constant 0 : index
      %swap3A_666 = tpu.vector_load %arg7[%swap3A_664, %swap3A_665] {strides = array<i32>} : memref<2x128xi32, #tpu.memory_space<vmem>>, vector<1x16xi32>,
      %swap3A_667 = vector.shape_cast %swap3A_666 : vector<1x16xi32> to vector<16xi32>
      %swap3A_668 = vector.shape_cast %and3A_662 : vector<16xi32> to vector<1x16xi32>
      tpu.vector_store %arg7[%swap3A_664, %swap3A_665], %swap3A_668 {strides = array<i32>} : memref<2x128xi32, #tpu.memory_space<vmem>>, vector<1x16xi32>,
      %shift_right_logical3A_669 = arith.constant 14 : i32
      %shift_right_logical3A_670 = vector.broadcast %shift_right_logical3A_669 : i32 to vector<16xi32>
      %shift_right_logical3A_671 = arith.shrui %get3A_659, %shift_right_logical3A_670 : vector<16xi32>
      %swap3A_672 = arith.constant 1 : i32
      %swap3A_673 = arith.index_cast %swap3A_672 : i32 to index
      %swap3A_674 = arith.constant 0 : index
      %swap3A_675 = tpu.vector_load %arg8[%swap3A_673, %swap3A_674] {strides = array<i32>} : memref<2x128xi32, #tpu.memory_space<vmem>>, vector<1x16xi32>,
      %swap3A_676 = vector.shape_cast %swap3A_675 : vector<1x16xi32> to vector<16xi32>
      %swap3A_677 = vector.shape_cast %shift_right_logical3A_671 : vector<16xi32> to vector<1x16xi32>
      tpu.vector_store %arg8[%swap3A_673, %swap3A_674], %swap3A_677 {strides = array<i32>} : memref<2x128xi32, #tpu.memory_space<vmem>>, vector<1x16xi32>,
      %get3A_678 = arith.index_cast %add3A_655 : i32 to index
      %get3A_679 = arith.constant 16 : index
      %get3A_680 = tpu.vector_load %arg6[%get3A_678, %get3A_679] {strides = array<i32>} : memref<80x128xi32, #tpu.memory_space<vmem>>, vector<1x16xi32>,
      %get3A_681 = vector.shape_cast %get3A_680 : vector<1x16xi32> to vector<16xi32>
      %and3A_682 = arith.constant 16383 : i32
      %and3A_683 = vector.broadcast %and3A_682 : i32 to vector<16xi32>
      %and3A_684 = arith.andi %get3A_681, %and3A_683 : vector<16xi32>
      %swap3A_685 = arith.constant 1 : i32
      %swap3A_686 = arith.index_cast %swap3A_685 : i32 to index
      %swap3A_687 = arith.constant 16 : index
      %swap3A_688 = tpu.vector_load %arg7[%swap3A_686, %swap3A_687] {strides = array<i32>} : memref<2x128xi32, #tpu.memory_space<vmem>>, vector<1x16xi32>,
      %swap3A_689 = vector.shape_cast %swap3A_688 : vector<1x16xi32> to vector<16xi32>
      %swap3A_690 = vector.shape_cast %and3A_684 : vector<16xi32> to vector<1x16xi32>
      tpu.vector_store %arg7[%swap3A_686, %swap3A_687], %swap3A_690 {strides = array<i32>} : memref<2x128xi32, #tpu.memory_space<vmem>>, vector<1x16xi32>,
      %shift_right_logical3A_691 = arith.constant 14 : i32
      %shift_right_logical3A_692 = vector.broadcast %shift_right_logical3A_691 : i32 to vector<16xi32>
      %shift_right_logical3A_693 = arith.shrui %get3A_681, %shift_right_logical3A_692 : vector<16xi32>
      %swap3A_694 = arith.constant 1 : i32
      %swap3A_695 = arith.index_cast %swap3A_694 : i32 to index
      %swap3A_696 = arith.constant 16 : index
      %swap3A_697 = tpu.vector_load %arg8[%swap3A_695, %swap3A_696] {strides = array<i32>} : memref<2x128xi32, #tpu.memory_space<vmem>>, vector<1x16xi32>,
      %swap3A_698 = vector.shape_cast %swap3A_697 : vector<1x16xi32> to vector<16xi32>
      %swap3A_699 = vector.shape_cast %shift_right_logical3A_693 : vector<16xi32> to vector<1x16xi32>
      tpu.vector_store %arg8[%swap3A_695, %swap3A_696], %swap3A_699 {strides = array<i32>} : memref<2x128xi32, #tpu.memory_space<vmem>>, vector<1x16xi32>,
      %get3A_700 = arith.index_cast %add3A_655 : i32 to index
      %get3A_701 = arith.constant 32 : index
      %get3A_702 = tpu.vector_load %arg6[%get3A_700, %get3A_701] {strides = array<i32>} : memref<80x128xi32, #tpu.memory_space<vmem>>, vector<1x16xi32>,
      %get3A_703 = vector.shape_cast %get3A_702 : vector<1x16xi32> to vector<16xi32>
      %and3A_704 = arith.constant 16383 : i32
      %and3A_705 = vector.broadcast %and3A_704 : i32 to vector<16xi32>
      %and3A_706 = arith.andi %get3A_703, %and3A_705 : vector<16xi32>
      %swap3A_707 = arith.constant 1 : i32
      %swap3A_708 = arith.index_cast %swap3A_707 : i32 to index
      %swap3A_709 = arith.constant 32 : index
      %swap3A_710 = tpu.vector_load %arg7[%swap3A_708, %swap3A_709] {strides = array<i32>} : memref<2x128xi32, #tpu.memory_space<vmem>>, vector<1x16xi32>,
      %swap3A_711 = vector.shape_cast %swap3A_710 : vector<1x16xi32> to vector<16xi32>
      %swap3A_712 = vector.shape_cast %and3A_706 : vector<16xi32> to vector<1x16xi32>
      tpu.vector_store %arg7[%swap3A_708, %swap3A_709], %swap3A_712 {strides = array<i32>} : memref<2x128xi32, #tpu.memory_space<vmem>>, vector<1x16xi32>,
      %shift_right_logical3A_713 = arith.constant 14 : i32
      %shift_right_logical3A_714 = vector.broadcast %shift_right_logical3A_713 : i32 to vector<16xi32>
      %shift_right_logical3A_715 = arith.shrui %get3A_703, %shift_right_logical3A_714 : vector<16xi32>
      %swap3A_716 = arith.constant 1 : i32
      %swap3A_717 = arith.index_cast %swap3A_716 : i32 to index
      %swap3A_718 = arith.constant 32 : index
      %swap3A_719 = tpu.vector_load %arg8[%swap3A_717, %swap3A_718] {strides = array<i32>} : memref<2x128xi32, #tpu.memory_space<vmem>>, vector<1x16xi32>,
      %swap3A_720 = vector.shape_cast %swap3A_719 : vector<1x16xi32> to vector<16xi32>
      %swap3A_721 = vector.shape_cast %shift_right_logical3A_715 : vector<16xi32> to vector<1x16xi32>
      tpu.vector_store %arg8[%swap3A_717, %swap3A_718], %swap3A_721 {strides = array<i32>} : memref<2x128xi32, #tpu.memory_space<vmem>>, vector<1x16xi32>,
      %get3A_722 = arith.index_cast %add3A_655 : i32 to index
      %get3A_723 = arith.constant 48 : index
      %get3A_724 = tpu.vector_load %arg6[%get3A_722, %get3A_723] {strides = array<i32>} : memref<80x128xi32, #tpu.memory_space<vmem>>, vector<1x16xi32>,
      %get3A_725 = vector.shape_cast %get3A_724 : vector<1x16xi32> to vector<16xi32>
      %and3A_726 = arith.constant 16383 : i32
      %and3A_727 = vector.broadcast %and3A_726 : i32 to vector<16xi32>
      %and3A_728 = arith.andi %get3A_725, %and3A_727 : vector<16xi32>
      %swap3A_729 = arith.constant 1 : i32
      %swap3A_730 = arith.index_cast %swap3A_729 : i32 to index
      %swap3A_731 = arith.constant 48 : index
      %swap3A_732 = tpu.vector_load %arg7[%swap3A_730, %swap3A_731] {strides = array<i32>} : memref<2x128xi32, #tpu.memory_space<vmem>>, vector<1x16xi32>,
      %swap3A_733 = vector.shape_cast %swap3A_732 : vector<1x16xi32> to vector<16xi32>
      %swap3A_734 = vector.shape_cast %and3A_728 : vector<16xi32> to vector<1x16xi32>
      tpu.vector_store %arg7[%swap3A_730, %swap3A_731], %swap3A_734 {strides = array<i32>} : memref<2x128xi32, #tpu.memory_space<vmem>>, vector<1x16xi32>,
      %shift_right_logical3A_735 = arith.constant 14 : i32
      %shift_right_logical3A_736 = vector.broadcast %shift_right_logical3A_735 : i32 to vector<16xi32>
      %shift_right_logical3A_737 = arith.shrui %get3A_725, %shift_right_logical3A_736 : vector<16xi32>
      %swap3A_738 = arith.constant 1 : i32
      %swap3A_739 = arith.index_cast %swap3A_738 : i32 to index
      %swap3A_740 = arith.constant 48 : index
      %swap3A_741 = tpu.vector_load %arg8[%swap3A_739, %swap3A_740] {strides = array<i32>} : memref<2x128xi32, #tpu.memory_space<vmem>>, vector<1x16xi32>,
      %swap3A_742 = vector.shape_cast %swap3A_741 : vector<1x16xi32> to vector<16xi32>
      %swap3A_743 = vector.shape_cast %shift_right_logical3A_737 : vector<16xi32> to vector<1x16xi32>
      tpu.vector_store %arg8[%swap3A_739, %swap3A_740], %swap3A_743 {strides = array<i32>} : memref<2x128xi32, #tpu.memory_space<vmem>>, vector<1x16xi32>,
      %get3A_744 = arith.index_cast %add3A_655 : i32 to index
      %get3A_745 = arith.constant 64 : index
      %get3A_746 = tpu.vector_load %arg6[%get3A_744, %get3A_745] {strides = array<i32>} : memref<80x128xi32, #tpu.memory_space<vmem>>, vector<1x16xi32>,
      %get3A_747 = vector.shape_cast %get3A_746 : vector<1x16xi32> to vector<16xi32>
      %and3A_748 = arith.constant 16383 : i32
      %and3A_749 = vector.broadcast %and3A_748 : i32 to vector<16xi32>
      %and3A_750 = arith.andi %get3A_747, %and3A_749 : vector<16xi32>
      %swap3A_751 = arith.constant 1 : i32
      %swap3A_752 = arith.index_cast %swap3A_751 : i32 to index
      %swap3A_753 = arith.constant 64 : index
      %swap3A_754 = tpu.vector_load %arg7[%swap3A_752, %swap3A_753] {strides = array<i32>} : memref<2x128xi32, #tpu.memory_space<vmem>>, vector<1x16xi32>,
      %swap3A_755 = vector.shape_cast %swap3A_754 : vector<1x16xi32> to vector<16xi32>
      %swap3A_756 = vector.shape_cast %and3A_750 : vector<16xi32> to vector<1x16xi32>
      tpu.vector_store %arg7[%swap3A_752, %swap3A_753], %swap3A_756 {strides = array<i32>} : memref<2x128xi32, #tpu.memory_space<vmem>>, vector<1x16xi32>,
      %shift_right_logical3A_757 = arith.constant 14 : i32
      %shift_right_logical3A_758 = vector.broadcast %shift_right_logical3A_757 : i32 to vector<16xi32>
      %shift_right_logical3A_759 = arith.shrui %get3A_747, %shift_right_logical3A_758 : vector<16xi32>
      %swap3A_760 = arith.constant 1 : i32
      %swap3A_761 = arith.index_cast %swap3A_760 : i32 to index
      %swap3A_762 = arith.constant 64 : index
      %swap3A_763 = tpu.vector_load %arg8[%swap3A_761, %swap3A_762] {strides = array<i32>} : memref<2x128xi32, #tpu.memory_space<vmem>>, vector<1x16xi32>,
      %swap3A_764 = vector.shape_cast %swap3A_763 : vector<1x16xi32> to vector<16xi32>
      %swap3A_765 = vector.shape_cast %shift_right_logical3A_759 : vector<16xi32> to vector<1x16xi32>
      tpu.vector_store %arg8[%swap3A_761, %swap3A_762], %swap3A_765 {strides = array<i32>} : memref<2x128xi32, #tpu.memory_space<vmem>>, vector<1x16xi32>,
      %get3A_766 = arith.index_cast %add3A_655 : i32 to index
      %get3A_767 = arith.constant 80 : index
      %get3A_768 = tpu.vector_load %arg6[%get3A_766, %get3A_767] {strides = array<i32>} : memref<80x128xi32, #tpu.memory_space<vmem>>, vector<1x16xi32>,
      %get3A_769 = vector.shape_cast %get3A_768 : vector<1x16xi32> to vector<16xi32>
      %and3A_770 = arith.constant 16383 : i32
      %and3A_771 = vector.broadcast %and3A_770 : i32 to vector<16xi32>
      %and3A_772 = arith.andi %get3A_769, %and3A_771 : vector<16xi32>
      %swap3A_773 = arith.constant 1 : i32
      %swap3A_774 = arith.index_cast %swap3A_773 : i32 to index
      %swap3A_775 = arith.constant 80 : index
      %swap3A_776 = tpu.vector_load %arg7[%swap3A_774, %swap3A_775] {strides = array<i32>} : memref<2x128xi32, #tpu.memory_space<vmem>>, vector<1x16xi32>,
      %swap3A_777 = vector.shape_cast %swap3A_776 : vector<1x16xi32> to vector<16xi32>
      %swap3A_778 = vector.shape_cast %and3A_772 : vector<16xi32> to vector<1x16xi32>
      tpu.vector_store %arg7[%swap3A_774, %swap3A_775], %swap3A_778 {strides = array<i32>} : memref<2x128xi32, #tpu.memory_space<vmem>>, vector<1x16xi32>,
      %shift_right_logical3A_779 = arith.constant 14 : i32
      %shift_right_logical3A_780 = vector.broadcast %shift_right_logical3A_779 : i32 to vector<16xi32>
      %shift_right_logical3A_781 = arith.shrui %get3A_769, %shift_right_logical3A_780 : vector<16xi32>
      %swap3A_782 = arith.constant 1 : i32
      %swap3A_783 = arith.index_cast %swap3A_782 : i32 to index
      %swap3A_784 = arith.constant 80 : index
      %swap3A_785 = tpu.vector_load %arg8[%swap3A_783, %swap3A_784] {strides = array<i32>} : memref<2x128xi32, #tpu.memory_space<vmem>>, vector<1x16xi32>,
      %swap3A_786 = vector.shape_cast %swap3A_785 : vector<1x16xi32> to vector<16xi32>
      %swap3A_787 = vector.shape_cast %shift_right_logical3A_781 : vector<16xi32> to vector<1x16xi32>
      tpu.vector_store %arg8[%swap3A_783, %swap3A_784], %swap3A_787 {strides = array<i32>} : memref<2x128xi32, #tpu.memory_space<vmem>>, vector<1x16xi32>,
      %get3A_788 = arith.index_cast %add3A_655 : i32 to index
      %get3A_789 = arith.constant 96 : index
      %get3A_790 = tpu.vector_load %arg6[%get3A_788, %get3A_789] {strides = array<i32>} : memref<80x128xi32, #tpu.memory_space<vmem>>, vector<1x16xi32>,
      %get3A_791 = vector.shape_cast %get3A_790 : vector<1x16xi32> to vector<16xi32>
      %and3A_792 = arith.constant 16383 : i32
      %and3A_793 = vector.broadcast %and3A_792 : i32 to vector<16xi32>
      %and3A_794 = arith.andi %get3A_791, %and3A_793 : vector<16xi32>
      %swap3A_795 = arith.constant 1 : i32
      %swap3A_796 = arith.index_cast %swap3A_795 : i32 to index
      %swap3A_797 = arith.constant 96 : index
      %swap3A_798 = tpu.vector_load %arg7[%swap3A_796, %swap3A_797] {strides = array<i32>} : memref<2x128xi32, #tpu.memory_space<vmem>>, vector<1x16xi32>,
      %swap3A_799 = vector.shape_cast %swap3A_798 : vector<1x16xi32> to vector<16xi32>
      %swap3A_800 = vector.shape_cast %and3A_794 : vector<16xi32> to vector<1x16xi32>
      tpu.vector_store %arg7[%swap3A_796, %swap3A_797], %swap3A_800 {strides = array<i32>} : memref<2x128xi32, #tpu.memory_space<vmem>>, vector<1x16xi32>,
      %shift_right_logical3A_801 = arith.constant 14 : i32
      %shift_right_logical3A_802 = vector.broadcast %shift_right_logical3A_801 : i32 to vector<16xi32>
      %shift_right_logical3A_803 = arith.shrui %get3A_791, %shift_right_logical3A_802 : vector<16xi32>
      %swap3A_804 = arith.constant 1 : i32
      %swap3A_805 = arith.index_cast %swap3A_804 : i32 to index
      %swap3A_806 = arith.constant 96 : index
      %swap3A_807 = tpu.vector_load %arg8[%swap3A_805, %swap3A_806] {strides = array<i32>} : memref<2x128xi32, #tpu.memory_space<vmem>>, vector<1x16xi32>,
      %swap3A_808 = vector.shape_cast %swap3A_807 : vector<1x16xi32> to vector<16xi32>
      %swap3A_809 = vector.shape_cast %shift_right_logical3A_803 : vector<16xi32> to vector<1x16xi32>
      tpu.vector_store %arg8[%swap3A_805, %swap3A_806], %swap3A_809 {strides = array<i32>} : memref<2x128xi32, #tpu.memory_space<vmem>>, vector<1x16xi32>,
      %get3A_810 = arith.index_cast %add3A_655 : i32 to index
      %get3A_811 = arith.constant 112 : index
      %get3A_812 = tpu.vector_load %arg6[%get3A_810, %get3A_811] {strides = array<i32>} : memref<80x128xi32, #tpu.memory_space<vmem>>, vector<1x16xi32>,
      %get3A_813 = vector.shape_cast %get3A_812 : vector<1x16xi32> to vector<16xi32>
      %and3A_814 = arith.constant 16383 : i32
      %and3A_815 = vector.broadcast %and3A_814 : i32 to vector<16xi32>
      %and3A_816 = arith.andi %get3A_813, %and3A_815 : vector<16xi32>
      %swap3A_817 = arith.constant 1 : i32
      %swap3A_818 = arith.index_cast %swap3A_817 : i32 to index
      %swap3A_819 = arith.constant 112 : index
      %swap3A_820 = tpu.vector_load %arg7[%swap3A_818, %swap3A_819] {strides = array<i32>} : memref<2x128xi32, #tpu.memory_space<vmem>>, vector<1x16xi32>,
      %swap3A_821 = vector.shape_cast %swap3A_820 : vector<1x16xi32> to vector<16xi32>
      %swap3A_822 = vector.shape_cast %and3A_816 : vector<16xi32> to vector<1x16xi32>
      tpu.vector_store %arg7[%swap3A_818, %swap3A_819], %swap3A_822 {strides = array<i32>} : memref<2x128xi32, #tpu.memory_space<vmem>>, vector<1x16xi32>,
      %shift_right_logical3A_823 = arith.constant 14 : i32
      %shift_right_logical3A_824 = vector.broadcast %shift_right_logical3A_823 : i32 to vector<16xi32>
      %shift_right_logical3A_825 = arith.shrui %get3A_813, %shift_right_logical3A_824 : vector<16xi32>
      %swap3A_826 = arith.constant 1 : i32
      %swap3A_827 = arith.index_cast %swap3A_826 : i32 to index
      %swap3A_828 = arith.constant 112 : index
      %swap3A_829 = tpu.vector_load %arg8[%swap3A_827, %swap3A_828] {strides = array<i32>} : memref<2x128xi32, #tpu.memory_space<vmem>>, vector<1x16xi32>,
      %swap3A_830 = vector.shape_cast %swap3A_829 : vector<1x16xi32> to vector<16xi32>
      %swap3A_831 = vector.shape_cast %shift_right_logical3A_825 : vector<16xi32> to vector<1x16xi32>
      tpu.vector_store %arg8[%swap3A_827, %swap3A_828], %swap3A_831 {strides = array<i32>} : memref<2x128xi32, #tpu.memory_space<vmem>>, vector<1x16xi32>,
      %dma_start3A_832 = arith.constant 1 : i32
      %dma_start3A_833 = arith.constant 0 : i32
      %dma_start3A_834 = tpu.memref_slice %arg7[%dma_start3A_832, %dma_start3A_833] : memref<2x128xi32, #tpu.memory_space<vmem>> -> memref<1x128xi32, #tpu.memory_space<vmem>>
      %dma_start3A_835 = tpu.memref_squeeze %dma_start3A_834 : memref<1x128xi32, #tpu.memory_space<vmem>> -> memref<128xi32, #tpu.memory_space<vmem>>
      %dma_start3A_836 = arith.constant 0 : i32
      %dma_start3A_837 = arith.constant 0 : i32
      %dma_start3A_838 = tpu.memref_slice %arg2[%dma_start3A_836, %dma_start3A_837] : memref<10000x128xf32, #tpu.memory_space<hbm>> -> memref<10000x128xf32, #tpu.memory_space<hbm>>
      tpu.enqueue_indirect_dma source(%dma_start3A_838 : memref<10000x128xf32, #tpu.memory_space<hbm>>) target(%arg10 : memref<128x128xf32, #tpu.memory_space<vmem>>) offsets(%dma_start3A_835 : memref<128xi32, #tpu.memory_space<vmem>>) semaphore(%arg13 : memref<!tpu.dma_semaphore, #tpu.memory_space<semaphore_mem>>)
      %dma_wait3A_839 = arith.constant 0 : i32
      %dma_wait3A_840 = arith.constant 0 : i32
      %dma_wait3A_841 = tpu.memref_slice %arg7[%dma_wait3A_839, %dma_wait3A_840] : memref<2x128xi32, #tpu.memory_space<vmem>> -> memref<1x128xi32, #tpu.memory_space<vmem>>
      %dma_wait3A_842 = tpu.memref_squeeze %dma_wait3A_841 : memref<1x128xi32, #tpu.memory_space<vmem>> -> memref<128xi32, #tpu.memory_space<vmem>>
      %dma_wait3A_843 = arith.constant 0 : i32
      %dma_wait3A_844 = arith.constant 0 : i32
      %dma_wait3A_845 = tpu.memref_slice %arg2[%dma_wait3A_843, %dma_wait3A_844] : memref<10000x128xf32, #tpu.memory_space<hbm>> -> memref<10000x128xf32, #tpu.memory_space<hbm>>
      tpu.wait_indirect_dma semaphore(%arg12 : memref<!tpu.dma_semaphore, #tpu.memory_space<semaphore_mem>>) src(%dma_wait3A_845 : memref<10000x128xf32, #tpu.memory_space<hbm>>) dst(%arg9 : memref<128x128xf32, #tpu.memory_space<vmem>>)
      %dma_start3A_846 = arith.constant 0 : i32
      %dma_start3A_847 = arith.constant 0 : i32
      %dma_start3A_848 = tpu.memref_slice %arg8[%dma_start3A_846, %dma_start3A_847] : memref<2x128xi32, #tpu.memory_space<vmem>> -> memref<1x128xi32, #tpu.memory_space<vmem>>
      %dma_start3A_849 = tpu.memref_squeeze %dma_start3A_848 : memref<1x128xi32, #tpu.memory_space<vmem>> -> memref<128xi32, #tpu.memory_space<vmem>>
      %dma_start3A_850 = arith.constant 0 : i32
      %dma_start3A_851 = arith.constant 0 : i32
      %dma_start3A_852 = tpu.memref_slice %arg11[%dma_start3A_850, %dma_start3A_851] : memref<10112x128xf32, #tpu.memory_space<vmem_shared>> -> memref<10112x128xf32, #tpu.memory_space<vmem_shared>>
      tpu.enqueue_indirect_dma source(%arg9 : memref<128x128xf32, #tpu.memory_space<vmem>>) target(%dma_start3A_852 : memref<10112x128xf32, #tpu.memory_space<vmem_shared>>) offsets(%dma_start3A_849 : memref<128xi32, #tpu.memory_space<vmem>>) semaphore(%arg14 : memref<!tpu.dma_semaphore, #tpu.memory_space<semaphore_mem>>) {add = true}
    }
    %scan3A_398 = arith.constant 39 : i32
    %dma_wait3A_399 = arith.constant 1 : i32
    %dma_wait3A_400 = arith.constant 0 : i32
    %dma_wait3A_401 = tpu.memref_slice %arg7[%dma_wait3A_399, %dma_wait3A_400] : memref<2x128xi32, #tpu.memory_space<vmem>> -> memref<1x128xi32, #tpu.memory_space<vmem>>
    %dma_wait3A_402 = tpu.memref_squeeze %dma_wait3A_401 : memref<1x128xi32, #tpu.memory_space<vmem>> -> memref<128xi32, #tpu.memory_space<vmem>>
    %dma_wait3A_403 = arith.constant 0 : i32
    %dma_wait3A_404 = arith.constant 0 : i32
    %dma_wait3A_405 = tpu.memref_slice %arg2[%dma_wait3A_403, %dma_wait3A_404] : memref<10000x128xf32, #tpu.memory_space<hbm>> -> memref<10000x128xf32, #tpu.memory_space<hbm>>
    tpu.wait_indirect_dma semaphore(%arg13 : memref<!tpu.dma_semaphore, #tpu.memory_space<semaphore_mem>>) src(%dma_wait3A_405 : memref<10000x128xf32, #tpu.memory_space<hbm>>) dst(%arg10 : memref<128x128xf32, #tpu.memory_space<vmem>>)
    %dma_start3A_406 = arith.constant 1 : i32
    %dma_start3A_407 = arith.constant 0 : i32
    %dma_start3A_408 = tpu.memref_slice %arg8[%dma_start3A_406, %dma_start3A_407] : memref<2x128xi32, #tpu.memory_space<vmem>> -> memref<1x128xi32, #tpu.memory_space<vmem>>
    %dma_start3A_409 = tpu.memref_squeeze %dma_start3A_408 : memref<1x128xi32, #tpu.memory_space<vmem>> -> memref<128xi32, #tpu.memory_space<vmem>>
    %dma_start3A_410 = arith.constant 0 : i32
    %dma_start3A_411 = arith.constant 0 : i32
    %dma_start3A_412 = tpu.memref_slice %arg11[%dma_start3A_410, %dma_start3A_411] : memref<10112x128xf32, #tpu.memory_space<vmem_shared>> -> memref<10112x128xf32, #tpu.memory_space<vmem_shared>>
    tpu.enqueue_indirect_dma source(%arg10 : memref<128x128xf32, #tpu.memory_space<vmem>>) target(%dma_start3A_412 : memref<10112x128xf32, #tpu.memory_space<vmem_shared>>) offsets(%dma_start3A_409 : memref<128xi32, #tpu.memory_space<vmem>>) semaphore(%arg15 : memref<!tpu.dma_semaphore, #tpu.memory_space<semaphore_mem>>) {add = true}
    %dma_wait3A_413 = arith.constant 0 : i32
    %dma_wait3A_414 = arith.constant 0 : i32
    %dma_wait3A_415 = tpu.memref_slice %arg8[%dma_wait3A_413, %dma_wait3A_414] : memref<2x128xi32, #tpu.memory_space<vmem>> -> memref<1x128xi32, #tpu.memory_space<vmem>>
    %dma_wait3A_416 = tpu.memref_squeeze %dma_wait3A_415 : memref<1x128xi32, #tpu.memory_space<vmem>> -> memref<128xi32, #tpu.memory_space<vmem>>
    %dma_wait3A_417 = arith.constant 0 : i32
    %dma_wait3A_418 = arith.constant 0 : i32
    %dma_wait3A_419 = tpu.memref_slice %arg11[%dma_wait3A_417, %dma_wait3A_418] : memref<10112x128xf32, #tpu.memory_space<vmem_shared>> -> memref<10112x128xf32, #tpu.memory_space<vmem_shared>>
    tpu.wait_indirect_dma semaphore(%arg14 : memref<!tpu.dma_semaphore, #tpu.memory_space<semaphore_mem>>) src(%arg9 : memref<128x128xf32, #tpu.memory_space<vmem>>) dst(%dma_wait3A_419 : memref<10112x128xf32, #tpu.memory_space<vmem_shared>>)
    %dma_wait3A_420 = arith.constant 1 : i32
    %dma_wait3A_421 = arith.constant 0 : i32
    %dma_wait3A_422 = tpu.memref_slice %arg8[%dma_wait3A_420, %dma_wait3A_421] : memref<2x128xi32, #tpu.memory_space<vmem>> -> memref<1x128xi32, #tpu.memory_space<vmem>>
    %dma_wait3A_423 = tpu.memref_squeeze %dma_wait3A_422 : memref<1x128xi32, #tpu.memory_space<vmem>> -> memref<128xi32, #tpu.memory_space<vmem>>
    %dma_wait3A_424 = arith.constant 0 : i32
    %dma_wait3A_425 = arith.constant 0 : i32
    %dma_wait3A_426 = tpu.memref_slice %arg11[%dma_wait3A_424, %dma_wait3A_425] : memref<10112x128xf32, #tpu.memory_space<vmem_shared>> -> memref<10112x128xf32, #tpu.memory_space<vmem_shared>>
    tpu.wait_indirect_dma semaphore(%arg15 : memref<!tpu.dma_semaphore, #tpu.memory_space<semaphore_mem>>) src(%arg10 : memref<128x128xf32, #tpu.memory_space<vmem>>) dst(%dma_wait3A_426 : memref<10112x128xf32, #tpu.memory_space<vmem_shared>>)
    %barrier3A_427 = arith.constant 0 : index
    tpu.barrier barrier_id(%barrier3A_427)
    %mul3A_428 = arith.constant 632 : i32
    %mul3A_429 = arith.muli %arg1, %mul3A_428 : i32
    %mul3A_430 = arith.constant 632 : i32
    %mul3A_431 = arith.muli %arg1, %mul3A_430 : i32
    "tpu.region"() ({
      %run_scoped3A = tpu.sem_alloc : memref<!tpu.dma_semaphore, #tpu.memory_space<semaphore_mem>>
      %dma_start3A_432 = arith.constant 0 : i32
      %dma_start3A_433 = arith.constant 0 : i32
      %dma_start3A_434 = tpu.memref_slice %arg5[%arg0, %dma_start3A_432, %dma_start3A_433] : memref<2x10112x128xf32, #tpu.memory_space<hbm>> -> memref<1x10112x128xf32, #tpu.memory_space<hbm>>
      %dma_start3A_435 = tpu.memref_squeeze %dma_start3A_434 : memref<1x10112x128xf32, #tpu.memory_space<hbm>> -> memref<10112x128xf32, #tpu.memory_space<hbm>>
      %dma_start3A_436 = arith.constant 0 : i32
      %dma_start3A_437 = tpu.memref_slice %dma_start3A_435[%mul3A_431, %dma_start3A_436] : memref<10112x128xf32, #tpu.memory_space<hbm>> -> memref<632x128xf32, #tpu.memory_space<hbm>>
      %dma_start3A_438 = arith.constant 0 : i32
      %dma_start3A_439 = tpu.memref_slice %arg11[%mul3A_429, %dma_start3A_438] : memref<10112x128xf32, #tpu.memory_space<vmem_shared>> -> memref<632x128xf32, #tpu.memory_space<vmem_shared>>
      tpu.enqueue_dma source(%dma_start3A_439 : memref<632x128xf32, #tpu.memory_space<vmem_shared>>) target(%dma_start3A_437 : memref<632x128xf32, #tpu.memory_space<hbm>>) target_semaphore(%run_scoped3A : memref<!tpu.dma_semaphore, #tpu.memory_space<semaphore_mem>>)
      %dma_wait3A_440 = arith.constant 0 : i32
      %dma_wait3A_441 = arith.constant 0 : i32
      %dma_wait3A_442 = tpu.memref_slice %arg5[%arg0, %dma_wait3A_440, %dma_wait3A_441] : memref<2x10112x128xf32, #tpu.memory_space<hbm>> -> memref<1x10112x128xf32, #tpu.memory_space<hbm>>
      %dma_wait3A_443 = tpu.memref_squeeze %dma_wait3A_442 : memref<1x10112x128xf32, #tpu.memory_space<hbm>> -> memref<10112x128xf32, #tpu.memory_space<hbm>>
      %dma_wait3A_444 = arith.constant 0 : i32
      %dma_wait3A_445 = tpu.memref_slice %dma_wait3A_443[%mul3A_431, %dma_wait3A_444] : memref<10112x128xf32, #tpu.memory_space<hbm>> -> memref<632x128xf32, #tpu.memory_space<hbm>>
      %dma_wait3A_446 = arith.constant 0 : i32
      %dma_wait3A_447 = tpu.memref_slice %arg11[%mul3A_429, %dma_wait3A_446] : memref<10112x128xf32, #tpu.memory_space<vmem_shared>> -> memref<632x128xf32, #tpu.memory_space<vmem_shared>>
      tpu.wait_dma2 semaphore(%run_scoped3A : memref<!tpu.dma_semaphore, #tpu.memory_space<semaphore_mem>>) src(%dma_wait3A_447 : memref<632x128xf32, #tpu.memory_space<vmem_shared>>) dst(%dma_wait3A_445 : memref<632x128xf32, #tpu.memory_space<hbm>>)
      tpu.yield
    }) : () -> ()
    return
  }
}

module attributes {stable_mosaic.version = 14 : i64} {
  func.func @body(%arg0: i32, %arg1: memref<1x2000x128xf32, #tpu.memory_space<vmem>>, %arg2: memref<1x2000x128xf32, #tpu.memory_space<vmem>>, %arg3: memref<2000x128xf32, #tpu.memory_space<vmem>>, %arg4: memref<128x128xf32, #tpu.memory_space<vmem>>, %arg5: memref<128x128xf32, #tpu.memory_space<vmem>>, %arg6: memref<128xf32, #tpu.memory_space<vmem>>, %arg7: memref<2000x128xf32, #tpu.memory_space<vmem>>) attributes {dimension_semantics = [#tpu.dimension_semantics<arbitrary>], iteration_bounds = array<i64: 5>, scalar_prefetch = 0 : i64, scratch_operands = 0 : i64, tpu.core_type = #tpu.core_type<tc>, window_params = [{transform_indices = @transform_0, window_bounds = array<i64: 1, 2000, 128>}, {transform_indices = @transform_1, window_bounds = array<i64: 1, 2000, 128>}, {transform_indices = @transform_2, window_bounds = array<i64: 2000, 128>}, {pipeline_mode = #tpu.pipeline_mode<synchronous>, transform_indices = @transform_3, window_bounds = array<i64: 128, 128>}, {pipeline_mode = #tpu.pipeline_mode<synchronous>, transform_indices = @transform_4, window_bounds = array<i64: 128, 128>}, {pipeline_mode = #tpu.pipeline_mode<synchronous>, transform_indices = @transform_5, window_bounds = array<i64: 128>}, {transform_indices = @transform_6, window_bounds = array<i64: 2000, 128>}]} {
    %get3A = arith.constant 0 : index
    %get3A_0 = arith.constant 0 : index
    %get3A_1 = arith.constant 0 : index
    %get3A_2 = vector.load %arg1[%get3A, %get3A_0, %get3A_1] : memref<1x2000x128xf32, #tpu.memory_space<vmem>>, vector<1x2000x128xf32>
    %get3A_3 = vector.shape_cast %get3A_2 : vector<1x2000x128xf32> to vector<2000x128xf32>
    %get3A_4 = arith.constant 0 : index
    %get3A_5 = arith.constant 0 : index
    %get3A_6 = arith.constant 0 : index
    %get3A_7 = vector.load %arg2[%get3A_4, %get3A_5, %get3A_6] : memref<1x2000x128xf32, #tpu.memory_space<vmem>>, vector<1x2000x128xf32>
    %get3A_8 = vector.shape_cast %get3A_7 : vector<1x2000x128xf32> to vector<2000x128xf32>
    %add3A = arith.addf %get3A_3, %get3A_8 : vector<2000x128xf32>
    %get3A_9 = arith.constant 0 : index
    %get3A_10 = arith.constant 0 : index
    %get3A_11 = vector.load %arg4[%get3A_9, %get3A_10] : memref<128x128xf32, #tpu.memory_space<vmem>>, vector<128x128xf32>
    %dot_general3A = arith.constant dense<0.000000e+00> : vector<2000x128xf32>
    %dot_general3A_12 = tpu.matmul %add3A, %get3A_11, %dot_general3A {dimension_numbers = #tpu.dot_dimension_numbers<[1], [1], [0], [0], [0, 0, 1, 0], [], []>, transpose_lhs_hint = false} : vector<2000x128xf32>, vector<128x128xf32>, vector<2000x128xf32> -> vector<2000x128xf32>
    %get3A_13 = arith.constant 0 : index
    %get3A_14 = arith.constant 0 : index
    %get3A_15 = vector.load %arg3[%get3A_13, %get3A_14] : memref<2000x128xf32, #tpu.memory_space<vmem>>, vector<2000x128xf32>
    %get3A_16 = arith.constant 0 : index
    %get3A_17 = arith.constant 0 : index
    %get3A_18 = vector.load %arg5[%get3A_16, %get3A_17] : memref<128x128xf32, #tpu.memory_space<vmem>>, vector<128x128xf32>
    %dot_general3A_19 = arith.constant dense<0.000000e+00> : vector<2000x128xf32>
    %dot_general3A_20 = tpu.matmul %get3A_15, %get3A_18, %dot_general3A_19 {dimension_numbers = #tpu.dot_dimension_numbers<[1], [1], [0], [0], [0, 0, 1, 0], [], []>, transpose_lhs_hint = false} : vector<2000x128xf32>, vector<128x128xf32>, vector<2000x128xf32> -> vector<2000x128xf32>
    %add3A_21 = arith.addf %dot_general3A_12, %dot_general3A_20 : vector<2000x128xf32>
    %get3A_22 = arith.constant 0 : index
    %get3A_23 = vector.load %arg6[%get3A_22] : memref<128xf32, #tpu.memory_space<vmem>>, vector<128xf32>
    %broadcast_in_dim3A = vector.shape_cast %get3A_23 : vector<128xf32> to vector<1x128xf32>
    %add3A_24 = vector.broadcast %broadcast_in_dim3A : vector<1x128xf32> to vector<2000x128xf32>
    %add3A_25 = arith.addf %add3A_21, %add3A_24 : vector<2000x128xf32>
    %swap3A = arith.constant 0 : index
    %swap3A_26 = arith.constant 0 : index
    %swap3A_27 = vector.load %arg7[%swap3A, %swap3A_26] : memref<2000x128xf32, #tpu.memory_space<vmem>>, vector<2000x128xf32>
    tpu.vector_store %arg7[%swap3A, %swap3A_26], %add3A_25 {strides = array<i32>} : memref<2000x128xf32, #tpu.memory_space<vmem>>, vector<2000x128xf32>,
    return
  }
  func.func @transform_0(%arg0: i32) -> (i32, i32, i32) {
    %c0_i32 = arith.constant 0 : i32
    %c0_i32_0 = arith.constant 0 : i32
    %c0_i32_1 = arith.constant 0 : i32
    return %c0_i32, %arg0, %c0_i32_0 : i32, i32, i32
  }
  func.func @transform_1(%arg0: i32) -> (i32, i32, i32) {
    %c1_i32 = arith.constant 1 : i32
    %c0_i32 = arith.constant 0 : i32
    %c0_i32_0 = arith.constant 0 : i32
    return %c1_i32, %arg0, %c0_i32 : i32, i32, i32
  }
  func.func @transform_2(%arg0: i32) -> (i32, i32) {
    %c0_i32 = arith.constant 0 : i32
    %c0_i32_0 = arith.constant 0 : i32
    return %arg0, %c0_i32 : i32, i32
  }
  func.func @transform_3(%arg0: i32) -> (i32, i32) {
    %c0_i32 = arith.constant 0 : i32
    %c0_i32_0 = arith.constant 0 : i32
    %c0_i32_1 = arith.constant 0 : i32
    return %c0_i32, %c0_i32_0 : i32, i32
  }
  func.func @transform_4(%arg0: i32) -> (i32, i32) {
    %c0_i32 = arith.constant 0 : i32
    %c0_i32_0 = arith.constant 0 : i32
    %c0_i32_1 = arith.constant 0 : i32
    return %c0_i32, %c0_i32_0 : i32, i32
  }
  func.func @transform_5(%arg0: i32) -> i32 {
    %c0_i32 = arith.constant 0 : i32
    %c0_i32_0 = arith.constant 0 : i32
    return %c0_i32 : i32
  }
  func.func @transform_6(%arg0: i32) -> (i32, i32) {
    %c0_i32 = arith.constant 0 : i32
    %c0_i32_0 = arith.constant 0 : i32
    return %arg0, %c0_i32 : i32, i32
  }
}

module attributes {stable_mosaic.version = 14 : i64} {
  func.func @body(%arg0: i32, %arg1: memref<1x2000x128xf32, #tpu.memory_space<vmem>>, %arg2: memref<1x2000x128xf32, #tpu.memory_space<vmem>>, %arg3: memref<2000x128xf32, #tpu.memory_space<vmem>>, %arg4: memref<128x128xf32, #tpu.memory_space<vmem>>, %arg5: memref<128x128xf32, #tpu.memory_space<vmem>>, %arg6: memref<128xf32, #tpu.memory_space<vmem>>, %arg7: memref<2000x128xf32, #tpu.memory_space<vmem>>) attributes {dimension_semantics = [#tpu.dimension_semantics<arbitrary>], iteration_bounds = array<i64: 5>, scalar_prefetch = 0 : i64, scratch_operands = 0 : i64, tpu.core_type = #tpu.core_type<tc>, window_params = [{transform_indices = @transform_0, window_bounds = array<i64: 1, 2000, 128>}, {transform_indices = @transform_1, window_bounds = array<i64: 1, 2000, 128>}, {transform_indices = @transform_2, window_bounds = array<i64: 2000, 128>}, {pipeline_mode = #tpu.pipeline_mode<synchronous>, transform_indices = @transform_3, window_bounds = array<i64: 128, 128>}, {pipeline_mode = #tpu.pipeline_mode<synchronous>, transform_indices = @transform_4, window_bounds = array<i64: 128, 128>}, {pipeline_mode = #tpu.pipeline_mode<synchronous>, transform_indices = @transform_5, window_bounds = array<i64: 128>}, {transform_indices = @transform_6, window_bounds = array<i64: 2000, 128>}]} {
    %get3A = arith.constant 0 : index
    %get3A_0 = arith.constant 0 : index
    %get3A_1 = arith.constant 0 : index
    %get3A_2 = vector.load %arg1[%get3A, %get3A_0, %get3A_1] : memref<1x2000x128xf32, #tpu.memory_space<vmem>>, vector<1x2000x128xf32>
    %get3A_3 = vector.shape_cast %get3A_2 : vector<1x2000x128xf32> to vector<2000x128xf32>
    %get3A_4 = arith.constant 0 : index
    %get3A_5 = arith.constant 0 : index
    %get3A_6 = arith.constant 0 : index
    %get3A_7 = vector.load %arg2[%get3A_4, %get3A_5, %get3A_6] : memref<1x2000x128xf32, #tpu.memory_space<vmem>>, vector<1x2000x128xf32>
    %get3A_8 = vector.shape_cast %get3A_7 : vector<1x2000x128xf32> to vector<2000x128xf32>
    %add3A = arith.addf %get3A_3, %get3A_8 : vector<2000x128xf32>
    %get3A_9 = arith.constant 0 : index
    %get3A_10 = arith.constant 0 : index
    %get3A_11 = vector.load %arg4[%get3A_9, %get3A_10] : memref<128x128xf32, #tpu.memory_space<vmem>>, vector<128x128xf32>
    %dot_general3A = arith.constant dense<0.000000e+00> : vector<2000x128xf32>
    %dot_general3A_12 = tpu.matmul %add3A, %get3A_11, %dot_general3A {dimension_numbers = #tpu.dot_dimension_numbers<[1], [1], [0], [0], [0, 0, 1, 0], [], []>, transpose_lhs_hint = false} : vector<2000x128xf32>, vector<128x128xf32>, vector<2000x128xf32> -> vector<2000x128xf32>
    %get3A_13 = arith.constant 0 : index
    %get3A_14 = arith.constant 0 : index
    %get3A_15 = vector.load %arg3[%get3A_13, %get3A_14] : memref<2000x128xf32, #tpu.memory_space<vmem>>, vector<2000x128xf32>
    %get3A_16 = arith.constant 0 : index
    %get3A_17 = arith.constant 0 : index
    %get3A_18 = vector.load %arg5[%get3A_16, %get3A_17] : memref<128x128xf32, #tpu.memory_space<vmem>>, vector<128x128xf32>
    %dot_general3A_19 = arith.constant dense<0.000000e+00> : vector<2000x128xf32>
    %dot_general3A_20 = tpu.matmul %get3A_15, %get3A_18, %dot_general3A_19 {dimension_numbers = #tpu.dot_dimension_numbers<[1], [1], [0], [0], [0, 0, 1, 0], [], []>, transpose_lhs_hint = false} : vector<2000x128xf32>, vector<128x128xf32>, vector<2000x128xf32> -> vector<2000x128xf32>
    %add3A_21 = arith.addf %dot_general3A_12, %dot_general3A_20 : vector<2000x128xf32>
    %get3A_22 = arith.constant 0 : index
    %get3A_23 = vector.load %arg6[%get3A_22] : memref<128xf32, #tpu.memory_space<vmem>>, vector<128xf32>
    %broadcast_in_dim3A = vector.shape_cast %get3A_23 : vector<128xf32> to vector<1x128xf32>
    %add3A_24 = vector.broadcast %broadcast_in_dim3A : vector<1x128xf32> to vector<2000x128xf32>
    %add3A_25 = arith.addf %add3A_21, %add3A_24 : vector<2000x128xf32>
    %swap3A = arith.constant 0 : index
    %swap3A_26 = arith.constant 0 : index
    %swap3A_27 = vector.load %arg7[%swap3A, %swap3A_26] : memref<2000x128xf32, #tpu.memory_space<vmem>>, vector<2000x128xf32>
    tpu.vector_store %arg7[%swap3A, %swap3A_26], %add3A_25 {strides = array<i32>} : memref<2000x128xf32, #tpu.memory_space<vmem>>, vector<2000x128xf32>,
    return
  }
  func.func @transform_0(%arg0: i32) -> (i32, i32, i32) {
    %c0_i32 = arith.constant 0 : i32
    %c0_i32_0 = arith.constant 0 : i32
    %c0_i32_1 = arith.constant 0 : i32
    return %c0_i32, %arg0, %c0_i32_0 : i32, i32, i32
  }
  func.func @transform_1(%arg0: i32) -> (i32, i32, i32) {
    %c1_i32 = arith.constant 1 : i32
    %c0_i32 = arith.constant 0 : i32
    %c0_i32_0 = arith.constant 0 : i32
    return %c1_i32, %arg0, %c0_i32 : i32, i32, i32
  }
  func.func @transform_2(%arg0: i32) -> (i32, i32) {
    %c0_i32 = arith.constant 0 : i32
    %c0_i32_0 = arith.constant 0 : i32
    return %arg0, %c0_i32 : i32, i32
  }
  func.func @transform_3(%arg0: i32) -> (i32, i32) {
    %c0_i32 = arith.constant 0 : i32
    %c0_i32_0 = arith.constant 0 : i32
    %c0_i32_1 = arith.constant 0 : i32
    return %c0_i32, %c0_i32_0 : i32, i32
  }
  func.func @transform_4(%arg0: i32) -> (i32, i32) {
    %c0_i32 = arith.constant 0 : i32
    %c0_i32_0 = arith.constant 0 : i32
    %c0_i32_1 = arith.constant 0 : i32
    return %c0_i32, %c0_i32_0 : i32, i32
  }
  func.func @transform_5(%arg0: i32) -> i32 {
    %c0_i32 = arith.constant 0 : i32
    %c0_i32_0 = arith.constant 0 : i32
    return %c0_i32 : i32
  }
  func.func @transform_6(%arg0: i32) -> (i32, i32) {
    %c0_i32 = arith.constant 0 : i32
    %c0_i32_0 = arith.constant 0 : i32
    return %arg0, %c0_i32 : i32, i32
  }
}

</mosaic_0001>

<sc_bundles>
// kernel: kernel.6.cloned.1.call-start
scs
__scs_entry_jumppad:
0x0: {  	(pc) =	sbr.rel $0x88, $3  }
0x1: {  	(tag) =	ssettag $0x0;
	lr =	simm.s32 $0x1  }
0x2: {  	[smem:$0x3F99] =	sst lr;
	_ =	strace $0xD0000000  }
0x3: {  	_ = 	snop  }
0x4: {  	_ = 	snop  }
0x5: {  	_ = 	snop  }
0x6: {  	_ = 	snop  }
0x7: {  	_ = 	snop  }
__scs_overlays_trampoline_lowered:
0x8: {  	[smem:$0x3FA8] =	sst s0  }
0x9: {  	[smem:$0x3FA9] =	sst s1  }
0xa: {  	[smem:$0x3FAA] =	sst s2  }
0xb: {  	[smem:$0x3FAB] =	sst s3  }
0xc: {  	[smem:$0x3FAC] =	sst s4  }
0xd: {  	[smem:$0x3FAD] =	sst s5  }
0xe: {  	[smem:$0x3FAE] =	sst s6  }
0xf: {  	[smem:$0x3FAF] =	sst s7  }
0x10: {  	[smem:$0x3FB0] =	sst s8  }
0x11: {  	[smem:$0x3FB1] =	sst s9;
	s0 =	simm.s32 @!p0 $0x0  }
0x12: {  	s1 =	sld [smem:$0x3F97];
	s0 =	simm.s32 @p0 $0x1  }
0x13: {  	[smem:$0x3FB2] =	sst s0;
	s0 =	simm.s32 @!p1 $0x0  }
0x14: {  	s2 =	sld [smem:$0x3F96];
	s0 =	simm.s32 @p1 $0x1  }
0x15: {  	[smem:$0x3FB3] =	sst s0;
	s0 =	simm.s32 @!p2 $0x0  }
0x16: {  	s3 =	sld [smem:$0x3FDB];
	s0 =	simm.s32 @p2 $0x1  }
0x17: {  	s4 =	simm.s32 $0x1BF5;
	[smem:$0x3FB5] =	sst s0  }
0x18: {  	s0 =	sld [smem:$0x3F98];
	_ =	swait.ge [sflag:s4], $0x0  }
0x19: {  	s7 =	sld [smem:$0x3F99]  }
0x1a: {  	s8 =	sadd.s32 $0xFFFFE003, lr  }
0x1b: {  	s9 =	sadd.s32 $0xFFFFFEF7, lr;
	s5 =	simm.s32 $0xFFFFFFFF;
	p2 =	slt.u32 s8, $0xFFFFF086  }
0x1c: {  	p1 =	slt.u32 s9, $0xF7A;
	s5 =	simm.s32 @!p2 $0x0  }
0x1d: {  	s5 =	simm.s32 @p1 $0x1;
	p0 =	seq.s32 s7, s2  }
0x1e: {  	s7 =	smul.u32 @!p0 $0xF7A, s2;
	p2 =	seq.s32 @!p0 s5, $0x0  }
0x1f: {  	s9 =	smul.u32 $0xF7A, s1;
	s8 =	simm.s32 @!p0 $0x1BF5;
	p2 =	por !p2, p0  }
0x20: {  	[sflag:s8] =	ssyncset.s32 @!p0 $0xFFFFF086;
	s6 =	sadd.s32 @!p0 s3, s7;
	s7 =	simm.s32 @!p0 $0x108  }
0x21: {  	s3 =	sadd.s32 s3, s9;
	s6 =	sadd.s32 @!p0 $0x88, s6;
	s7 =	simm.s32 @p2 $0x1082  }
0x22: {  	[simem:s7], [sflag:s8] =	dma.local @!p0 [hbm:s6], $0xF7A  }
0x23: {  	s9 =	sor.u32 $0xD0000000, s2;
	s6 =	simm.s32 $0x108;
	_ =	swait.ge @!p0 [sflag:s8], $0x0  }
0x24: {  	s3 =	sadd.s32 $0x88, s3;
	s6 =	simm.s32 @!p1 $0x1082;
	[sflag:s4] =	ssyncset.s32 $0xFFFFF086  }
0x25: {  	[simem:s6], [sflag:s4] =	dma.local [hbm:s3], $0xF7A  }
0x26: {  	[smem:$0x3F99] =	sst s1;
	(tag) =	ssettag s2;
	_ =	strace s9  }
0x27: {  	s1 =	sld [smem:$0x3FA9]  }
0x28: {  	s2 =	sld [smem:$0x3FAA]  }
0x29: {  	s4 =	sld [smem:$0x3FAC]  }
0x2a: {  	p0 =	seq.s32 s5, $0x0;
	s5 =	sld [smem:$0x3FAD]  }
0x2b: {  	s6 =	sld [smem:$0x3FAE]  }
0x2c: {  	s7 =	sld [smem:$0x3FAF]  }
0x2d: {  	s3 =	simm.s32 $0x108;
	s8 =	sld [smem:$0x3FB0]  }
0x2e: {  	s3 =	simm.s32 @!p0 $0x1082;
	s9 =	sld [smem:$0x3FB1]  }
0x2f: {  	lr =	sadd.s32 s0, s3;
	s0 =	sld [smem:$0x3FA8]  }
0x30: {  	s3 =	sld [smem:$0x3FAB]  }
0x31: {  	[smem:$0x3FB4] =	sst s10  }
0x32: {  	s10 =	sld [smem:$0x3FB2];
	_ =	sdelay $0x3  }
0x33: {  	p0 =	seq.s32 s10, $0x1;
	s10 =	sld [smem:$0x3FB4];
	_ =	sdelay $0x3  }
0x34: {  	[smem:$0x3FB4] =	sst s10  }
0x35: {  	s10 =	sld [smem:$0x3FB3];
	_ =	sdelay $0x3  }
0x36: {  	p1 =	seq.s32 s10, $0x1;
	s10 =	sld [smem:$0x3FB4];
	_ =	sdelay $0x3  }
0x37: {  	[smem:$0x3FB4] =	sst s10  }
0x38: {  	s10 =	sld [smem:$0x3FB5]  }
0x39: {  	_ = 	snop;
	(pc) =	sbr.ind lr, $3  }
0x3a: {  	_ = 	snop  }
0x3b: {  	_ = 	snop  }
0x3c: {  	p2 =	seq.s32 s10, $0x1;
	s10 =	sld [smem:$0x3FB4]  }
0x3d: {  	_ =	shalt  }
0x3e: {  	_ =	shalt  }
0x3f: {  	_ =	shalt  }
0x40: {  	_ =	shalt  }
0x41: {  	_ =	shalt  }
0x42: {  	_ =	shalt  }
0x43: {  	_ =	shalt  }
0x44: {  	_ =	shalt  }
0x45: {  	_ =	shalt  }
0x46: {  	_ =	shalt  }
0x47: {  	_ =	shalt  }
0x48: {  	_ =	shalt  }
0x49: {  	_ =	shalt  }
0x4a: {  	_ =	shalt  }
0x4b: {  	_ =	shalt  }
0x4c: {  	_ =	shalt  }
0x4d: {  	_ =	shalt  }
0x4e: {  	_ =	shalt  }
0x4f: {  	_ =	shalt  }
0x50: {  	_ =	shalt  }
0x51: {  	_ =	shalt  }
0x52: {  	_ =	shalt  }
0x53: {  	_ =	shalt  }
0x54: {  	_ =	shalt  }
0x55: {  	_ =	shalt  }
0x56: {  	_ =	shalt  }
0x57: {  	_ =	shalt  }
0x58: {  	_ =	shalt  }
0x59: {  	_ =	shalt  }
0x5a: {  	_ =	shalt  }
0x5b: {  	_ =	shalt  }
0x5c: {  	_ =	shalt  }
0x5d: {  	_ =	shalt  }
0x5e: {  	_ =	shalt  }
0x5f: {  	_ =	shalt  }
0x60: {  	_ =	shalt  }
0x61: {  	_ =	shalt  }
0x62: {  	_ =	shalt  }
0x63: {  	_ =	shalt  }
0x64: {  	_ =	shalt  }
0x65: {  	_ =	shalt  }
0x66: {  	_ =	shalt  }
0x67: {  	_ =	shalt  }
0x68: {  	_ =	shalt  }
0x69: {  	_ =	shalt  }
0x6a: {  	_ =	shalt  }
0x6b: {  	_ =	shalt  }
0x6c: {  	_ =	shalt  }
0x6d: {  	_ =	shalt  }
0x6e: {  	_ =	shalt  }
0x6f: {  	_ =	shalt  }
0x70: {  	_ =	shalt  }
0x71: {  	_ =	shalt  }
0x72: {  	_ =	shalt  }
0x73: {  	_ =	shalt  }
0x74: {  	_ =	shalt  }
0x75: {  	_ =	shalt  }
0x76: {  	_ =	shalt  }
0x77: {  	_ =	shalt  }
0x78: {  	_ =	shalt  }
0x79: {  	_ =	shalt  }
0x7a: {  	_ =	shalt  }
0x7b: {  	_ =	shalt  }
0x7c: {  	_ =	shalt  }
0x7d: {  	_ =	shalt  }
0x7e: {  	_ =	shalt  }
0x7f: {  	_ =	shalt  }
0x80: {  	_ =	shalt  }
0x81: {  	_ =	shalt  }
0x82: {  	_ =	shalt  }
0x83: {  	_ =	shalt  }
0x84: {  	_ =	shalt  }
0x85: {  	_ =	shalt  }
0x86: {  	_ =	shalt  }
0x87: {  	_ =	shalt  }
.Lfunc_end0:
.L_simem_size_0:
called_computation_lowered:
.L_overlay_start_0:
0x88: {  	s2 =	sld [smem:$0x3FD9]  }
0x89: {  	s3 =	sld [smem:$0x3FFE];
	_ =	sdelay $0x1  }
0x8a: {  	s1 =	srdreg.scid  }
0x8b: {  	s0 =	sand.u32 $0x1, s1  }
0x8c: {  	s17 =	sshll.u32 s0, $0xA;
	s2 =	sadd.s32 s3, s2  }
0x8d: {  	s2 =	sadd.s32 s2, s17  }
0x8e: {  	[smem:$0x3FC0] =	sst s2  }
0x8f: {  	_ = 	snop  }
0x90: {  	s2 =	sld [smem:$0x3FC9];
	(tm) =	ssettm $0x1  }
0x91: {  	s18 =	sld [smem:$0x3FFB];
	_ =	sdelay $0x3  }
0x92: {  	_ =	strace s18  }
0x93: {  	s3 =	sld [smem:$0x3FFC];
	_ =	sdelay $0x3  }
0x94: {  	_ =	strace s3  }
0x95: {  	s3 =	sld [smem:$0x3FFD];
	_ =	sdelay $0x3  }
0x96: {  	_ =	strace s3  }
0x97: {  	_ =	strace $0x8FFFFFFF  }
0x98: {  	s19 =	sld [smem:$0x3FDB];
	_ =	sdelay $0x1  }
0x99: {  	s4 =	simm.s32 $_scs_section_size  }
0x9a: {  	s5 =	simm.s32 $_size__tile_overlayer_lowered;
	s6 =	simm.s32 $_tile_overlayer_lowered  }
0x9b: {  	s22 =	simm.s32 $0x1BFF;
	s21 =	sshll.u32 s6, $0x1;
	s3 =	sadd.s32 s4, s19  }
0x9c: {  	s7 =	simm.s32 $0x0;
	s20 =	sshll.u32 s5, $0x1;
	s5 =	sadd.s32 s21, s3  }
0x9d: {  	[timem:s7], [sflag:s22] =	dma.local [hbm:s5], s20  }
0x9e: {  	_ =	swait.ge [sflag:s22], s20  }
0x9f: {  	s4 =	ssub.s32 $0x0, s20;
	[sflag:s22] =	ssyncset.done $0x0  }
0xa0: {  	[sflag:s22] =	ssyncadd.s32 s4;
	_ =	sdelay $0x1  }
0xa1: {  	s23 =	simm.s32 $0x1B8B  }
0xa2: {  	_ =	swait.ge [sflag:s23], $0x1  }
0xa3: {  	[sflag:s23] =	ssyncset.done $0x0  }
0xa4: {  	s25 =	simm.s32 $0x1B8E;
	s24 =	sld [smem:$0x3FFE];
	[sflag:s23] =	ssyncadd.s32 $0xFFFFFFFF  }
0xa5: {  	s26 =	simm.s32 $execute0_lowered;
	[smem:$0x3FD2] =	sst s25  }
0xa6: {  	s5 =	sshll.u32 s26, $0x1;
	_ =	strace $0x80000046;
	[dreg:$0x1] =	wrdreg $0xFFFFFFFF  }
0xa7: {  	s28 =	simm.s32 $_size_execute0_lowered;
	s3 =	sadd.s32 s3, s5;
	[dreg:$0x0] =	wrdreg $0x0  }
0xa8: {  	s5 =	sshll.u32 s28, $0x1;
	[dreg:$0x2] =	wrdreg s3  }
0xa9: {  	[dreg:$0x3] =	wrdreg s5  }
0xaa: {  	[dreg:$0x4] =	wrdreg $0xC0  }
0xab: {  	_ =	task [dreg:s7], $0x5FFFF  }
0xac: {  	[dreg:$0x1] =	wrdreg $0xFFFFFFFF  }
0xad: {  	[dreg:$0x0] =	wrdreg $0x60  }
0xae: {  	[dreg:$0x2] =	wrdreg s2  }
0xaf: {  	[dreg:$0x3] =	wrdreg s24  }
0xb0: {  	[dreg:$0x4] =	wrdreg $0xAA000  }
0xb1: {  	[dreg:$0x5] =	wrdreg $0x9  }
0xb2: {  	_ =	task.clear_ibuf [dreg:s7], $0x6FFFF;
	_ =	strace $0x90000046  }
0xb3: {  	s29 =	simm.s32 $0x9;
	_ =	strace $0x80000048  }
0xb4: {  	_ =	swait.ge [sflag:s29], $0x1  }
0xb5: {  	[sflag:s29] =	ssyncadd.s32 $0xFFFFFFFF  }
0xb6: {  	_ =	strace $0x90000048  }
0xb7: {  	_ =	sfence  }
0xb8: {  	s30 =	sld [smem:$0x0];
	_ =	sdelay $0x2  }
0xb9: {  	s31 =	sshll.u32 s1, $0xD;
	s1 =	sshrl.u32 s1, $0x2  }
0xba: {  	s3 =	sand.u32 $0x4000, s31;
	s1 =	sadd.s32 s1, s30  }
0xbb: {  	s0 =	sor.u32 s3, s0;
	s1 =	sshll.u32 s1, $0x11  }
0xbc: {  	s0 =	sor.u32 s1, s0  }
0xbd: {  	s0 =	sadd.s32 $0x8F2B, s0  }
0xbe: {  	[sflag:s0] =	ssyncadd.remote.s32 $0x1  }
0xbf: {  	_ =	sfence.sel $0xFFFF  }
0xc0: {  	[dreg:$0x0] =	wrdreg $0xFFFFFFFF;
	(pc) =	sbr.abs _section_cstart, $3  }
0xc1: {  	[dreg:$0x1] =	wrdreg $0xFFFFFFFF  }
0xc2: {  	_ =	task.clear_ibuf [dreg:s7], $0x2FFFF;
	_ =	strace $0x9FFFFFFF  }
0xc3: {  	(tm) =	ssettm $0x7FFFFFFF  }
tec
execute0_lowered:
.L_overlay_start_1:
0x0: {  	(tag) =	ssettag $0x1  }
0x1: {  	s1 =	rddreg [dreg:$0x0]  }
0x2: {  	s2 =	srdreg.scid;
	s5 =	rddreg [dreg:$0x1]  }
0x3: {  	s0 =	stileid.u32;
	s3 =	rddreg [dreg:$0x2];
	s4 =	simm.s32 $0x0  }
0x4: {  	s12 =	simm.s32 $0x2800;
	s13 =	simm.s32 $0x2A00;
	s14 =	simm.s32 $0x2880  }
0x5: {  	s15 =	simm.s32 $0x6A00;
	s16 =	simm.s32 $0x1;
	s17 =	simm.s32 $0x2900  }
0x6: {  	s18 =	simm.s32 $0x3;
	s19 =	simm.s32 $0x2;
	s20 =	simm.s32 $0x2980  }
0x7: {  	s21 =	simm.s32 $0x4;
	s6 =	sand.u32 $0x1, s2;
	s2 =	rddreg [dreg:$0x3]  }
0x8: {  	s28 =	sshll.u32 s0, $0x1;
	[smem:$0x7FF] =	sst s4;
	s22 =	smul.u32 $0x2780, s0  }
0x9: {  	s9 =	smul.u32 $0x4F000, s0;
	s31 =	sshll.u32 s0, $0x6;
	s7 =	sor.u32 s6, s28  }
0xa: {  	_ =	strace $0x80000047;
	s8 =	smul.u32 $0x27800, s6;
	s6 =	ssub.s32 $0x2, s6  }
0xb: {  	s7 =	smul.u32 $0x500, s7;
	s10 =	sadd.s32 s22, s5;
	s29 =	sshrl.u32 s6, $0x1  }
0xc: {  	s30 =	sshrl.u32 s9, $0x2;
	s8 =	sadd.s32 s8, s5;
	s11 =	ssub.s32 s6, s29  }
0xd: {  	s9 =	sadd.s32 s30, s3;
	s6 =	sor.u32 $0x1C05, s31;
	s7 =	sadd.s32 s7, s5  }
0xe: {  	s5 =	sadd.s32 $0xBC00, s10;
	s23 =	sadd.s32 $0x33400, s8;
	s8 =	smax.u32 s11, $0x1  }
0xf: {  	s9 =	sshrl.u32 s9, $0x3;
	s10 =	simm.s32 $0x5;
	s11 =	simm.s32 $0x80  }
0x10: {  	s7 =	sadd.s32 $0x1C00, s7;
	s22 =	sadd.s32 s22, s23;
	s23 =	simm.s32 $0x0  }
.LBB2_1:
0x11: {  	[spmem:s9], [sflag:s6] =	dma.local [hbm:s5], $0x2780  }
0x12: {  	_ =	swait.ge [sflag:s10], $0x2780  }
0x13: {  	[sflag:s10] =	ssyncset.done $0x0  }
0x14: {  	[sflag:s10] =	ssyncadd.s32 $0xFFFFD880  }
0x15: {  	[tilespmem:s4], [sflag:$0x5] =	stream.linear.gather [hbm4b:s7+s4], $0x2800, $0x38;
	[tilespmem:$0x1E600] =	vst v63  }
0x16: {  	_ =	swait.ge [sflag:s10], $0x2800  }
0x17: {  	[sflag:s10] =	ssyncset.done $0x0  }
0x18: {  	[sflag:s10] =	ssyncadd.s32 $0xFFFFD800  }
0x19: {  	v0 =	vld [tilespmem:$0x0];
	_ =	sdelay $0x1  }
0x1a: {  	v1 =	vld [tilespmem:$0x10];
	_ =	sdelay $0x1  }
0x1b: {  	v2 =	vld [tilespmem:$0x20]  }
0x1c: {  	v3 =	vand.u32 $0x3FFF, v0  }
0x1d: {  	v0 =	vshrl.u32 v0, $0xE;
	[tilespmem:$0x2800] =	vst v3;
	v3 =	vld [tilespmem:$0x30]  }
0x1e: {  	[tilespmem:$0x2900] =	vst v0;
	v0 =	vand.u32 $0x3FFF, v1  }
0x1f: {  	[tilespmem:$0x2810] =	vst v0;
	v0 =	vshrl.u32 v1, $0xE;
	v1 =	vld [tilespmem:$0x40]  }
0x20: {  	[tilespmem:$0x2910] =	vst v0;
	v0 =	vand.u32 $0x3FFF, v2  }
0x21: {  	[tilespmem:$0x2820] =	vst v0;
	v0 =	vshrl.u32 v2, $0xE;
	v2 =	vld [tilespmem:$0x50]  }
0x22: {  	[tilespmem:$0x2920] =	vst v0;
	v0 =	vand.u32 $0x3FFF, v3  }
0x23: {  	[tilespmem:$0x2830] =	vst v0;
	v0 =	vshrl.u32 v3, $0xE;
	v3 =	vld [tilespmem:$0x60]  }
0x24: {  	[tilespmem:$0x2930] =	vst v0;
	v0 =	vand.u32 $0x3FFF, v1  }
0x25: {  	[tilespmem:$0x2840] =	vst v0;
	v0 =	vshrl.u32 v1, $0xE;
	v1 =	vld [tilespmem:$0x70]  }
0x26: {  	[tilespmem:$0x2940] =	vst v0;
	v0 =	vand.u32 $0x3FFF, v2  }
0x27: {  	[tilespmem:$0x2850] =	vst v0;
	v0 =	vshrl.u32 v2, $0xE  }
0x28: {  	[tilespmem:$0x2950] =	vst v0;
	v0 =	vand.u32 $0x3FFF, v3  }
0x29: {  	[tilespmem:$0x2860] =	vst v0;
	v0 =	vshrl.u32 v3, $0xE  }
0x2a: {  	[tilespmem:$0x2960] =	vst v0;
	v0 =	vand.u32 $0x3FFF, v1  }
0x2b: {  	[tilespmem:$0x2870] =	vst v0;
	v0 =	vshrl.u32 v1, $0xE  }
0x2c: {  	[tilespmem:$0x2970] =	vst v0  }
0x2d: {  	[tilespmem:s13], [sflag:$0x1] =	stream.indirect.gather [hbm4b:s1+s11], $0x80, s12, s11, $0xb8;
	[tilespmem:$0x1E600] =	vst v63  }
0x2e: {  	v0 =	vld [tilespmem:$0x80];
	_ =	sdelay $0x1  }
0x2f: {  	v1 =	vld [tilespmem:$0x90];
	_ =	sdelay $0x1  }
0x30: {  	v2 =	vld [tilespmem:$0xA0]  }
0x31: {  	v3 =	vand.u32 $0x3FFF, v0  }
0x32: {  	v0 =	vshrl.u32 v0, $0xE;
	[tilespmem:$0x2880] =	vst v3;
	v3 =	vld [tilespmem:$0xB0]  }
0x33: {  	[tilespmem:$0x2980] =	vst v0;
	v0 =	vand.u32 $0x3FFF, v1  }
0x34: {  	[tilespmem:$0x2890] =	vst v0;
	v0 =	vshrl.u32 v1, $0xE;
	v1 =	vld [tilespmem:$0xC0]  }
0x35: {  	[tilespmem:$0x2990] =	vst v0;
	v0 =	vand.u32 $0x3FFF, v2  }
0x36: {  	[tilespmem:$0x28A0] =	vst v0;
	v0 =	vshrl.u32 v2, $0xE;
	v2 =	vld [tilespmem:$0xD0]  }
0x37: {  	[tilespmem:$0x29A0] =	vst v0;
	v0 =	vand.u32 $0x3FFF, v3  }
0x38: {  	[tilespmem:$0x28B0] =	vst v0;
	v0 =	vshrl.u32 v3, $0xE;
	v3 =	vld [tilespmem:$0xE0]  }
0x39: {  	[tilespmem:$0x29B0] =	vst v0;
	v0 =	vand.u32 $0x3FFF, v1  }
0x3a: {  	[tilespmem:$0x28C0] =	vst v0;
	v0 =	vshrl.u32 v1, $0xE;
	v1 =	vld [tilespmem:$0xF0]  }
0x3b: {  	[tilespmem:$0x29C0] =	vst v0;
	v0 =	vand.u32 $0x3FFF, v2  }
0x3c: {  	[tilespmem:$0x28D0] =	vst v0;
	v0 =	vshrl.u32 v2, $0xE  }
0x3d: {  	[tilespmem:$0x29D0] =	vst v0;
	v0 =	vand.u32 $0x3FFF, v3  }
0x3e: {  	[tilespmem:$0x28E0] =	vst v0;
	v0 =	vshrl.u32 v3, $0xE  }
0x3f: {  	[tilespmem:$0x29E0] =	vst v0;
	v0 =	vand.u32 $0x3FFF, v1  }
0x40: {  	[tilespmem:$0x28F0] =	vst v0;
	v0 =	vshrl.u32 v1, $0xE  }
0x41: {  	[tilespmem:$0x29F0] =	vst v0  }
0x42: {  	[tilespmem:s15], [sflag:$0x2] =	stream.indirect.gather [hbm4b:s1+s11], $0x80, s14, s11, $0xb8;
	[tilespmem:$0x1E600] =	vst v63  }
0x43: {  	_ =	swait.ge [sflag:s16], $0x4000  }
0x44: {  	[sflag:s16] =	ssyncset.done $0x0  }
0x45: {  	[sflag:s16] =	ssyncadd.s32 $0xFFFFC000  }
0x46: {  	[bflag:$0x0] =	sbarrier.arrive $0xFFFF  }
0x47: {  	[spmem:s3] =	stream.indirect.scatter.add.f32 [tilespmem:s13], [sflag:$0x3], $0x80, s17, s11, $0xb8;
	[tilespmem:$0x1E600] =	vst v63  }
0x48: {  	_ =	swait.ge [sflag:s18], $0x4000  }
0x49: {  	[sflag:s18] =	ssyncset.done $0x0  }
0x4a: {  	s24 =	simm.s32 $0x1F0;
	[sflag:s18] =	ssyncadd.s32 $0xFFFFC000  }
0x4b: {  	v0 =	vld [tilespmem:s24+$0xFFFFFF10];
	_ =	sdelay $0x4  }
0x4c: {  	v1 =	vand.u32 $0x3FFF, v0  }
0x4d: {  	v0 =	vshrl.u32 v0, $0xE;
	[tilespmem:$0x2800] =	vst v1  }
0x4e: {  	[tilespmem:$0x2900] =	vst v0  }
0x4f: {  	v0 =	vld [tilespmem:s24+$0xFFFFFF20];
	_ =	sdelay $0x4  }
0x50: {  	v1 =	vand.u32 $0x3FFF, v0  }
0x51: {  	v0 =	vshrl.u32 v0, $0xE;
	[tilespmem:$0x2810] =	vst v1  }
0x52: {  	[tilespmem:$0x2910] =	vst v0  }
0x53: {  	v0 =	vld [tilespmem:s24+$0xFFFFFF30];
	_ =	sdelay $0x4  }
0x54: {  	v1 =	vand.u32 $0x3FFF, v0  }
0x55: {  	v0 =	vshrl.u32 v0, $0xE;
	[tilespmem:$0x2820] =	vst v1  }
0x56: {  	[tilespmem:$0x2920] =	vst v0  }
0x57: {  	v0 =	vld [tilespmem:s24+$0xFFFFFF40];
	_ =	sdelay $0x4  }
0x58: {  	v1 =	vand.u32 $0x3FFF, v0  }
0x59: {  	v0 =	vshrl.u32 v0, $0xE;
	[tilespmem:$0x2830] =	vst v1  }
0x5a: {  	[tilespmem:$0x2930] =	vst v0  }
0x5b: {  	v0 =	vld [tilespmem:s24+$0xFFFFFF50];
	_ =	sdelay $0x4  }
0x5c: {  	v1 =	vand.u32 $0x3FFF, v0  }
0x5d: {  	v0 =	vshrl.u32 v0, $0xE;
	[tilespmem:$0x2840] =	vst v1  }
0x5e: {  	[tilespmem:$0x2940] =	vst v0  }
0x5f: {  	v0 =	vld [tilespmem:s24+$0xFFFFFF60];
	_ =	sdelay $0x4  }
0x60: {  	v1 =	vand.u32 $0x3FFF, v0  }
0x61: {  	v0 =	vshrl.u32 v0, $0xE;
	[tilespmem:$0x2850] =	vst v1  }
0x62: {  	[tilespmem:$0x2950] =	vst v0  }
0x63: {  	v0 =	vld [tilespmem:s24+$0xFFFFFF70];
	_ =	sdelay $0x4  }
0x64: {  	v1 =	vand.u32 $0x3FFF, v0  }
0x65: {  	v0 =	vshrl.u32 v0, $0xE;
	[tilespmem:$0x2860] =	vst v1  }
0x66: {  	[tilespmem:$0x2960] =	vst v0  }
0x67: {  	v0 =	vld [tilespmem:s24+$0xFFFFFF80];
	_ =	sdelay $0x4  }
0x68: {  	v1 =	vand.u32 $0x3FFF, v0  }
0x69: {  	v0 =	vshrl.u32 v0, $0xE;
	[tilespmem:$0x2870] =	vst v1  }
0x6a: {  	[tilespmem:$0x2970] =	vst v0  }
0x6b: {  	[tilespmem:s13], [sflag:$0x1] =	stream.indirect.gather [hbm4b:s1+s11], $0x80, s12, s11, $0xb8;
	[tilespmem:$0x1E600] =	vst v63  }
0x6c: {  	_ =	swait.ge [sflag:s19], $0x4000  }
0x6d: {  	[sflag:s19] =	ssyncset.done $0x0  }
0x6e: {  	[sflag:s19] =	ssyncadd.s32 $0xFFFFC000  }
0x6f: {  	[spmem:s3] =	stream.indirect.scatter.add.f32 [tilespmem:s15], [sflag:$0x4], $0x80, s20, s11, $0xb8;
	[tilespmem:$0x1E600] =	vst v63  }
0x70: {  	_ =	swait.ge [sflag:s21], $0x4000  }
0x71: {  	[sflag:s21] =	ssyncset.done $0x0  }
0x72: {  	[sflag:s21] =	ssyncadd.s32 $0xFFFFC000  }
0x73: {  	v0 =	vld [tilespmem:s24+$0xFFFFFF90];
	_ =	sdelay $0x4  }
0x74: {  	v1 =	vand.u32 $0x3FFF, v0  }
0x75: {  	v0 =	vshrl.u32 v0, $0xE;
	[tilespmem:$0x2880] =	vst v1  }
0x76: {  	[tilespmem:$0x2980] =	vst v0  }
0x77: {  	v0 =	vld [tilespmem:s24+$0xFFFFFFA0];
	_ =	sdelay $0x4  }
0x78: {  	v1 =	vand.u32 $0x3FFF, v0  }
0x79: {  	v0 =	vshrl.u32 v0, $0xE;
	[tilespmem:$0x2890] =	vst v1  }
0x7a: {  	[tilespmem:$0x2990] =	vst v0  }
0x7b: {  	v0 =	vld [tilespmem:s24+$0xFFFFFFB0];
	_ =	sdelay $0x4  }
0x7c: {  	v1 =	vand.u32 $0x3FFF, v0  }
0x7d: {  	v0 =	vshrl.u32 v0, $0xE;
	[tilespmem:$0x28A0] =	vst v1  }
0x7e: {  	[tilespmem:$0x29A0] =	vst v0  }
0x7f: {  	v0 =	vld [tilespmem:s24+$0xFFFFFFC0];
	_ =	sdelay $0x4  }
0x80: {  	v1 =	vand.u32 $0x3FFF, v0  }
0x81: {  	v0 =	vshrl.u32 v0, $0xE;
	[tilespmem:$0x28B0] =	vst v1  }
0x82: {  	[tilespmem:$0x29B0] =	vst v0  }
0x83: {  	v0 =	vld [tilespmem:s24+$0xFFFFFFD0];
	_ =	sdelay $0x4  }
0x84: {  	v1 =	vand.u32 $0x3FFF, v0  }
0x85: {  	v0 =	vshrl.u32 v0, $0xE;
	[tilespmem:$0x28C0] =	vst v1  }
0x86: {  	[tilespmem:$0x29C0] =	vst v0  }
0x87: {  	v0 =	vld [tilespmem:s24+$0xFFFFFFE0];
	_ =	sdelay $0x4  }
0x88: {  	v1 =	vand.u32 $0x3FFF, v0  }
0x89: {  	v0 =	vshrl.u32 v0, $0xE;
	[tilespmem:$0x28D0] =	vst v1  }
0x8a: {  	[tilespmem:$0x29D0] =	vst v0  }
0x8b: {  	s25 =	simm.s32 $0xBC0;
	v0 =	vld [tilespmem:s24+$0xFFFFFFF0]  }
.LBB2_2:
0x8c: {  	_ =	sdelay $0x2  }
0x8d: {  	p0 =	sne.s32 s25, $0x9FC0;
	s26 =	smov.u32 s25;
	s25 =	sadd.s32 $0x400, s25  }
0x8e: {  	v1 =	vand.u32 $0x3FFF, v0;
	v0 =	vshrl.u32 v0, $0xE  }
0x8f: {  	[tilespmem:$0x28E0] =	vst v1  }
0x90: {  	[tilespmem:$0x29E0] =	vst v0  }
0x91: {  	v0 =	vld [tilespmem:s24+$0x0];
	_ =	sdelay $0x4  }
0x92: {  	v1 =	vand.u32 $0x3FFF, v0;
	v0 =	vshrl.u32 v0, $0xE  }
0x93: {  	[tilespmem:$0x28F0] =	vst v1  }
0x94: {  	[tilespmem:$0x29F0] =	vst v0  }
0x95: {  	[tilespmem:s15], [sflag:$0x2] =	stream.indirect.gather [hbm4b:s1+s11], $0x80, s14, s11, $0xb8;
	[tilespmem:$0x1E600] =	vst v63  }
0x96: {  	_ =	swait.ge [sflag:s16], $0x4000  }
0x97: {  	[sflag:s16] =	ssyncset.done $0x0  }
0x98: {  	[sflag:s16] =	ssyncadd.s32 $0xFFFFC000  }
0x99: {  	[spmem:s3] =	stream.indirect.scatter.add.f32 [tilespmem:s13], [sflag:$0x3], $0x80, s17, s11, $0xb8;
	[tilespmem:$0x1E600] =	vst v63  }
0x9a: {  	_ =	swait.ge [sflag:s18], $0x4000  }
0x9b: {  	[sflag:s18] =	ssyncset.done $0x0  }
0x9c: {  	s24 =	sshra.s32 s26, $0x2;
	[sflag:s18] =	ssyncadd.s32 $0xFFFFC000  }
0x9d: {  	v0 =	vld [tilespmem:s24+$0xFFFFFF10];
	_ =	sdelay $0x4  }
0x9e: {  	v1 =	vand.u32 $0x3FFF, v0;
	v0 =	vshrl.u32 v0, $0xE  }
0x9f: {  	[tilespmem:$0x2800] =	vst v1  }
0xa0: {  	[tilespmem:$0x2900] =	vst v0  }
0xa1: {  	v0 =	vld [tilespmem:s24+$0xFFFFFF20];
	_ =	sdelay $0x4  }
0xa2: {  	v1 =	vand.u32 $0x3FFF, v0;
	v0 =	vshrl.u32 v0, $0xE  }
0xa3: {  	[tilespmem:$0x2810] =	vst v1  }
0xa4: {  	[tilespmem:$0x2910] =	vst v0  }
0xa5: {  	v0 =	vld [tilespmem:s24+$0xFFFFFF30];
	_ =	sdelay $0x4  }
0xa6: {  	v1 =	vand.u32 $0x3FFF, v0;
	v0 =	vshrl.u32 v0, $0xE  }
0xa7: {  	[tilespmem:$0x2820] =	vst v1  }
0xa8: {  	[tilespmem:$0x2920] =	vst v0  }
0xa9: {  	v0 =	vld [tilespmem:s24+$0xFFFFFF40];
	_ =	sdelay $0x4  }
0xaa: {  	v1 =	vand.u32 $0x3FFF, v0;
	v0 =	vshrl.u32 v0, $0xE  }
0xab: {  	[tilespmem:$0x2830] =	vst v1  }
0xac: {  	[tilespmem:$0x2930] =	vst v0  }
0xad: {  	v0 =	vld [tilespmem:s24+$0xFFFFFF50];
	_ =	sdelay $0x4  }
0xae: {  	v1 =	vand.u32 $0x3FFF, v0;
	v0 =	vshrl.u32 v0, $0xE  }
0xaf: {  	[tilespmem:$0x2840] =	vst v1  }
0xb0: {  	[tilespmem:$0x2940] =	vst v0  }
0xb1: {  	v0 =	vld [tilespmem:s24+$0xFFFFFF60];
	_ =	sdelay $0x4  }
0xb2: {  	v1 =	vand.u32 $0x3FFF, v0;
	v0 =	vshrl.u32 v0, $0xE  }
0xb3: {  	[tilespmem:$0x2850] =	vst v1  }
0xb4: {  	[tilespmem:$0x2950] =	vst v0  }
0xb5: {  	v0 =	vld [tilespmem:s24+$0xFFFFFF70];
	_ =	sdelay $0x4  }
0xb6: {  	v1 =	vand.u32 $0x3FFF, v0;
	v0 =	vshrl.u32 v0, $0xE  }
0xb7: {  	[tilespmem:$0x2860] =	vst v1  }
0xb8: {  	[tilespmem:$0x2960] =	vst v0  }
0xb9: {  	v0 =	vld [tilespmem:s24+$0xFFFFFF80];
	_ =	sdelay $0x4  }
0xba: {  	v1 =	vand.u32 $0x3FFF, v0;
	v0 =	vshrl.u32 v0, $0xE  }
0xbb: {  	[tilespmem:$0x2870] =	vst v1  }
0xbc: {  	[tilespmem:$0x2970] =	vst v0  }
0xbd: {  	[tilespmem:s13], [sflag:$0x1] =	stream.indirect.gather [hbm4b:s1+s11], $0x80, s12, s11, $0xb8;
	[tilespmem:$0x1E600] =	vst v63  }
0xbe: {  	_ =	swait.ge [sflag:s19], $0x4000  }
0xbf: {  	[sflag:s19] =	ssyncset.done $0x0  }
0xc0: {  	[sflag:s19] =	ssyncadd.s32 $0xFFFFC000  }
0xc1: {  	[spmem:s3] =	stream.indirect.scatter.add.f32 [tilespmem:s15], [sflag:$0x4], $0x80, s20, s11, $0xb8;
	[tilespmem:$0x1E600] =	vst v63  }
0xc2: {  	_ =	swait.ge [sflag:s21], $0x4000  }
0xc3: {  	[sflag:s21] =	ssyncset.done $0x0  }
0xc4: {  	[sflag:s21] =	ssyncadd.s32 $0xFFFFC000  }
0xc5: {  	v0 =	vld [tilespmem:s24+$0xFFFFFF90];
	_ =	sdelay $0x4  }
0xc6: {  	v1 =	vand.u32 $0x3FFF, v0;
	v0 =	vshrl.u32 v0, $0xE  }
0xc7: {  	[tilespmem:$0x2880] =	vst v1  }
0xc8: {  	[tilespmem:$0x2980] =	vst v0  }
0xc9: {  	v0 =	vld [tilespmem:s24+$0xFFFFFFA0];
	_ =	sdelay $0x4  }
0xca: {  	v1 =	vand.u32 $0x3FFF, v0;
	v0 =	vshrl.u32 v0, $0xE  }
0xcb: {  	[tilespmem:$0x2890] =	vst v1  }
0xcc: {  	[tilespmem:$0x2990] =	vst v0  }
0xcd: {  	v0 =	vld [tilespmem:s24+$0xFFFFFFB0];
	_ =	sdelay $0x4  }
0xce: {  	v1 =	vand.u32 $0x3FFF, v0;
	v0 =	vshrl.u32 v0, $0xE  }
0xcf: {  	[tilespmem:$0x28A0] =	vst v1  }
0xd0: {  	[tilespmem:$0x29A0] =	vst v0  }
0xd1: {  	v0 =	vld [tilespmem:s24+$0xFFFFFFC0];
	_ =	sdelay $0x4  }
0xd2: {  	v1 =	vand.u32 $0x3FFF, v0;
	v0 =	vshrl.u32 v0, $0xE  }
0xd3: {  	[tilespmem:$0x28B0] =	vst v1  }
0xd4: {  	[tilespmem:$0x29B0] =	vst v0  }
0xd5: {  	v0 =	vld [tilespmem:s24+$0xFFFFFFD0];
	_ =	sdelay $0x4  }
0xd6: {  	v1 =	vand.u32 $0x3FFF, v0;
	v0 =	vshrl.u32 v0, $0xE  }
0xd7: {  	[tilespmem:$0x28C0] =	vst v1  }
0xd8: {  	[tilespmem:$0x29C0] =	vst v0  }
0xd9: {  	v0 =	vld [tilespmem:s24+$0xFFFFFFE0];
	_ =	sdelay $0x3  }
.Ltmp0:
0xda: {  	(pc) =	sbr.rel @p0 .LBB2_2-.Ltmp0, $4  }
0xdb: {  	v1 =	vand.u32 $0x3FFF, v0;
	v0 =	vshrl.u32 v0, $0xE  }
0xdc: {  	[tilespmem:$0x28D0] =	vst v1  }
0xdd: {  	[tilespmem:$0x29D0] =	vst v0  }
0xde: {  	v0 =	vld [tilespmem:s24+$0xFFFFFFF0]  }
0xdf: {  	_ =	sdelay $0x3  }
0xe0: {  	v1 =	vand.u32 $0x3FFF, v0  }
0xe1: {  	v62 =	vshrl.u32 v0, $0xE;
	[tilespmem:$0x28E0] =	vst v1  }
0xe2: {  	[tilespmem:$0x29E0] =	vst v62  }
0xe3: {  	v0 =	vld [tilespmem:s24+$0x0];
	_ =	sdelay $0x4  }
0xe4: {  	v63 =	vand.u32 $0x3FFF, v0  }
0xe5: {  	v0 =	vshrl.u32 v0, $0xE;
	[tilespmem:$0x28F0] =	vst v63  }
0xe6: {  	[tilespmem:$0x29F0] =	vst v0  }
0xe7: {  	[tilespmem:s15], [sflag:$0x2] =	stream.indirect.gather [hbm4b:s1+s11], $0x80, s14, s11, $0xb8;
	[tilespmem:$0x1E600] =	vst v63  }
0xe8: {  	_ =	swait.ge [sflag:s16], $0x4000  }
0xe9: {  	[sflag:s16] =	ssyncset.done $0x0  }
0xea: {  	[sflag:s16] =	ssyncadd.s32 $0xFFFFC000  }
0xeb: {  	[spmem:s3] =	stream.indirect.scatter.add.f32 [tilespmem:s13], [sflag:$0x3], $0x80, s17, s11, $0xb8;
	[tilespmem:$0x1E600] =	vst v63  }
0xec: {  	_ =	swait.ge [sflag:s19], $0x4000  }
0xed: {  	[sflag:s19] =	ssyncset.done $0x0  }
0xee: {  	[sflag:s19] =	ssyncadd.s32 $0xFFFFC000  }
0xef: {  	[spmem:s3] =	stream.indirect.scatter.add.f32 [tilespmem:s15], [sflag:$0x4], $0x80, s20, s11, $0xb8;
	[tilespmem:$0x1E600] =	vst v63  }
0xf0: {  	_ =	swait.ge [sflag:s18], $0x4000  }
0xf1: {  	[sflag:s18] =	ssyncset.done $0x0  }
0xf2: {  	[sflag:s18] =	ssyncadd.s32 $0xFFFFC000  }
0xf3: {  	_ =	swait.ge [sflag:s21], $0x4000  }
0xf4: {  	s23 =	sadd.s32 $0x1, s23;
	[sflag:s21] =	ssyncset.done $0x0  }
0xf5: {  	p0 =	sne.s32 s23, s8;
	[sflag:s21] =	ssyncadd.s32 $0xFFFFC000  }
.Ltmp1:
0xf6: {  	[bflag:$0x0] =	sbarrier.arrive $0xFFFF;
	(pc) =	sbr.rel @p0 .LBB2_1-.Ltmp1, $4  }
0xf7: {  	[hbm:s22], [sflag:s6] =	dma.local [spmem:s9], $0x2780  }
0xf8: {  	_ =	swait.ge [sflag:s10], $0x2780  }
0xf9: {  	[sflag:s10] =	ssyncset.done $0x0  }
0xfa: {  	[sflag:s10] =	ssyncadd.s32 $0xFFFFD880  }
0xfb: {  	_ =	sfence.sel $0x180000  }
0xfc: {  	[bflag:$0x0] =	sbarrier.arrive $0xFFFF  }
0xfd: {  	p0 =	sne.s32 s0, $0x0;
	_ =	strace $0x90000047  }
0xfe: {  	s0 =	sadd.s32 @!p0 $0x100000, s2;
	[bflag:$0x2] =	sbarrier.arrive $0xFFFF  }
0xff: {  	[sflag:s0] =	ssyncadd.tile.s32 @!p0 $0x1;
	_ =	shalt  }
.Lfunc_end2:
_tile_overlayer_lowered:
.L_overlay_start_2:
0x100: {  	(tag) =	ssettag $0x2  }
0x101: {  	s0 =	rddreg [dreg:$0x0];
	s2 =	stileid.u32  }
0x102: {  	s1 =	rddreg [dreg:$0x1];
	p0 =	sne.s32 s2, $0x0  }
0x103: {  	s3 =	rddreg [dreg:$0x2];
	[bflag:$0x3] =	sbarrier.arrive $0xFFFF;
	s2 =	simm.s32 @!p0 $0x1C05  }
0x104: {  	[timem:s3], [sflag:s2] =	dma.local @!p0 [hbm:s0], s1  }
0x105: {  	s0 =	simm.s32 @!p0 $0x5  }
0x106: {  	_ =	swait.ge @!p0 [sflag:s0], s1  }
0x107: {  	s1 =	ssub.s32 @!p0 $0x0, s1;
	[sflag:s0] =	ssyncset.done @!p0 $0x0  }
0x108: {  	[sflag:s0] =	ssyncadd.s32 @!p0 s1  }
0x109: {  	[bflag:$0x3] =	sbarrier.arrive $0xFFFF  }
0x10a: {  	_ =	shalt  }

// kernel: kernel.9.cloned.1.call-start
scs
__scs_entry_jumppad:
0x0: {  	(pc) =	sbr.rel $0x88, $3  }
0x1: {  	(tag) =	ssettag $0x0;
	lr =	simm.s32 $0x1  }
0x2: {  	[smem:$0x3F99] =	sst lr;
	_ =	strace $0xD0000000  }
0x3: {  	_ = 	snop  }
0x4: {  	_ = 	snop  }
0x5: {  	_ = 	snop  }
0x6: {  	_ = 	snop  }
0x7: {  	_ = 	snop  }
__scs_overlays_trampoline_lowered:
0x8: {  	[smem:$0x3FA8] =	sst s0  }
0x9: {  	[smem:$0x3FA9] =	sst s1  }
0xa: {  	[smem:$0x3FAA] =	sst s2  }
0xb: {  	[smem:$0x3FAB] =	sst s3  }
0xc: {  	[smem:$0x3FAC] =	sst s4  }
0xd: {  	[smem:$0x3FAD] =	sst s5  }
0xe: {  	[smem:$0x3FAE] =	sst s6  }
0xf: {  	[smem:$0x3FAF] =	sst s7  }
0x10: {  	[smem:$0x3FB0] =	sst s8  }
0x11: {  	[smem:$0x3FB1] =	sst s9;
	s0 =	simm.s32 @!p0 $0x0  }
0x12: {  	s1 =	sld [smem:$0x3F97];
	s0 =	simm.s32 @p0 $0x1  }
0x13: {  	[smem:$0x3FB2] =	sst s0;
	s0 =	simm.s32 @!p1 $0x0  }
0x14: {  	s2 =	sld [smem:$0x3F96];
	s0 =	simm.s32 @p1 $0x1  }
0x15: {  	[smem:$0x3FB3] =	sst s0;
	s0 =	simm.s32 @!p2 $0x0  }
0x16: {  	s3 =	sld [smem:$0x3FDB];
	s0 =	simm.s32 @p2 $0x1  }
0x17: {  	s4 =	simm.s32 $0x1BF5;
	[smem:$0x3FB5] =	sst s0  }
0x18: {  	s0 =	sld [smem:$0x3F98];
	_ =	swait.ge [sflag:s4], $0x0  }
0x19: {  	s7 =	sld [smem:$0x3F99]  }
0x1a: {  	s8 =	sadd.s32 $0xFFFFE003, lr  }
0x1b: {  	s9 =	sadd.s32 $0xFFFFFEF7, lr;
	s5 =	simm.s32 $0xFFFFFFFF;
	p2 =	slt.u32 s8, $0xFFFFF086  }
0x1c: {  	p1 =	slt.u32 s9, $0xF7A;
	s5 =	simm.s32 @!p2 $0x0  }
0x1d: {  	s5 =	simm.s32 @p1 $0x1;
	p0 =	seq.s32 s7, s2  }
0x1e: {  	s7 =	smul.u32 @!p0 $0xF7A, s2;
	p2 =	seq.s32 @!p0 s5, $0x0  }
0x1f: {  	s9 =	smul.u32 $0xF7A, s1;
	s8 =	simm.s32 @!p0 $0x1BF5;
	p2 =	por !p2, p0  }
0x20: {  	[sflag:s8] =	ssyncset.s32 @!p0 $0xFFFFF086;
	s6 =	sadd.s32 @!p0 s3, s7;
	s7 =	simm.s32 @!p0 $0x108  }
0x21: {  	s3 =	sadd.s32 s3, s9;
	s6 =	sadd.s32 @!p0 $0x88, s6;
	s7 =	simm.s32 @p2 $0x1082  }
0x22: {  	[simem:s7], [sflag:s8] =	dma.local @!p0 [hbm:s6], $0xF7A  }
0x23: {  	s9 =	sor.u32 $0xD0000000, s2;
	s6 =	simm.s32 $0x108;
	_ =	swait.ge @!p0 [sflag:s8], $0x0  }
0x24: {  	s3 =	sadd.s32 $0x88, s3;
	s6 =	simm.s32 @!p1 $0x1082;
	[sflag:s4] =	ssyncset.s32 $0xFFFFF086  }
0x25: {  	[simem:s6], [sflag:s4] =	dma.local [hbm:s3], $0xF7A  }
0x26: {  	[smem:$0x3F99] =	sst s1;
	(tag) =	ssettag s2;
	_ =	strace s9  }
0x27: {  	s1 =	sld [smem:$0x3FA9]  }
0x28: {  	s2 =	sld [smem:$0x3FAA]  }
0x29: {  	s4 =	sld [smem:$0x3FAC]  }
0x2a: {  	p0 =	seq.s32 s5, $0x0;
	s5 =	sld [smem:$0x3FAD]  }
0x2b: {  	s6 =	sld [smem:$0x3FAE]  }
0x2c: {  	s7 =	sld [smem:$0x3FAF]  }
0x2d: {  	s3 =	simm.s32 $0x108;
	s8 =	sld [smem:$0x3FB0]  }
0x2e: {  	s3 =	simm.s32 @!p0 $0x1082;
	s9 =	sld [smem:$0x3FB1]  }
0x2f: {  	lr =	sadd.s32 s0, s3;
	s0 =	sld [smem:$0x3FA8]  }
0x30: {  	s3 =	sld [smem:$0x3FAB]  }
0x31: {  	[smem:$0x3FB4] =	sst s10  }
0x32: {  	s10 =	sld [smem:$0x3FB2];
	_ =	sdelay $0x3  }
0x33: {  	p0 =	seq.s32 s10, $0x1;
	s10 =	sld [smem:$0x3FB4];
	_ =	sdelay $0x3  }
0x34: {  	[smem:$0x3FB4] =	sst s10  }
0x35: {  	s10 =	sld [smem:$0x3FB3];
	_ =	sdelay $0x3  }
0x36: {  	p1 =	seq.s32 s10, $0x1;
	s10 =	sld [smem:$0x3FB4];
	_ =	sdelay $0x3  }
0x37: {  	[smem:$0x3FB4] =	sst s10  }
0x38: {  	s10 =	sld [smem:$0x3FB5]  }
0x39: {  	_ = 	snop;
	(pc) =	sbr.ind lr, $3  }
0x3a: {  	_ = 	snop  }
0x3b: {  	_ = 	snop  }
0x3c: {  	p2 =	seq.s32 s10, $0x1;
	s10 =	sld [smem:$0x3FB4]  }
0x3d: {  	_ =	shalt  }
0x3e: {  	_ =	shalt  }
0x3f: {  	_ =	shalt  }
0x40: {  	_ =	shalt  }
0x41: {  	_ =	shalt  }
0x42: {  	_ =	shalt  }
0x43: {  	_ =	shalt  }
0x44: {  	_ =	shalt  }
0x45: {  	_ =	shalt  }
0x46: {  	_ =	shalt  }
0x47: {  	_ =	shalt  }
0x48: {  	_ =	shalt  }
0x49: {  	_ =	shalt  }
0x4a: {  	_ =	shalt  }
0x4b: {  	_ =	shalt  }
0x4c: {  	_ =	shalt  }
0x4d: {  	_ =	shalt  }
0x4e: {  	_ =	shalt  }
0x4f: {  	_ =	shalt  }
0x50: {  	_ =	shalt  }
0x51: {  	_ =	shalt  }
0x52: {  	_ =	shalt  }
0x53: {  	_ =	shalt  }
0x54: {  	_ =	shalt  }
0x55: {  	_ =	shalt  }
0x56: {  	_ =	shalt  }
0x57: {  	_ =	shalt  }
0x58: {  	_ =	shalt  }
0x59: {  	_ =	shalt  }
0x5a: {  	_ =	shalt  }
0x5b: {  	_ =	shalt  }
0x5c: {  	_ =	shalt  }
0x5d: {  	_ =	shalt  }
0x5e: {  	_ =	shalt  }
0x5f: {  	_ =	shalt  }
0x60: {  	_ =	shalt  }
0x61: {  	_ =	shalt  }
0x62: {  	_ =	shalt  }
0x63: {  	_ =	shalt  }
0x64: {  	_ =	shalt  }
0x65: {  	_ =	shalt  }
0x66: {  	_ =	shalt  }
0x67: {  	_ =	shalt  }
0x68: {  	_ =	shalt  }
0x69: {  	_ =	shalt  }
0x6a: {  	_ =	shalt  }
0x6b: {  	_ =	shalt  }
0x6c: {  	_ =	shalt  }
0x6d: {  	_ =	shalt  }
0x6e: {  	_ =	shalt  }
0x6f: {  	_ =	shalt  }
0x70: {  	_ =	shalt  }
0x71: {  	_ =	shalt  }
0x72: {  	_ =	shalt  }
0x73: {  	_ =	shalt  }
0x74: {  	_ =	shalt  }
0x75: {  	_ =	shalt  }
0x76: {  	_ =	shalt  }
0x77: {  	_ =	shalt  }
0x78: {  	_ =	shalt  }
0x79: {  	_ =	shalt  }
0x7a: {  	_ =	shalt  }
0x7b: {  	_ =	shalt  }
0x7c: {  	_ =	shalt  }
0x7d: {  	_ =	shalt  }
0x7e: {  	_ =	shalt  }
0x7f: {  	_ =	shalt  }
0x80: {  	_ =	shalt  }
0x81: {  	_ =	shalt  }
0x82: {  	_ =	shalt  }
0x83: {  	_ =	shalt  }
0x84: {  	_ =	shalt  }
0x85: {  	_ =	shalt  }
0x86: {  	_ =	shalt  }
0x87: {  	_ =	shalt  }
.Lfunc_end0:
.L_simem_size_0:
called_computation.1_lowered:
.L_overlay_start_0:
0x88: {  	s2 =	sld [smem:$0x3FD9]  }
0x89: {  	s3 =	sld [smem:$0x3FFE];
	_ =	sdelay $0x1  }
0x8a: {  	s1 =	srdreg.scid  }
0x8b: {  	s0 =	sand.u32 $0x1, s1  }
0x8c: {  	s17 =	sshll.u32 s0, $0xA;
	s2 =	sadd.s32 s3, s2  }
0x8d: {  	s2 =	sadd.s32 s2, s17  }
0x8e: {  	[smem:$0x3FC0] =	sst s2  }
0x8f: {  	_ = 	snop  }
0x90: {  	s2 =	sld [smem:$0x3FD0];
	(tm) =	ssettm $0x1  }
0x91: {  	s18 =	sld [smem:$0x3FFB];
	_ =	sdelay $0x3  }
0x92: {  	_ =	strace s18  }
0x93: {  	s3 =	sld [smem:$0x3FFC];
	_ =	sdelay $0x3  }
0x94: {  	_ =	strace s3  }
0x95: {  	s3 =	sld [smem:$0x3FFD];
	_ =	sdelay $0x3  }
0x96: {  	_ =	strace s3  }
0x97: {  	_ =	strace $0x8FFFFFFF  }
0x98: {  	s19 =	sld [smem:$0x3FDB];
	_ =	sdelay $0x1  }
0x99: {  	s4 =	simm.s32 $_scs_section_size  }
0x9a: {  	s5 =	simm.s32 $_size__tile_overlayer_lowered;
	s6 =	simm.s32 $_tile_overlayer_lowered  }
0x9b: {  	s22 =	simm.s32 $0x1BFF;
	s21 =	sshll.u32 s6, $0x1;
	s3 =	sadd.s32 s4, s19  }
0x9c: {  	s7 =	simm.s32 $0x0;
	s20 =	sshll.u32 s5, $0x1;
	s5 =	sadd.s32 s21, s3  }
0x9d: {  	[timem:s7], [sflag:s22] =	dma.local [hbm:s5], s20  }
0x9e: {  	_ =	swait.ge [sflag:s22], s20  }
0x9f: {  	s4 =	ssub.s32 $0x0, s20;
	[sflag:s22] =	ssyncset.done $0x0  }
0xa0: {  	[sflag:s22] =	ssyncadd.s32 s4;
	_ =	sdelay $0x1  }
0xa1: {  	s23 =	simm.s32 $0x1B8B  }
0xa2: {  	_ =	swait.ge [sflag:s23], $0x1  }
0xa3: {  	[sflag:s23] =	ssyncset.done $0x0  }
0xa4: {  	s25 =	simm.s32 $0x1B8E;
	s24 =	sld [smem:$0x3FFE];
	[sflag:s23] =	ssyncadd.s32 $0xFFFFFFFF  }
0xa5: {  	s26 =	simm.s32 $execute0_lowered;
	[smem:$0x3FD2] =	sst s25  }
0xa6: {  	s5 =	sshll.u32 s26, $0x1;
	_ =	strace $0x80000049;
	[dreg:$0x1] =	wrdreg $0xFFFFFFFF  }
0xa7: {  	s28 =	simm.s32 $_size_execute0_lowered;
	s3 =	sadd.s32 s3, s5;
	[dreg:$0x0] =	wrdreg $0x0  }
0xa8: {  	s5 =	sshll.u32 s28, $0x1;
	[dreg:$0x2] =	wrdreg s3  }
0xa9: {  	[dreg:$0x3] =	wrdreg s5  }
0xaa: {  	[dreg:$0x4] =	wrdreg $0xC0  }
0xab: {  	_ =	task [dreg:s7], $0x5FFFF  }
0xac: {  	[dreg:$0x1] =	wrdreg $0xFFFFFFFF  }
0xad: {  	[dreg:$0x0] =	wrdreg $0x60  }
0xae: {  	[dreg:$0x2] =	wrdreg s2  }
0xaf: {  	[dreg:$0x3] =	wrdreg s24  }
0xb0: {  	[dreg:$0x4] =	wrdreg $0xAA000  }
0xb1: {  	[dreg:$0x5] =	wrdreg $0x9  }
0xb2: {  	_ =	task.clear_ibuf [dreg:s7], $0x6FFFF;
	_ =	strace $0x90000049  }
0xb3: {  	s29 =	simm.s32 $0x9;
	_ =	strace $0x8000004B  }
0xb4: {  	_ =	swait.ge [sflag:s29], $0x1  }
0xb5: {  	[sflag:s29] =	ssyncadd.s32 $0xFFFFFFFF  }
0xb6: {  	_ =	strace $0x9000004B  }
0xb7: {  	_ =	sfence  }
0xb8: {  	s30 =	sld [smem:$0x0];
	_ =	sdelay $0x2  }
0xb9: {  	s31 =	sshll.u32 s1, $0xD;
	s1 =	sshrl.u32 s1, $0x2  }
0xba: {  	s3 =	sand.u32 $0x4000, s31;
	s1 =	sadd.s32 s1, s30  }
0xbb: {  	s0 =	sor.u32 s3, s0;
	s1 =	sshll.u32 s1, $0x11  }
0xbc: {  	s0 =	sor.u32 s1, s0  }
0xbd: {  	s0 =	sadd.s32 $0x8F2B, s0  }
0xbe: {  	[sflag:s0] =	ssyncadd.remote.s32 $0x1  }
0xbf: {  	_ =	sfence.sel $0xFFFF  }
0xc0: {  	[dreg:$0x0] =	wrdreg $0xFFFFFFFF;
	(pc) =	sbr.abs _section_cstart, $3  }
0xc1: {  	[dreg:$0x1] =	wrdreg $0xFFFFFFFF  }
0xc2: {  	_ =	task.clear_ibuf [dreg:s7], $0x2FFFF;
	_ =	strace $0x9FFFFFFF  }
0xc3: {  	(tm) =	ssettm $0x7FFFFFFF  }
tec
execute0_lowered:
.L_overlay_start_1:
0x0: {  	(tag) =	ssettag $0x1  }
0x1: {  	s1 =	rddreg [dreg:$0x0]  }
0x2: {  	s2 =	srdreg.scid;
	s5 =	rddreg [dreg:$0x1]  }
0x3: {  	s0 =	stileid.u32;
	s3 =	rddreg [dreg:$0x2];
	s4 =	simm.s32 $0x0  }
0x4: {  	s12 =	simm.s32 $0x2800;
	s13 =	simm.s32 $0x2A00;
	s14 =	simm.s32 $0x2880  }
0x5: {  	s15 =	simm.s32 $0x6A00;
	s16 =	simm.s32 $0x1;
	s17 =	simm.s32 $0x2900  }
0x6: {  	s18 =	simm.s32 $0x3;
	s19 =	simm.s32 $0x2;
	s20 =	simm.s32 $0x2980  }
0x7: {  	s21 =	simm.s32 $0x4;
	s6 =	sand.u32 $0x1, s2;
	s2 =	rddreg [dreg:$0x3]  }
0x8: {  	s28 =	sshll.u32 s0, $0x1;
	[smem:$0x7FF] =	sst s4;
	s22 =	smul.u32 $0x2780, s0  }
0x9: {  	s9 =	smul.u32 $0x4F000, s0;
	s31 =	sshll.u32 s0, $0x6;
	s7 =	sor.u32 s6, s28  }
0xa: {  	_ =	strace $0x8000004A;
	s8 =	smul.u32 $0x27800, s6;
	s6 =	ssub.s32 $0x2, s6  }
0xb: {  	s7 =	smul.u32 $0x500, s7;
	s10 =	sadd.s32 s22, s5;
	s29 =	sshrl.u32 s6, $0x1  }
0xc: {  	s30 =	sshrl.u32 s9, $0x2;
	s8 =	sadd.s32 s8, s5;
	s11 =	ssub.s32 s6, s29  }
0xd: {  	s9 =	sadd.s32 s30, s3;
	s6 =	sor.u32 $0x1C05, s31;
	s7 =	sadd.s32 s7, s5  }
0xe: {  	s5 =	sadd.s32 $0xBC00, s10;
	s23 =	sadd.s32 $0x33400, s8;
	s8 =	smax.u32 s11, $0x1  }
0xf: {  	s9 =	sshrl.u32 s9, $0x3;
	s10 =	simm.s32 $0x5;
	s11 =	simm.s32 $0x80  }
0x10: {  	s7 =	sadd.s32 $0x1C00, s7;
	s22 =	sadd.s32 s22, s23;
	s23 =	simm.s32 $0x0  }
.LBB2_1:
0x11: {  	[spmem:s9], [sflag:s6] =	dma.local [hbm:s5], $0x2780  }
0x12: {  	_ =	swait.ge [sflag:s10], $0x2780  }
0x13: {  	[sflag:s10] =	ssyncset.done $0x0  }
0x14: {  	[sflag:s10] =	ssyncadd.s32 $0xFFFFD880  }
0x15: {  	[tilespmem:s4], [sflag:$0x5] =	stream.linear.gather [hbm4b:s7+s4], $0x2800, $0x38;
	[tilespmem:$0x1E600] =	vst v63  }
0x16: {  	_ =	swait.ge [sflag:s10], $0x2800  }
0x17: {  	[sflag:s10] =	ssyncset.done $0x0  }
0x18: {  	[sflag:s10] =	ssyncadd.s32 $0xFFFFD800  }
0x19: {  	v0 =	vld [tilespmem:$0x0];
	_ =	sdelay $0x1  }
0x1a: {  	v1 =	vld [tilespmem:$0x10];
	_ =	sdelay $0x1  }
0x1b: {  	v2 =	vld [tilespmem:$0x20]  }
0x1c: {  	v3 =	vand.u32 $0x3FFF, v0  }
0x1d: {  	v0 =	vshrl.u32 v0, $0xE;
	[tilespmem:$0x2800] =	vst v3;
	v3 =	vld [tilespmem:$0x30]  }
0x1e: {  	[tilespmem:$0x2900] =	vst v0;
	v0 =	vand.u32 $0x3FFF, v1  }
0x1f: {  	[tilespmem:$0x2810] =	vst v0;
	v0 =	vshrl.u32 v1, $0xE;
	v1 =	vld [tilespmem:$0x40]  }
0x20: {  	[tilespmem:$0x2910] =	vst v0;
	v0 =	vand.u32 $0x3FFF, v2  }
0x21: {  	[tilespmem:$0x2820] =	vst v0;
	v0 =	vshrl.u32 v2, $0xE;
	v2 =	vld [tilespmem:$0x50]  }
0x22: {  	[tilespmem:$0x2920] =	vst v0;
	v0 =	vand.u32 $0x3FFF, v3  }
0x23: {  	[tilespmem:$0x2830] =	vst v0;
	v0 =	vshrl.u32 v3, $0xE;
	v3 =	vld [tilespmem:$0x60]  }
0x24: {  	[tilespmem:$0x2930] =	vst v0;
	v0 =	vand.u32 $0x3FFF, v1  }
0x25: {  	[tilespmem:$0x2840] =	vst v0;
	v0 =	vshrl.u32 v1, $0xE;
	v1 =	vld [tilespmem:$0x70]  }
0x26: {  	[tilespmem:$0x2940] =	vst v0;
	v0 =	vand.u32 $0x3FFF, v2  }
0x27: {  	[tilespmem:$0x2850] =	vst v0;
	v0 =	vshrl.u32 v2, $0xE  }
0x28: {  	[tilespmem:$0x2950] =	vst v0;
	v0 =	vand.u32 $0x3FFF, v3  }
0x29: {  	[tilespmem:$0x2860] =	vst v0;
	v0 =	vshrl.u32 v3, $0xE  }
0x2a: {  	[tilespmem:$0x2960] =	vst v0;
	v0 =	vand.u32 $0x3FFF, v1  }
0x2b: {  	[tilespmem:$0x2870] =	vst v0;
	v0 =	vshrl.u32 v1, $0xE  }
0x2c: {  	[tilespmem:$0x2970] =	vst v0  }
0x2d: {  	[tilespmem:s13], [sflag:$0x1] =	stream.indirect.gather [hbm4b:s1+s11], $0x80, s12, s11, $0xb8;
	[tilespmem:$0x1E600] =	vst v63  }
0x2e: {  	v0 =	vld [tilespmem:$0x80];
	_ =	sdelay $0x1  }
0x2f: {  	v1 =	vld [tilespmem:$0x90];
	_ =	sdelay $0x1  }
0x30: {  	v2 =	vld [tilespmem:$0xA0]  }
0x31: {  	v3 =	vand.u32 $0x3FFF, v0  }
0x32: {  	v0 =	vshrl.u32 v0, $0xE;
	[tilespmem:$0x2880] =	vst v3;
	v3 =	vld [tilespmem:$0xB0]  }
0x33: {  	[tilespmem:$0x2980] =	vst v0;
	v0 =	vand.u32 $0x3FFF, v1  }
0x34: {  	[tilespmem:$0x2890] =	vst v0;
	v0 =	vshrl.u32 v1, $0xE;
	v1 =	vld [tilespmem:$0xC0]  }
0x35: {  	[tilespmem:$0x2990] =	vst v0;
	v0 =	vand.u32 $0x3FFF, v2  }
0x36: {  	[tilespmem:$0x28A0] =	vst v0;
	v0 =	vshrl.u32 v2, $0xE;
	v2 =	vld [tilespmem:$0xD0]  }
0x37: {  	[tilespmem:$0x29A0] =	vst v0;
	v0 =	vand.u32 $0x3FFF, v3  }
0x38: {  	[tilespmem:$0x28B0] =	vst v0;
	v0 =	vshrl.u32 v3, $0xE;
	v3 =	vld [tilespmem:$0xE0]  }
0x39: {  	[tilespmem:$0x29B0] =	vst v0;
	v0 =	vand.u32 $0x3FFF, v1  }
0x3a: {  	[tilespmem:$0x28C0] =	vst v0;
	v0 =	vshrl.u32 v1, $0xE;
	v1 =	vld [tilespmem:$0xF0]  }
0x3b: {  	[tilespmem:$0x29C0] =	vst v0;
	v0 =	vand.u32 $0x3FFF, v2  }
0x3c: {  	[tilespmem:$0x28D0] =	vst v0;
	v0 =	vshrl.u32 v2, $0xE  }
0x3d: {  	[tilespmem:$0x29D0] =	vst v0;
	v0 =	vand.u32 $0x3FFF, v3  }
0x3e: {  	[tilespmem:$0x28E0] =	vst v0;
	v0 =	vshrl.u32 v3, $0xE  }
0x3f: {  	[tilespmem:$0x29E0] =	vst v0;
	v0 =	vand.u32 $0x3FFF, v1  }
0x40: {  	[tilespmem:$0x28F0] =	vst v0;
	v0 =	vshrl.u32 v1, $0xE  }
0x41: {  	[tilespmem:$0x29F0] =	vst v0  }
0x42: {  	[tilespmem:s15], [sflag:$0x2] =	stream.indirect.gather [hbm4b:s1+s11], $0x80, s14, s11, $0xb8;
	[tilespmem:$0x1E600] =	vst v63  }
0x43: {  	_ =	swait.ge [sflag:s16], $0x4000  }
0x44: {  	[sflag:s16] =	ssyncset.done $0x0  }
0x45: {  	[sflag:s16] =	ssyncadd.s32 $0xFFFFC000  }
0x46: {  	[bflag:$0x0] =	sbarrier.arrive $0xFFFF  }
0x47: {  	[spmem:s3] =	stream.indirect.scatter.add.f32 [tilespmem:s13], [sflag:$0x3], $0x80, s17, s11, $0xb8;
	[tilespmem:$0x1E600] =	vst v63  }
0x48: {  	_ =	swait.ge [sflag:s18], $0x4000  }
0x49: {  	[sflag:s18] =	ssyncset.done $0x0  }
0x4a: {  	s24 =	simm.s32 $0x1F0;
	[sflag:s18] =	ssyncadd.s32 $0xFFFFC000  }
0x4b: {  	v0 =	vld [tilespmem:s24+$0xFFFFFF10];
	_ =	sdelay $0x4  }
0x4c: {  	v1 =	vand.u32 $0x3FFF, v0  }
0x4d: {  	v0 =	vshrl.u32 v0, $0xE;
	[tilespmem:$0x2800] =	vst v1  }
0x4e: {  	[tilespmem:$0x2900] =	vst v0  }
0x4f: {  	v0 =	vld [tilespmem:s24+$0xFFFFFF20];
	_ =	sdelay $0x4  }
0x50: {  	v1 =	vand.u32 $0x3FFF, v0  }
0x51: {  	v0 =	vshrl.u32 v0, $0xE;
	[tilespmem:$0x2810] =	vst v1  }
0x52: {  	[tilespmem:$0x2910] =	vst v0  }
0x53: {  	v0 =	vld [tilespmem:s24+$0xFFFFFF30];
	_ =	sdelay $0x4  }
0x54: {  	v1 =	vand.u32 $0x3FFF, v0  }
0x55: {  	v0 =	vshrl.u32 v0, $0xE;
	[tilespmem:$0x2820] =	vst v1  }
0x56: {  	[tilespmem:$0x2920] =	vst v0  }
0x57: {  	v0 =	vld [tilespmem:s24+$0xFFFFFF40];
	_ =	sdelay $0x4  }
0x58: {  	v1 =	vand.u32 $0x3FFF, v0  }
0x59: {  	v0 =	vshrl.u32 v0, $0xE;
	[tilespmem:$0x2830] =	vst v1  }
0x5a: {  	[tilespmem:$0x2930] =	vst v0  }
0x5b: {  	v0 =	vld [tilespmem:s24+$0xFFFFFF50];
	_ =	sdelay $0x4  }
0x5c: {  	v1 =	vand.u32 $0x3FFF, v0  }
0x5d: {  	v0 =	vshrl.u32 v0, $0xE;
	[tilespmem:$0x2840] =	vst v1  }
0x5e: {  	[tilespmem:$0x2940] =	vst v0  }
0x5f: {  	v0 =	vld [tilespmem:s24+$0xFFFFFF60];
	_ =	sdelay $0x4  }
0x60: {  	v1 =	vand.u32 $0x3FFF, v0  }
0x61: {  	v0 =	vshrl.u32 v0, $0xE;
	[tilespmem:$0x2850] =	vst v1  }
0x62: {  	[tilespmem:$0x2950] =	vst v0  }
0x63: {  	v0 =	vld [tilespmem:s24+$0xFFFFFF70];
	_ =	sdelay $0x4  }
0x64: {  	v1 =	vand.u32 $0x3FFF, v0  }
0x65: {  	v0 =	vshrl.u32 v0, $0xE;
	[tilespmem:$0x2860] =	vst v1  }
0x66: {  	[tilespmem:$0x2960] =	vst v0  }
0x67: {  	v0 =	vld [tilespmem:s24+$0xFFFFFF80];
	_ =	sdelay $0x4  }
0x68: {  	v1 =	vand.u32 $0x3FFF, v0  }
0x69: {  	v0 =	vshrl.u32 v0, $0xE;
	[tilespmem:$0x2870] =	vst v1  }
0x6a: {  	[tilespmem:$0x2970] =	vst v0  }
0x6b: {  	[tilespmem:s13], [sflag:$0x1] =	stream.indirect.gather [hbm4b:s1+s11], $0x80, s12, s11, $0xb8;
	[tilespmem:$0x1E600] =	vst v63  }
0x6c: {  	_ =	swait.ge [sflag:s19], $0x4000  }
0x6d: {  	[sflag:s19] =	ssyncset.done $0x0  }
0x6e: {  	[sflag:s19] =	ssyncadd.s32 $0xFFFFC000  }
0x6f: {  	[spmem:s3] =	stream.indirect.scatter.add.f32 [tilespmem:s15], [sflag:$0x4], $0x80, s20, s11, $0xb8;
	[tilespmem:$0x1E600] =	vst v63  }
0x70: {  	_ =	swait.ge [sflag:s21], $0x4000  }
0x71: {  	[sflag:s21] =	ssyncset.done $0x0  }
0x72: {  	[sflag:s21] =	ssyncadd.s32 $0xFFFFC000  }
0x73: {  	v0 =	vld [tilespmem:s24+$0xFFFFFF90];
	_ =	sdelay $0x4  }
0x74: {  	v1 =	vand.u32 $0x3FFF, v0  }
0x75: {  	v0 =	vshrl.u32 v0, $0xE;
	[tilespmem:$0x2880] =	vst v1  }
0x76: {  	[tilespmem:$0x2980] =	vst v0  }
0x77: {  	v0 =	vld [tilespmem:s24+$0xFFFFFFA0];
	_ =	sdelay $0x4  }
0x78: {  	v1 =	vand.u32 $0x3FFF, v0  }
0x79: {  	v0 =	vshrl.u32 v0, $0xE;
	[tilespmem:$0x2890] =	vst v1  }
0x7a: {  	[tilespmem:$0x2990] =	vst v0  }
0x7b: {  	v0 =	vld [tilespmem:s24+$0xFFFFFFB0];
	_ =	sdelay $0x4  }
0x7c: {  	v1 =	vand.u32 $0x3FFF, v0  }
0x7d: {  	v0 =	vshrl.u32 v0, $0xE;
	[tilespmem:$0x28A0] =	vst v1  }
0x7e: {  	[tilespmem:$0x29A0] =	vst v0  }
0x7f: {  	v0 =	vld [tilespmem:s24+$0xFFFFFFC0];
	_ =	sdelay $0x4  }
0x80: {  	v1 =	vand.u32 $0x3FFF, v0  }
0x81: {  	v0 =	vshrl.u32 v0, $0xE;
	[tilespmem:$0x28B0] =	vst v1  }
0x82: {  	[tilespmem:$0x29B0] =	vst v0  }
0x83: {  	v0 =	vld [tilespmem:s24+$0xFFFFFFD0];
	_ =	sdelay $0x4  }
0x84: {  	v1 =	vand.u32 $0x3FFF, v0  }
0x85: {  	v0 =	vshrl.u32 v0, $0xE;
	[tilespmem:$0x28C0] =	vst v1  }
0x86: {  	[tilespmem:$0x29C0] =	vst v0  }
0x87: {  	v0 =	vld [tilespmem:s24+$0xFFFFFFE0];
	_ =	sdelay $0x4  }
0x88: {  	v1 =	vand.u32 $0x3FFF, v0  }
0x89: {  	v0 =	vshrl.u32 v0, $0xE;
	[tilespmem:$0x28D0] =	vst v1  }
0x8a: {  	[tilespmem:$0x29D0] =	vst v0  }
0x8b: {  	s25 =	simm.s32 $0xBC0;
	v0 =	vld [tilespmem:s24+$0xFFFFFFF0]  }
.LBB2_2:
0x8c: {  	_ =	sdelay $0x2  }
0x8d: {  	p0 =	sne.s32 s25, $0x9FC0;
	s26 =	smov.u32 s25;
	s25 =	sadd.s32 $0x400, s25  }
0x8e: {  	v1 =	vand.u32 $0x3FFF, v0;
	v0 =	vshrl.u32 v0, $0xE  }
0x8f: {  	[tilespmem:$0x28E0] =	vst v1  }
0x90: {  	[tilespmem:$0x29E0] =	vst v0  }
0x91: {  	v0 =	vld [tilespmem:s24+$0x0];
	_ =	sdelay $0x4  }
0x92: {  	v1 =	vand.u32 $0x3FFF, v0;
	v0 =	vshrl.u32 v0, $0xE  }
0x93: {  	[tilespmem:$0x28F0] =	vst v1  }
0x94: {  	[tilespmem:$0x29F0] =	vst v0  }
0x95: {  	[tilespmem:s15], [sflag:$0x2] =	stream.indirect.gather [hbm4b:s1+s11], $0x80, s14, s11, $0xb8;
	[tilespmem:$0x1E600] =	vst v63  }
0x96: {  	_ =	swait.ge [sflag:s16], $0x4000  }
0x97: {  	[sflag:s16] =	ssyncset.done $0x0  }
0x98: {  	[sflag:s16] =	ssyncadd.s32 $0xFFFFC000  }
0x99: {  	[spmem:s3] =	stream.indirect.scatter.add.f32 [tilespmem:s13], [sflag:$0x3], $0x80, s17, s11, $0xb8;
	[tilespmem:$0x1E600] =	vst v63  }
0x9a: {  	_ =	swait.ge [sflag:s18], $0x4000  }
0x9b: {  	[sflag:s18] =	ssyncset.done $0x0  }
0x9c: {  	s24 =	sshra.s32 s26, $0x2;
	[sflag:s18] =	ssyncadd.s32 $0xFFFFC000  }
0x9d: {  	v0 =	vld [tilespmem:s24+$0xFFFFFF10];
	_ =	sdelay $0x4  }
0x9e: {  	v1 =	vand.u32 $0x3FFF, v0;
	v0 =	vshrl.u32 v0, $0xE  }
0x9f: {  	[tilespmem:$0x2800] =	vst v1  }
0xa0: {  	[tilespmem:$0x2900] =	vst v0  }
0xa1: {  	v0 =	vld [tilespmem:s24+$0xFFFFFF20];
	_ =	sdelay $0x4  }
0xa2: {  	v1 =	vand.u32 $0x3FFF, v0;
	v0 =	vshrl.u32 v0, $0xE  }
0xa3: {  	[tilespmem:$0x2810] =	vst v1  }
0xa4: {  	[tilespmem:$0x2910] =	vst v0  }
0xa5: {  	v0 =	vld [tilespmem:s24+$0xFFFFFF30];
	_ =	sdelay $0x4  }
0xa6: {  	v1 =	vand.u32 $0x3FFF, v0;
	v0 =	vshrl.u32 v0, $0xE  }
0xa7: {  	[tilespmem:$0x2820] =	vst v1  }
0xa8: {  	[tilespmem:$0x2920] =	vst v0  }
0xa9: {  	v0 =	vld [tilespmem:s24+$0xFFFFFF40];
	_ =	sdelay $0x4  }
0xaa: {  	v1 =	vand.u32 $0x3FFF, v0;
	v0 =	vshrl.u32 v0, $0xE  }
0xab: {  	[tilespmem:$0x2830] =	vst v1  }
0xac: {  	[tilespmem:$0x2930] =	vst v0  }
0xad: {  	v0 =	vld [tilespmem:s24+$0xFFFFFF50];
	_ =	sdelay $0x4  }
0xae: {  	v1 =	vand.u32 $0x3FFF, v0;
	v0 =	vshrl.u32 v0, $0xE  }
0xaf: {  	[tilespmem:$0x2840] =	vst v1  }
0xb0: {  	[tilespmem:$0x2940] =	vst v0  }
0xb1: {  	v0 =	vld [tilespmem:s24+$0xFFFFFF60];
	_ =	sdelay $0x4  }
0xb2: {  	v1 =	vand.u32 $0x3FFF, v0;
	v0 =	vshrl.u32 v0, $0xE  }
0xb3: {  	[tilespmem:$0x2850] =	vst v1  }
0xb4: {  	[tilespmem:$0x2950] =	vst v0  }
0xb5: {  	v0 =	vld [tilespmem:s24+$0xFFFFFF70];
	_ =	sdelay $0x4  }
0xb6: {  	v1 =	vand.u32 $0x3FFF, v0;
	v0 =	vshrl.u32 v0, $0xE  }
0xb7: {  	[tilespmem:$0x2860] =	vst v1  }
0xb8: {  	[tilespmem:$0x2960] =	vst v0  }
0xb9: {  	v0 =	vld [tilespmem:s24+$0xFFFFFF80];
	_ =	sdelay $0x4  }
0xba: {  	v1 =	vand.u32 $0x3FFF, v0;
	v0 =	vshrl.u32 v0, $0xE  }
0xbb: {  	[tilespmem:$0x2870] =	vst v1  }
0xbc: {  	[tilespmem:$0x2970] =	vst v0  }
0xbd: {  	[tilespmem:s13], [sflag:$0x1] =	stream.indirect.gather [hbm4b:s1+s11], $0x80, s12, s11, $0xb8;
	[tilespmem:$0x1E600] =	vst v63  }
0xbe: {  	_ =	swait.ge [sflag:s19], $0x4000  }
0xbf: {  	[sflag:s19] =	ssyncset.done $0x0  }
0xc0: {  	[sflag:s19] =	ssyncadd.s32 $0xFFFFC000  }
0xc1: {  	[spmem:s3] =	stream.indirect.scatter.add.f32 [tilespmem:s15], [sflag:$0x4], $0x80, s20, s11, $0xb8;
	[tilespmem:$0x1E600] =	vst v63  }
0xc2: {  	_ =	swait.ge [sflag:s21], $0x4000  }
0xc3: {  	[sflag:s21] =	ssyncset.done $0x0  }
0xc4: {  	[sflag:s21] =	ssyncadd.s32 $0xFFFFC000  }
0xc5: {  	v0 =	vld [tilespmem:s24+$0xFFFFFF90];
	_ =	sdelay $0x4  }
0xc6: {  	v1 =	vand.u32 $0x3FFF, v0;
	v0 =	vshrl.u32 v0, $0xE  }
0xc7: {  	[tilespmem:$0x2880] =	vst v1  }
0xc8: {  	[tilespmem:$0x2980] =	vst v0  }
0xc9: {  	v0 =	vld [tilespmem:s24+$0xFFFFFFA0];
	_ =	sdelay $0x4  }
0xca: {  	v1 =	vand.u32 $0x3FFF, v0;
	v0 =	vshrl.u32 v0, $0xE  }
0xcb: {  	[tilespmem:$0x2890] =	vst v1  }
0xcc: {  	[tilespmem:$0x2990] =	vst v0  }
0xcd: {  	v0 =	vld [tilespmem:s24+$0xFFFFFFB0];
	_ =	sdelay $0x4  }
0xce: {  	v1 =	vand.u32 $0x3FFF, v0;
	v0 =	vshrl.u32 v0, $0xE  }
0xcf: {  	[tilespmem:$0x28A0] =	vst v1  }
0xd0: {  	[tilespmem:$0x29A0] =	vst v0  }
0xd1: {  	v0 =	vld [tilespmem:s24+$0xFFFFFFC0];
	_ =	sdelay $0x4  }
0xd2: {  	v1 =	vand.u32 $0x3FFF, v0;
	v0 =	vshrl.u32 v0, $0xE  }
0xd3: {  	[tilespmem:$0x28B0] =	vst v1  }
0xd4: {  	[tilespmem:$0x29B0] =	vst v0  }
0xd5: {  	v0 =	vld [tilespmem:s24+$0xFFFFFFD0];
	_ =	sdelay $0x4  }
0xd6: {  	v1 =	vand.u32 $0x3FFF, v0;
	v0 =	vshrl.u32 v0, $0xE  }
0xd7: {  	[tilespmem:$0x28C0] =	vst v1  }
0xd8: {  	[tilespmem:$0x29C0] =	vst v0  }
0xd9: {  	v0 =	vld [tilespmem:s24+$0xFFFFFFE0];
	_ =	sdelay $0x3  }
.Ltmp0:
0xda: {  	(pc) =	sbr.rel @p0 .LBB2_2-.Ltmp0, $4  }
0xdb: {  	v1 =	vand.u32 $0x3FFF, v0;
	v0 =	vshrl.u32 v0, $0xE  }
0xdc: {  	[tilespmem:$0x28D0] =	vst v1  }
0xdd: {  	[tilespmem:$0x29D0] =	vst v0  }
0xde: {  	v0 =	vld [tilespmem:s24+$0xFFFFFFF0]  }
0xdf: {  	_ =	sdelay $0x3  }
0xe0: {  	v1 =	vand.u32 $0x3FFF, v0  }
0xe1: {  	v62 =	vshrl.u32 v0, $0xE;
	[tilespmem:$0x28E0] =	vst v1  }
0xe2: {  	[tilespmem:$0x29E0] =	vst v62  }
0xe3: {  	v0 =	vld [tilespmem:s24+$0x0];
	_ =	sdelay $0x4  }
0xe4: {  	v63 =	vand.u32 $0x3FFF, v0  }
0xe5: {  	v0 =	vshrl.u32 v0, $0xE;
	[tilespmem:$0x28F0] =	vst v63  }
0xe6: {  	[tilespmem:$0x29F0] =	vst v0  }
0xe7: {  	[tilespmem:s15], [sflag:$0x2] =	stream.indirect.gather [hbm4b:s1+s11], $0x80, s14, s11, $0xb8;
	[tilespmem:$0x1E600] =	vst v63  }
0xe8: {  	_ =	swait.ge [sflag:s16], $0x4000  }
0xe9: {  	[sflag:s16] =	ssyncset.done $0x0  }
0xea: {  	[sflag:s16] =	ssyncadd.s32 $0xFFFFC000  }
0xeb: {  	[spmem:s3] =	stream.indirect.scatter.add.f32 [tilespmem:s13], [sflag:$0x3], $0x80, s17, s11, $0xb8;
	[tilespmem:$0x1E600] =	vst v63  }
0xec: {  	_ =	swait.ge [sflag:s19], $0x4000  }
0xed: {  	[sflag:s19] =	ssyncset.done $0x0  }
0xee: {  	[sflag:s19] =	ssyncadd.s32 $0xFFFFC000  }
0xef: {  	[spmem:s3] =	stream.indirect.scatter.add.f32 [tilespmem:s15], [sflag:$0x4], $0x80, s20, s11, $0xb8;
	[tilespmem:$0x1E600] =	vst v63  }
0xf0: {  	_ =	swait.ge [sflag:s18], $0x4000  }
0xf1: {  	[sflag:s18] =	ssyncset.done $0x0  }
0xf2: {  	[sflag:s18] =	ssyncadd.s32 $0xFFFFC000  }
0xf3: {  	_ =	swait.ge [sflag:s21], $0x4000  }
0xf4: {  	s23 =	sadd.s32 $0x1, s23;
	[sflag:s21] =	ssyncset.done $0x0  }
0xf5: {  	p0 =	sne.s32 s23, s8;
	[sflag:s21] =	ssyncadd.s32 $0xFFFFC000  }
.Ltmp1:
0xf6: {  	[bflag:$0x0] =	sbarrier.arrive $0xFFFF;
	(pc) =	sbr.rel @p0 .LBB2_1-.Ltmp1, $4  }
0xf7: {  	[hbm:s22], [sflag:s6] =	dma.local [spmem:s9], $0x2780  }
0xf8: {  	_ =	swait.ge [sflag:s10], $0x2780  }
0xf9: {  	[sflag:s10] =	ssyncset.done $0x0  }
0xfa: {  	[sflag:s10] =	ssyncadd.s32 $0xFFFFD880  }
0xfb: {  	_ =	sfence.sel $0x180000  }
0xfc: {  	[bflag:$0x0] =	sbarrier.arrive $0xFFFF  }
0xfd: {  	p0 =	sne.s32 s0, $0x0;
	_ =	strace $0x9000004A  }
0xfe: {  	s0 =	sadd.s32 @!p0 $0x100000, s2;
	[bflag:$0x2] =	sbarrier.arrive $0xFFFF  }
0xff: {  	[sflag:s0] =	ssyncadd.tile.s32 @!p0 $0x1;
	_ =	shalt  }
.Lfunc_end2:
_tile_overlayer_lowered:
.L_overlay_start_2:
0x100: {  	(tag) =	ssettag $0x2  }
0x101: {  	s0 =	rddreg [dreg:$0x0];
	s2 =	stileid.u32  }
0x102: {  	s1 =	rddreg [dreg:$0x1];
	p0 =	sne.s32 s2, $0x0  }
0x103: {  	s3 =	rddreg [dreg:$0x2];
	[bflag:$0x3] =	sbarrier.arrive $0xFFFF;
	s2 =	simm.s32 @!p0 $0x1C05  }
0x104: {  	[timem:s3], [sflag:s2] =	dma.local @!p0 [hbm:s0], s1  }
0x105: {  	s0 =	simm.s32 @!p0 $0x5  }
0x106: {  	_ =	swait.ge @!p0 [sflag:s0], s1  }
0x107: {  	s1 =	ssub.s32 @!p0 $0x0, s1;
	[sflag:s0] =	ssyncset.done @!p0 $0x0  }
0x108: {  	[sflag:s0] =	ssyncadd.s32 @!p0 s1  }
0x109: {  	[bflag:$0x3] =	sbarrier.arrive $0xFFFF  }
0x10a: {  	_ =	shalt  }

</sc_bundles>
